<compile_context>
chip_gen: v7x
topology: tpu7x:2x2x1
jax: 0.10.2.dev20260603
libtpu: 0.0.44.dev20260713+nightly
codegen_flags: <defaults>
</compile_context>

<pallas_src>
import functools

import jax
import jax.numpy as jnp
from jax import lax
from jax.experimental import pallas as pl
from jax.experimental.pallas import tpu as pltpu
from jax.experimental.pallas import tpu_sc as plsc

EMSIZE = 1024
NHEADS = 16
NHID = 2048
NEXP = 8
B = 2
S = 2048
HD = EMSIZE // NHEADS
T = B * S
LN_EPS = 1e-5

PAIRS = 2 * T
BLK_M = 128
N_SLOTS = PAIRS + NEXP * BLK_M
NBLK = N_SLOTS // BLK_M
CH = 512

NCORE = 2
NSUB = 16
NW = NCORE * NSUB
DROW = 32
PPT = PAIRS // NW
DCH = PPT // DROW
TPT = T // NW
GCH = TPT // DROW


def _dot_t(x, w):
    return jax.lax.dot_general(
        x, w, (((1,), (1,)), ((), ())), preferred_element_type=jnp.float32)


def _qkv_body(x_ref, w_ref, b_ref, o_ref):
    o_ref[...] = _dot_t(x_ref[...], w_ref[...]) + b_ref[...]


def _qkv_proj(xt, Wqkv, bqkv):
    blk = 512
    return pl.pallas_call(
        _qkv_body,
        grid=(T // blk,),
        in_specs=[
            pl.BlockSpec((blk, EMSIZE), lambda i: (i, 0)),
            pl.BlockSpec((3 * EMSIZE, EMSIZE), lambda i: (0, 0)),
            pl.BlockSpec((1, 3 * EMSIZE), lambda i: (0, 0)),
        ],
        out_specs=pl.BlockSpec((blk, 3 * EMSIZE), lambda i: (i, 0)),
        out_shape=jax.ShapeDtypeStruct((T, 3 * EMSIZE), jnp.float32),
    )(xt, Wqkv, bqkv.reshape(1, -1))


HPB = 8


def _att_body(q_ref, k_ref, v_ref, o_ref):
    outs = []
    for j in range(HPB):
        q = q_ref[:, j * HD:(j + 1) * HD]
        k = k_ref[:, j * HD:(j + 1) * HD]
        v = v_ref[:, j * HD:(j + 1) * HD]
        att = _dot_t(q, k) * (1.0 / (HD ** 0.5))
        e = jnp.exp(att)
        s = jnp.sum(e, axis=-1, keepdims=True)
        outs.append(jnp.dot(e, v, preferred_element_type=jnp.float32) / s)
    o_ref[...] = jnp.concatenate(outs, axis=-1)


def _attention(qkv):
    blk = 512
    nblk = S // blk
    nhb = NHEADS // HPB
    return pl.pallas_call(
        _att_body,
        grid=(B, nhb, nblk),
        in_specs=[
            pl.BlockSpec((blk, HPB * HD), lambda b, h, i: (b * nblk + i, h)),
            pl.BlockSpec((S, HPB * HD), lambda b, h, i: (b, nhb + h)),
            pl.BlockSpec((S, HPB * HD), lambda b, h, i: (b, 2 * nhb + h)),
        ],
        out_specs=pl.BlockSpec((blk, HPB * HD),
                               lambda b, h, i: (b * nblk + i, h)),
        out_shape=jax.ShapeDtypeStruct((T, EMSIZE), jnp.float32),
    )(qkv, qkv, qkv)


PLBLK = 512


def _proj_ln_body(o_ref, w_ref, b_ref, x_ref, g_ref, bb_ref, wg_ref,
                  h_ref, dst_ref, gate_ref, be_ref, lg_scr):
    i = pl.program_id(0)
    y = _dot_t(o_ref[...], w_ref[...]) + b_ref[...] + x_ref[...]
    m = jnp.mean(y, axis=-1, keepdims=True)
    c = y - m
    v = jnp.mean(c * c, axis=-1, keepdims=True)
    h = c * jax.lax.rsqrt(v + LN_EPS) * g_ref[...] + bb_ref[...]
    h_ref[...] = h
    lg_scr[pl.ds(i * PLBLK, PLBLK), :] = jnp.dot(
        h, wg_ref[...], preferred_element_type=jnp.float32)

    @pl.when(i == T // PLBLK - 1)
    def _route():
        _router_math(lg_scr[...], dst_ref, gate_ref, be_ref)


def _proj_ln(o, Wout, bout, xt, g, b, Wg):
    blk = PLBLK
    return pl.pallas_call(
        _proj_ln_body,
        grid=(T // blk,),
        in_specs=[
            pl.BlockSpec((blk, EMSIZE), lambda i: (i, 0)),
            pl.BlockSpec((EMSIZE, EMSIZE), lambda i: (0, 0)),
            pl.BlockSpec((1, EMSIZE), lambda i: (0, 0)),
            pl.BlockSpec((blk, EMSIZE), lambda i: (i, 0)),
            pl.BlockSpec((1, EMSIZE), lambda i: (0, 0)),
            pl.BlockSpec((1, EMSIZE), lambda i: (0, 0)),
            pl.BlockSpec((EMSIZE, NEXP), lambda i: (0, 0)),
        ],
        out_specs=[
            pl.BlockSpec((blk, EMSIZE), lambda i: (i, 0)),
            pl.BlockSpec((PAIRS, 1), lambda i: (0, 0)),
            pl.BlockSpec((PAIRS, 1), lambda i: (0, 0)),
            pl.BlockSpec((NBLK, 1), lambda i: (0, 0)),
        ],
        out_shape=[
            jax.ShapeDtypeStruct((T, EMSIZE), jnp.float32),
            jax.ShapeDtypeStruct((PAIRS, 1), jnp.int32),
            jax.ShapeDtypeStruct((PAIRS, 1), jnp.float32),
            jax.ShapeDtypeStruct((NBLK, 1), jnp.int32),
        ],
        scratch_shapes=[pltpu.VMEM((T, NEXP), jnp.float32)],
    )(o, Wout, bout.reshape(1, -1), xt, g.reshape(1, -1), b.reshape(1, -1),
      Wg)


def _router_math(lg, dst_ref, gate_ref, be_ref):
    mx = jnp.max(lg, axis=-1, keepdims=True)
    ex = jnp.exp(lg - mx)
    probs = ex / jnp.sum(ex, axis=-1, keepdims=True)
    cols = jax.lax.broadcasted_iota(jnp.int32, probs.shape, 1)
    v1 = jnp.max(probs, axis=-1, keepdims=True)
    i1 = jnp.min(jnp.where(probs == v1, cols, NEXP), axis=-1, keepdims=True)
    masked = jnp.where(cols == i1, -1.0, probs)
    v2 = jnp.max(masked, axis=-1, keepdims=True)
    i2 = jnp.min(jnp.where(masked == v2, cols, NEXP), axis=-1, keepdims=True)
    den = v1 + v2 + 1e-9
    g1 = v1 / den
    g2 = v2 / den

    oh1 = (cols == i1).astype(jnp.float32)
    oh2 = (cols == i2).astype(jnp.float32)
    oh = jnp.concatenate([oh1, oh2], axis=0)

    r = jax.lax.broadcasted_iota(jnp.int32, (CH, CH), 0)
    c = jax.lax.broadcasted_iota(jnp.int32, (CH, CH), 1)
    trils = (c < r).astype(jnp.float32)
    run = jnp.zeros((1, NEXP), jnp.float32)
    ranks = []
    for ci in range(PAIRS // CH):
        blk = oh[ci * CH:(ci + 1) * CH]
        ranks.append(
            jnp.dot(trils, blk, preferred_element_type=jnp.float32) + run)
        run = run + jnp.sum(blk, axis=0, keepdims=True)
    rank = jnp.concatenate(ranks, axis=0)
    counts = run

    padded = jnp.ceil(counts * (1.0 / BLK_M)) * BLK_M
    er = jax.lax.broadcasted_iota(jnp.int32, (NEXP, NEXP), 0)
    ec = jax.lax.broadcasted_iota(jnp.int32, (NEXP, NEXP), 1)
    ustrict = (er < ec).astype(jnp.float32)
    gs = jnp.dot(padded, ustrict, preferred_element_type=jnp.float32,
                 precision=jax.lax.Precision.HIGHEST)

    dstf = jnp.sum(oh * (gs + rank), axis=-1, keepdims=True)
    dst_ref[...] = dstf.astype(jnp.int32)
    gate_ref[...] = jnp.concatenate([g1, g2], axis=0)

    bi = (jax.lax.broadcasted_iota(jnp.int32, (NBLK, NEXP), 0)
          .astype(jnp.float32) * BLK_M)
    gsb = jnp.broadcast_to(gs, (NBLK, NEXP))
    be = jnp.sum((gsb <= bi + 0.5).astype(jnp.float32), axis=-1,
                 keepdims=True) - 1.0
    be_ref[...] = be.astype(jnp.int32)


def _make_dispatch():
    mesh = plsc.VectorSubcoreMesh(core_axis_name="c", subcore_axis_name="s")

    @functools.partial(
        pl.kernel,
        mesh=mesh,
        out_type=jax.ShapeDtypeStruct((N_SLOTS, EMSIZE), jnp.float32),
        scratch_types=[
            pltpu.VMEM((DCH, DROW), jnp.int32),
            pltpu.VMEM((2, DROW, EMSIZE), jnp.float32),
            pltpu.SemaphoreType.DMA,
        ],
    )
    def disp(h_hbm, dst_hbm, buf_hbm, idx_v, rows_v, sem):
        wid = lax.axis_index("s") * NCORE + lax.axis_index("c")
        base_pair = wid * PPT
        tok_base = base_pair % T
        pltpu.sync_copy(dst_hbm.at[pl.ds(wid * DCH, DCH)], idx_v)
        hw = [None] * DCH
        for ci in range(DCH):
            if ci >= 2:
                hw[ci - 2].wait()
            pltpu.sync_copy(h_hbm.at[pl.ds(tok_base + ci * DROW, DROW)],
                            rows_v.at[ci % 2])
            hw[ci] = pltpu.async_copy(rows_v.at[ci % 2],
                                      buf_hbm.at[idx_v.at[ci]], sem)
        hw[DCH - 2].wait()
        hw[DCH - 1].wait()

    return disp


_make_dispatch = functools.lru_cache(maxsize=1)(_make_dispatch)


def _make_combine():
    mesh = plsc.VectorSubcoreMesh(core_axis_name="c", subcore_axis_name="s")

    @functools.partial(
        pl.kernel,
        mesh=mesh,
        out_type=(
            jax.ShapeDtypeStruct((T, EMSIZE), jnp.float32),
            jax.ShapeDtypeStruct((T, EMSIZE), jnp.float32),
        ),
        scratch_types=[
            pltpu.VMEM((2 * GCH, DROW), jnp.int32),
            pltpu.VMEM((2, DROW, EMSIZE), jnp.float32),
            pltpu.SemaphoreType.DMA,
            pltpu.SemaphoreType.DMA,
        ],
    )
    def comb(y_hbm, dst_hbm, ya_hbm, yb_hbm, idx_v, rows_v, rsem, wsem):
        wid = lax.axis_index("s") * NCORE + lax.axis_index("c")
        tok_base = wid * TPT
        rowa = wid * GCH
        rowb = T // DROW + wid * GCH
        pltpu.sync_copy(dst_hbm.at[pl.ds(rowa, GCH)], idx_v.at[pl.ds(0, GCH)])
        pltpu.sync_copy(dst_hbm.at[pl.ds(rowb, GCH)],
                        idx_v.at[pl.ds(GCH, GCH)])
        nch = 2 * GCH
        hw = [None] * nch
        for ci in range(nch):
            out_hbm = ya_hbm if ci < GCH else yb_hbm
            row0 = tok_base + (ci % GCH) * DROW
            if ci >= 2:
                hw[ci - 2].wait()
            pltpu.async_copy(y_hbm.at[idx_v.at[ci]], rows_v.at[ci % 2],
                             rsem).wait()
            hw[ci] = pltpu.async_copy(rows_v.at[ci % 2],
                                      out_hbm.at[pl.ds(row0, DROW)], wsem)
        hw[nch - 2].wait()
        hw[nch - 1].wait()

    return comb


_make_combine = functools.lru_cache(maxsize=1)(_make_combine)


def _ffn_body(be_ref, x_ref, w1_ref, b1_ref, w2_ref, b2_ref, y_ref):
    hid = jnp.maximum(
        jnp.dot(x_ref[...].astype(jnp.bfloat16), w1_ref[0],
                preferred_element_type=jnp.float32)
        + b1_ref[0],
        0.0,
    )
    y_ref[...] = (
        jnp.dot(hid.astype(jnp.bfloat16), w2_ref[0],
                preferred_element_type=jnp.float32)
        + b2_ref[0]
    )


def _ffn(buf, W1, b1, W2, b2, be):
    grid_spec = pltpu.PrefetchScalarGridSpec(
        num_scalar_prefetch=1,
        grid=(NBLK,),
        in_specs=[
            pl.BlockSpec((BLK_M, EMSIZE), lambda i, be_r: (i, 0)),
            pl.BlockSpec((1, EMSIZE, NHID), lambda i, be_r: (be_r[i], 0, 0)),
            pl.BlockSpec((1, 1, NHID), lambda i, be_r: (be_r[i], 0, 0)),
            pl.BlockSpec((1, NHID, EMSIZE), lambda i, be_r: (be_r[i], 0, 0)),
            pl.BlockSpec((1, 1, EMSIZE), lambda i, be_r: (be_r[i], 0, 0)),
        ],
        out_specs=pl.BlockSpec((BLK_M, EMSIZE), lambda i, be_r: (i, 0)),
    )
    return pl.pallas_call(
        _ffn_body,
        grid_spec=grid_spec,
        out_shape=jax.ShapeDtypeStruct((N_SLOTS, EMSIZE), jnp.float32),
    )(be, buf, W1, b1.reshape(NEXP, 1, NHID), W2,
      b2.reshape(NEXP, 1, EMSIZE))


def _ln2_body(h_ref, ya_ref, yb_ref, g1_ref, g2_ref, g_ref, bb_ref, out_ref):
    z = (h_ref[...] + g1_ref[...] * ya_ref[...]
         + g2_ref[...] * yb_ref[...])
    m = jnp.mean(z, axis=-1, keepdims=True)
    cm = z - m
    v = jnp.mean(cm * cm, axis=-1, keepdims=True)
    out_ref[...] = cm * jax.lax.rsqrt(v + LN_EPS) * g_ref[...] + bb_ref[...]


def _ln2(h, ya, yb, g1, g2, g, b):
    blk = 512
    return pl.pallas_call(
        _ln2_body,
        grid=(T // blk,),
        in_specs=[
            pl.BlockSpec((blk, EMSIZE), lambda i: (i, 0)),
            pl.BlockSpec((blk, EMSIZE), lambda i: (i, 0)),
            pl.BlockSpec((blk, EMSIZE), lambda i: (i, 0)),
            pl.BlockSpec((blk, 1), lambda i: (i, 0)),
            pl.BlockSpec((blk, 1), lambda i: (i, 0)),
            pl.BlockSpec((1, EMSIZE), lambda i: (0, 0)),
            pl.BlockSpec((1, EMSIZE), lambda i: (0, 0)),
        ],
        out_specs=pl.BlockSpec((blk, EMSIZE), lambda i: (i, 0)),
        out_shape=jax.ShapeDtypeStruct((T, EMSIZE), jnp.float32),
    )(h, ya, yb, g1, g2, g.reshape(1, -1), b.reshape(1, -1))


def kernel(x, Wqkv, bqkv, Wout, bout, ln1_g, ln1_b, ln2_g, ln2_b, Wg, W1, b1,
           W2, b2):
    xt = x.reshape(T, EMSIZE)
    qkv = _qkv_proj(xt, Wqkv, bqkv)
    o = _attention(qkv)
    h, dst, gates, be = _proj_ln(o, Wout, bout, xt, ln1_g, ln1_b, Wg)
    dst2 = dst.reshape(PAIRS // DROW, DROW)
    buf = _make_dispatch()(h, dst2)
    y = _ffn(buf, W1.astype(jnp.bfloat16), b1, W2.astype(jnp.bfloat16), b2,
             be.reshape(NBLK))
    ya, yb = _make_combine()(y, dst2)
    g1 = gates[:T]
    g2 = gates[T:]
    out = _ln2(h, ya, yb, g1, g2, ln2_g, ln2_b)
    return out.reshape(B, S, EMSIZE)

# --- scband reference (transcript-rebuilt; emitter-appended) ---
"""Pipeline reference for scband-top2-transformer-encoder-layer-1967095022274 (READ-ONLY COPY).

The authoritative reference and input builder live on the scoring server;
editing this copy changes nothing except your own understanding.
"""

import jax, jax.numpy as jnp
import numpy as np

EMSIZE = 1024
NHEADS = 16
NHID = 2048
NEXP = 8
TOPK = 2
B = 2
S = 2048


def setup_inputs(seed: int = 0) -> dict:
    key = jax.random.key(seed)
    ks = jax.random.split(key, 8)
    d = EMSIZE
    inp = {}
    inp["x"] = jax.random.normal(ks[0], (B, S, d), dtype=jnp.float32)
    inp["Wqkv"] = jax.random.normal(ks[1], (3 * d, d), dtype=jnp.float32) * 0.02
    inp["bqkv"] = jnp.zeros((3 * d,), jnp.float32)
    inp["Wout"] = jax.random.normal(ks[2], (d, d), dtype=jnp.float32) * 0.02
    inp["bout"] = jnp.zeros((d,), jnp.float32)
    inp["ln1_g"] = jnp.ones((d,), jnp.float32)
    inp["ln1_b"] = jnp.zeros((d,), jnp.float32)
    inp["ln2_g"] = jnp.ones((d,), jnp.float32)
    inp["ln2_b"] = jnp.zeros((d,), jnp.float32)
    inp["Wg"] = jax.random.normal(ks[3], (d, NEXP), dtype=jnp.float32) * 0.02
    inp["W1"] = jax.random.normal(ks[4], (NEXP, d, NHID), dtype=jnp.float32) * 0.02
    inp["b1"] = jnp.zeros((NEXP, NHID), jnp.float32)
    inp["W2"] = jax.random.normal(ks[5], (NEXP, NHID, d), dtype=jnp.float32) * 0.02
    inp["b2"] = jnp.zeros((NEXP, d), jnp.float32)
    return inp


def _layer_norm(x, g, b, eps=1e-5):
    m = jnp.mean(x, axis=-1, keepdims=True)
    v = jnp.var(x, axis=-1, keepdims=True)
    return (x - m) / jnp.sqrt(v + eps) * g + b


def _mha(x, Wqkv, bqkv, Wout, bout):
    Bb, Ss, d = x.shape
    hd = d // NHEADS
    qkv = x @ Wqkv.T + bqkv
    q, k, v = jnp.split(qkv, 3, axis=-1)
    def rs(t):
        return t.reshape(Bb, Ss, NHEADS, hd).transpose(0, 2, 1, 3)
    q, k, v = rs(q), rs(k), rs(v)
    att = (q @ k.transpose(0, 1, 3, 2)) / jnp.sqrt(jnp.float32(hd))
    att = jax.nn.softmax(att, axis=-1)
    o = (att @ v).transpose(0, 2, 1, 3).reshape(Bb, Ss, d)
    return o @ Wout.T + bout


def _moe(x, Wg, W1, b1, W2, b2):
    Bb, Ss, d = x.shape
    T = Bb * Ss
    xt = x.reshape(T, d)
    logits = xt @ Wg
    probs = jax.nn.softmax(logits, axis=-1)
    top_vals, top_idx = jax.lax.top_k(probs, TOPK)
    denom = jnp.sum(top_vals, axis=-1, keepdims=True) + 1e-9
    gates = top_vals / denom
    comb = jnp.zeros((T, NEXP), xt.dtype)
    comb = comb.at[jnp.arange(T)[:, None], top_idx].add(gates)
    h = jax.nn.relu(jnp.einsum('td,edf->etf', xt, W1) + b1[:, None, :])
    y = jnp.einsum('etf,efd->etd', h, W2) + b2[:, None, :]
    out = jnp.einsum('te,etd->td', comb, y)
    return out.reshape(Bb, Ss, d)


def reference(x, Wqkv, bqkv, Wout, bout, ln1_g, ln1_b, ln2_g, ln2_b, Wg, W1, b1, W2, b2):
    h = _layer_norm(x + _mha(x, Wqkv, bqkv, Wout, bout), ln1_g, ln1_b)
    out = _layer_norm(h + _moe(h, Wg, W1, b1, W2, b2), ln2_g, ln2_b)
    return out

if __name__ == "__main__":
    import jax
    _d = setup_inputs()
    print(jax.jit(kernel)(*tuple(_d.values())))

</pallas_src>

<mosaic_0001>
#map = affine_map<(d0, d1) -> (0, 0)>
module attributes {stable_mosaic.version = 14 : i64} {
  func.func @disp(%arg0: i32, %arg1: i32, %arg2: memref<4096x1024xf32, #tpu.memory_space<hbm>>, %arg3: memref<256x32xi32, #tpu.memory_space<hbm>>, %arg4: memref<9216x1024xf32, #tpu.memory_space<hbm>>, %arg5: memref<8x32xi32, #tpu.memory_space<vmem>>, %arg6: memref<2x32x1024xf32, #tpu.memory_space<vmem>>, %arg7: memref<!tpu.dma_semaphore, #tpu.memory_space<semaphore_mem>>) attributes {dimension_semantics = [#tpu.dimension_semantics<core_parallel>, #tpu.dimension_semantics<subcore_parallel>], iteration_bounds = array<i64: 2, 16>, scalar_prefetch = 0 : i64, scratch_operands = 3 : i64, tpu.core_type = #tpu.core_type<sc_vector_subcore>, window_params = [{transform_indices = #map}, {transform_indices = #map}, {transform_indices = #map}]} {
    %mul3A = arith.constant 2 : i32
    %mul3A_0 = arith.muli %arg1, %mul3A : i32
    %add3A = arith.addi %mul3A_0, %arg0 : i32
    %mul3A_1 = arith.constant 256 : i32
    %mul3A_2 = arith.muli %add3A, %mul3A_1 : i32
    %jit3A = arith.constant 4096 : i32
    %eq3A = arith.constant 0 : i32
    %eq3A_3 = arith.cmpi eq, %jit3A, %eq3A : i32
    %jit3A_4 = arith.constant 1 : i32
    %select_n3A = arith.select %eq3A_3, %jit3A_4, %jit3A : i32
    %rem3A = arith.remsi %mul3A_2, %select_n3A : i32
    %ne3A = arith.constant 0 : i32
    %ne3A_5 = arith.cmpi ne, %rem3A, %ne3A : i32
    %lt3A = arith.constant 0 : i32
    %lt3A_6 = arith.cmpi slt, %rem3A, %lt3A : i32
    %lt3A_7 = arith.constant 0 : i32
    %lt3A_8 = arith.cmpi slt, %select_n3A, %lt3A_7 : i32
    %ne3A_9 = arith.xori %lt3A_6, %lt3A_8 : i1
    %and3A = arith.andi %ne3A_9, %ne3A_5 : i1
    %add3A_10 = arith.addi %rem3A, %select_n3A : i32
    %select_n3A_11 = arith.select %and3A, %add3A_10, %rem3A : i32
    %mul3A_12 = arith.constant 8 : i32
    %mul3A_13 = arith.muli %add3A, %mul3A_12 : i32
    "tpu.region"() ({
      %run_scoped3A_227 = tpu.sem_alloc : memref<!tpu.dma_semaphore, #tpu.memory_space<semaphore_mem>>
      %dma_start3A_228 = arith.constant 0 : i32
      %dma_start3A_229 = tpu.memref_slice %arg3[%mul3A_13, %dma_start3A_228] : memref<256x32xi32, #tpu.memory_space<hbm>> -> memref<8x32xi32, #tpu.memory_space<hbm>>
      %dma_start3A_230 = arith.constant 0 : i32
      %dma_start3A_231 = tpu.memref_slice %arg3[%mul3A_13, %dma_start3A_230] : memref<256x32xi32, #tpu.memory_space<hbm>> -> memref<8x32xi32, #tpu.memory_space<hbm>>
      tpu.enqueue_dma source(%dma_start3A_231 : memref<8x32xi32, #tpu.memory_space<hbm>>) target(%arg5 : memref<8x32xi32, #tpu.memory_space<vmem>>) target_semaphore(%run_scoped3A_227 : memref<!tpu.dma_semaphore, #tpu.memory_space<semaphore_mem>>)
      %dma_wait3A_232 = arith.constant 0 : i32
      %dma_wait3A_233 = tpu.memref_slice %arg3[%mul3A_13, %dma_wait3A_232] : memref<256x32xi32, #tpu.memory_space<hbm>> -> memref<8x32xi32, #tpu.memory_space<hbm>>
      %dma_wait3A_234 = arith.constant 0 : i32
      %dma_wait3A_235 = tpu.memref_slice %arg3[%mul3A_13, %dma_wait3A_234] : memref<256x32xi32, #tpu.memory_space<hbm>> -> memref<8x32xi32, #tpu.memory_space<hbm>>
      tpu.wait_dma2 semaphore(%run_scoped3A_227 : memref<!tpu.dma_semaphore, #tpu.memory_space<semaphore_mem>>) src(%dma_wait3A_235 : memref<8x32xi32, #tpu.memory_space<hbm>>) dst(%arg5 : memref<8x32xi32, #tpu.memory_space<vmem>>)
      tpu.yield
    }) : () -> ()
    %add3A_14 = arith.constant 0 : i32
    %add3A_15 = arith.addi %select_n3A_11, %add3A_14 : i32
    %run_scoped3A = arith.constant 0 : i32
    "tpu.region"() ({
      %run_scoped3A_227 = tpu.sem_alloc : memref<!tpu.dma_semaphore, #tpu.memory_space<semaphore_mem>>
      %dma_start3A_228 = arith.constant 0 : i32
      %dma_start3A_229 = arith.constant 0 : i32
      %dma_start3A_230 = tpu.memref_slice %arg6[%run_scoped3A, %dma_start3A_228, %dma_start3A_229] : memref<2x32x1024xf32, #tpu.memory_space<vmem>> -> memref<1x32x1024xf32, #tpu.memory_space<vmem>>
      %dma_start3A_231 = tpu.memref_squeeze %dma_start3A_230 : memref<1x32x1024xf32, #tpu.memory_space<vmem>> -> memref<32x1024xf32, #tpu.memory_space<vmem>>
      %dma_start3A_232 = arith.constant 0 : i32
      %dma_start3A_233 = tpu.memref_slice %arg2[%add3A_15, %dma_start3A_232] : memref<4096x1024xf32, #tpu.memory_space<hbm>> -> memref<32x1024xf32, #tpu.memory_space<hbm>>
      %dma_start3A_234 = arith.constant 0 : i32
      %dma_start3A_235 = arith.constant 0 : i32
      %dma_start3A_236 = tpu.memref_slice %arg6[%run_scoped3A, %dma_start3A_234, %dma_start3A_235] : memref<2x32x1024xf32, #tpu.memory_space<vmem>> -> memref<1x32x1024xf32, #tpu.memory_space<vmem>>
      %dma_start3A_237 = tpu.memref_squeeze %dma_start3A_236 : memref<1x32x1024xf32, #tpu.memory_space<vmem>> -> memref<32x1024xf32, #tpu.memory_space<vmem>>
      %dma_start3A_238 = arith.constant 0 : i32
      %dma_start3A_239 = tpu.memref_slice %arg2[%add3A_15, %dma_start3A_238] : memref<4096x1024xf32, #tpu.memory_space<hbm>> -> memref<32x1024xf32, #tpu.memory_space<hbm>>
      tpu.enqueue_dma source(%dma_start3A_239 : memref<32x1024xf32, #tpu.memory_space<hbm>>) target(%dma_start3A_237 : memref<32x1024xf32, #tpu.memory_space<vmem>>) target_semaphore(%run_scoped3A_227 : memref<!tpu.dma_semaphore, #tpu.memory_space<semaphore_mem>>)
      %dma_wait3A_240 = arith.constant 0 : i32
      %dma_wait3A_241 = arith.constant 0 : i32
      %dma_wait3A_242 = tpu.memref_slice %arg6[%run_scoped3A, %dma_wait3A_240, %dma_wait3A_241] : memref<2x32x1024xf32, #tpu.memory_space<vmem>> -> memref<1x32x1024xf32, #tpu.memory_space<vmem>>
      %dma_wait3A_243 = tpu.memref_squeeze %dma_wait3A_242 : memref<1x32x1024xf32, #tpu.memory_space<vmem>> -> memref<32x1024xf32, #tpu.memory_space<vmem>>
      %dma_wait3A_244 = arith.constant 0 : i32
      %dma_wait3A_245 = tpu.memref_slice %arg2[%add3A_15, %dma_wait3A_244] : memref<4096x1024xf32, #tpu.memory_space<hbm>> -> memref<32x1024xf32, #tpu.memory_space<hbm>>
      %dma_wait3A_246 = arith.constant 0 : i32
      %dma_wait3A_247 = arith.constant 0 : i32
      %dma_wait3A_248 = tpu.memref_slice %arg6[%run_scoped3A, %dma_wait3A_246, %dma_wait3A_247] : memref<2x32x1024xf32, #tpu.memory_space<vmem>> -> memref<1x32x1024xf32, #tpu.memory_space<vmem>>
      %dma_wait3A_249 = tpu.memref_squeeze %dma_wait3A_248 : memref<1x32x1024xf32, #tpu.memory_space<vmem>> -> memref<32x1024xf32, #tpu.memory_space<vmem>>
      %dma_wait3A_250 = arith.constant 0 : i32
      %dma_wait3A_251 = tpu.memref_slice %arg2[%add3A_15, %dma_wait3A_250] : memref<4096x1024xf32, #tpu.memory_space<hbm>> -> memref<32x1024xf32, #tpu.memory_space<hbm>>
      tpu.wait_dma2 semaphore(%run_scoped3A_227 : memref<!tpu.dma_semaphore, #tpu.memory_space<semaphore_mem>>) src(%dma_wait3A_251 : memref<32x1024xf32, #tpu.memory_space<hbm>>) dst(%dma_wait3A_249 : memref<32x1024xf32, #tpu.memory_space<vmem>>)
      tpu.yield
    }) : () -> ()
    %dma_start3A = arith.constant 0 : i32
    %dma_start3A_16 = arith.constant 0 : i32
    %dma_start3A_17 = arith.constant 0 : i32
    %dma_start3A_18 = arith.constant 0 : i32
    %dma_start3A_19 = tpu.memref_slice %arg6[%dma_start3A, %dma_start3A_17, %dma_start3A_18] : memref<2x32x1024xf32, #tpu.memory_space<vmem>> -> memref<1x32x1024xf32, #tpu.memory_space<vmem>>
    %dma_start3A_20 = tpu.memref_squeeze %dma_start3A_19 : memref<1x32x1024xf32, #tpu.memory_space<vmem>> -> memref<32x1024xf32, #tpu.memory_space<vmem>>
    %dma_start3A_21 = arith.constant 0 : i32
    %dma_start3A_22 = tpu.memref_slice %arg5[%dma_start3A_16, %dma_start3A_21] : memref<8x32xi32, #tpu.memory_space<vmem>> -> memref<1x32xi32, #tpu.memory_space<vmem>>
    %dma_start3A_23 = tpu.memref_squeeze %dma_start3A_22 : memref<1x32xi32, #tpu.memory_space<vmem>> -> memref<32xi32, #tpu.memory_space<vmem>>
    %dma_start3A_24 = arith.constant 0 : i32
    %dma_start3A_25 = arith.constant 0 : i32
    %dma_start3A_26 = tpu.memref_slice %arg4[%dma_start3A_24, %dma_start3A_25] : memref<9216x1024xf32, #tpu.memory_space<hbm>> -> memref<9216x1024xf32, #tpu.memory_space<hbm>>
    tpu.enqueue_indirect_dma source(%dma_start3A_20 : memref<32x1024xf32, #tpu.memory_space<vmem>>) target(%dma_start3A_26 : memref<9216x1024xf32, #tpu.memory_space<hbm>>) offsets(%dma_start3A_23 : memref<32xi32, #tpu.memory_space<vmem>>) semaphore(%arg7 : memref<!tpu.dma_semaphore, #tpu.memory_space<semaphore_mem>>)
    %add3A_27 = arith.constant 32 : i32
    %add3A_28 = arith.addi %select_n3A_11, %add3A_27 : i32
    %run_scoped3A_29 = arith.constant 1 : i32
    "tpu.region"() ({
      %run_scoped3A_227 = tpu.sem_alloc : memref<!tpu.dma_semaphore, #tpu.memory_space<semaphore_mem>>
      %dma_start3A_228 = arith.constant 0 : i32
      %dma_start3A_229 = arith.constant 0 : i32
      %dma_start3A_230 = tpu.memref_slice %arg6[%run_scoped3A_29, %dma_start3A_228, %dma_start3A_229] : memref<2x32x1024xf32, #tpu.memory_space<vmem>> -> memref<1x32x1024xf32, #tpu.memory_space<vmem>>
      %dma_start3A_231 = tpu.memref_squeeze %dma_start3A_230 : memref<1x32x1024xf32, #tpu.memory_space<vmem>> -> memref<32x1024xf32, #tpu.memory_space<vmem>>
      %dma_start3A_232 = arith.constant 0 : i32
      %dma_start3A_233 = tpu.memref_slice %arg2[%add3A_28, %dma_start3A_232] : memref<4096x1024xf32, #tpu.memory_space<hbm>> -> memref<32x1024xf32, #tpu.memory_space<hbm>>
      %dma_start3A_234 = arith.constant 0 : i32
      %dma_start3A_235 = arith.constant 0 : i32
      %dma_start3A_236 = tpu.memref_slice %arg6[%run_scoped3A_29, %dma_start3A_234, %dma_start3A_235] : memref<2x32x1024xf32, #tpu.memory_space<vmem>> -> memref<1x32x1024xf32, #tpu.memory_space<vmem>>
      %dma_start3A_237 = tpu.memref_squeeze %dma_start3A_236 : memref<1x32x1024xf32, #tpu.memory_space<vmem>> -> memref<32x1024xf32, #tpu.memory_space<vmem>>
      %dma_start3A_238 = arith.constant 0 : i32
      %dma_start3A_239 = tpu.memref_slice %arg2[%add3A_28, %dma_start3A_238] : memref<4096x1024xf32, #tpu.memory_space<hbm>> -> memref<32x1024xf32, #tpu.memory_space<hbm>>
      tpu.enqueue_dma source(%dma_start3A_239 : memref<32x1024xf32, #tpu.memory_space<hbm>>) target(%dma_start3A_237 : memref<32x1024xf32, #tpu.memory_space<vmem>>) target_semaphore(%run_scoped3A_227 : memref<!tpu.dma_semaphore, #tpu.memory_space<semaphore_mem>>)
      %dma_wait3A_240 = arith.constant 0 : i32
      %dma_wait3A_241 = arith.constant 0 : i32
      %dma_wait3A_242 = tpu.memref_slice %arg6[%run_scoped3A_29, %dma_wait3A_240, %dma_wait3A_241] : memref<2x32x1024xf32, #tpu.memory_space<vmem>> -> memref<1x32x1024xf32, #tpu.memory_space<vmem>>
      %dma_wait3A_243 = tpu.memref_squeeze %dma_wait3A_242 : memref<1x32x1024xf32, #tpu.memory_space<vmem>> -> memref<32x1024xf32, #tpu.memory_space<vmem>>
      %dma_wait3A_244 = arith.constant 0 : i32
      %dma_wait3A_245 = tpu.memref_slice %arg2[%add3A_28, %dma_wait3A_244] : memref<4096x1024xf32, #tpu.memory_space<hbm>> -> memref<32x1024xf32, #tpu.memory_space<hbm>>
      %dma_wait3A_246 = arith.constant 0 : i32
      %dma_wait3A_247 = arith.constant 0 : i32
      %dma_wait3A_248 = tpu.memref_slice %arg6[%run_scoped3A_29, %dma_wait3A_246, %dma_wait3A_247] : memref<2x32x1024xf32, #tpu.memory_space<vmem>> -> memref<1x32x1024xf32, #tpu.memory_space<vmem>>
      %dma_wait3A_249 = tpu.memref_squeeze %dma_wait3A_248 : memref<1x32x1024xf32, #tpu.memory_space<vmem>> -> memref<32x1024xf32, #tpu.memory_space<vmem>>
      %dma_wait3A_250 = arith.constant 0 : i32
      %dma_wait3A_251 = tpu.memref_slice %arg2[%add3A_28, %dma_wait3A_250] : memref<4096x1024xf32, #tpu.memory_space<hbm>> -> memref<32x1024xf32, #tpu.memory_space<hbm>>
      tpu.wait_dma2 semaphore(%run_scoped3A_227 : memref<!tpu.dma_semaphore, #tpu.memory_space<semaphore_mem>>) src(%dma_wait3A_251 : memref<32x1024xf32, #tpu.memory_space<hbm>>) dst(%dma_wait3A_249 : memref<32x1024xf32, #tpu.memory_space<vmem>>)
      tpu.yield
    }) : () -> ()
    %dma_start3A_30 = arith.constant 1 : i32
    %dma_start3A_31 = arith.constant 1 : i32
    %dma_start3A_32 = arith.constant 0 : i32
    %dma_start3A_33 = arith.constant 0 : i32
    %dma_start3A_34 = tpu.memref_slice %arg6[%dma_start3A_30, %dma_start3A_32, %dma_start3A_33] : memref<2x32x1024xf32, #tpu.memory_space<vmem>> -> memref<1x32x1024xf32, #tpu.memory_space<vmem>>
    %dma_start3A_35 = tpu.memref_squeeze %dma_start3A_34 : memref<1x32x1024xf32, #tpu.memory_space<vmem>> -> memref<32x1024xf32, #tpu.memory_space<vmem>>
    %dma_start3A_36 = arith.constant 0 : i32
    %dma_start3A_37 = tpu.memref_slice %arg5[%dma_start3A_31, %dma_start3A_36] : memref<8x32xi32, #tpu.memory_space<vmem>> -> memref<1x32xi32, #tpu.memory_space<vmem>>
    %dma_start3A_38 = tpu.memref_squeeze %dma_start3A_37 : memref<1x32xi32, #tpu.memory_space<vmem>> -> memref<32xi32, #tpu.memory_space<vmem>>
    %dma_start3A_39 = arith.constant 0 : i32
    %dma_start3A_40 = arith.constant 0 : i32
    %dma_start3A_41 = tpu.memref_slice %arg4[%dma_start3A_39, %dma_start3A_40] : memref<9216x1024xf32, #tpu.memory_space<hbm>> -> memref<9216x1024xf32, #tpu.memory_space<hbm>>
    tpu.enqueue_indirect_dma source(%dma_start3A_35 : memref<32x1024xf32, #tpu.memory_space<vmem>>) target(%dma_start3A_41 : memref<9216x1024xf32, #tpu.memory_space<hbm>>) offsets(%dma_start3A_38 : memref<32xi32, #tpu.memory_space<vmem>>) semaphore(%arg7 : memref<!tpu.dma_semaphore, #tpu.memory_space<semaphore_mem>>)
    %dma_wait3A = arith.constant 0 : i32
    %dma_wait3A_42 = arith.constant 0 : i32
    %dma_wait3A_43 = arith.constant 0 : i32
    %dma_wait3A_44 = arith.constant 0 : i32
    %dma_wait3A_45 = tpu.memref_slice %arg6[%dma_wait3A, %dma_wait3A_43, %dma_wait3A_44] : memref<2x32x1024xf32, #tpu.memory_space<vmem>> -> memref<1x32x1024xf32, #tpu.memory_space<vmem>>
    %dma_wait3A_46 = tpu.memref_squeeze %dma_wait3A_45 : memref<1x32x1024xf32, #tpu.memory_space<vmem>> -> memref<32x1024xf32, #tpu.memory_space<vmem>>
    %dma_wait3A_47 = arith.constant 0 : i32
    %dma_wait3A_48 = tpu.memref_slice %arg5[%dma_wait3A_42, %dma_wait3A_47] : memref<8x32xi32, #tpu.memory_space<vmem>> -> memref<1x32xi32, #tpu.memory_space<vmem>>
    %dma_wait3A_49 = tpu.memref_squeeze %dma_wait3A_48 : memref<1x32xi32, #tpu.memory_space<vmem>> -> memref<32xi32, #tpu.memory_space<vmem>>
    %dma_wait3A_50 = arith.constant 0 : i32
    %dma_wait3A_51 = arith.constant 0 : i32
    %dma_wait3A_52 = tpu.memref_slice %arg4[%dma_wait3A_50, %dma_wait3A_51] : memref<9216x1024xf32, #tpu.memory_space<hbm>> -> memref<9216x1024xf32, #tpu.memory_space<hbm>>
    tpu.wait_indirect_dma semaphore(%arg7 : memref<!tpu.dma_semaphore, #tpu.memory_space<semaphore_mem>>) src(%dma_wait3A_46 : memref<32x1024xf32, #tpu.memory_space<vmem>>) dst(%dma_wait3A_52 : memref<9216x1024xf32, #tpu.memory_space<hbm>>)
    %add3A_53 = arith.constant 64 : i32
    %add3A_54 = arith.addi %select_n3A_11, %add3A_53 : i32
    %run_scoped3A_55 = arith.constant 0 : i32
    "tpu.region"() ({
      %run_scoped3A_227 = tpu.sem_alloc : memref<!tpu.dma_semaphore, #tpu.memory_space<semaphore_mem>>
      %dma_start3A_228 = arith.constant 0 : i32
      %dma_start3A_229 = arith.constant 0 : i32
      %dma_start3A_230 = tpu.memref_slice %arg6[%run_scoped3A_55, %dma_start3A_228, %dma_start3A_229] : memref<2x32x1024xf32, #tpu.memory_space<vmem>> -> memref<1x32x1024xf32, #tpu.memory_space<vmem>>
      %dma_start3A_231 = tpu.memref_squeeze %dma_start3A_230 : memref<1x32x1024xf32, #tpu.memory_space<vmem>> -> memref<32x1024xf32, #tpu.memory_space<vmem>>
      %dma_start3A_232 = arith.constant 0 : i32
      %dma_start3A_233 = tpu.memref_slice %arg2[%add3A_54, %dma_start3A_232] : memref<4096x1024xf32, #tpu.memory_space<hbm>> -> memref<32x1024xf32, #tpu.memory_space<hbm>>
      %dma_start3A_234 = arith.constant 0 : i32
      %dma_start3A_235 = arith.constant 0 : i32
      %dma_start3A_236 = tpu.memref_slice %arg6[%run_scoped3A_55, %dma_start3A_234, %dma_start3A_235] : memref<2x32x1024xf32, #tpu.memory_space<vmem>> -> memref<1x32x1024xf32, #tpu.memory_space<vmem>>
      %dma_start3A_237 = tpu.memref_squeeze %dma_start3A_236 : memref<1x32x1024xf32, #tpu.memory_space<vmem>> -> memref<32x1024xf32, #tpu.memory_space<vmem>>
      %dma_start3A_238 = arith.constant 0 : i32
      %dma_start3A_239 = tpu.memref_slice %arg2[%add3A_54, %dma_start3A_238] : memref<4096x1024xf32, #tpu.memory_space<hbm>> -> memref<32x1024xf32, #tpu.memory_space<hbm>>
      tpu.enqueue_dma source(%dma_start3A_239 : memref<32x1024xf32, #tpu.memory_space<hbm>>) target(%dma_start3A_237 : memref<32x1024xf32, #tpu.memory_space<vmem>>) target_semaphore(%run_scoped3A_227 : memref<!tpu.dma_semaphore, #tpu.memory_space<semaphore_mem>>)
      %dma_wait3A_240 = arith.constant 0 : i32
      %dma_wait3A_241 = arith.constant 0 : i32
      %dma_wait3A_242 = tpu.memref_slice %arg6[%run_scoped3A_55, %dma_wait3A_240, %dma_wait3A_241] : memref<2x32x1024xf32, #tpu.memory_space<vmem>> -> memref<1x32x1024xf32, #tpu.memory_space<vmem>>
      %dma_wait3A_243 = tpu.memref_squeeze %dma_wait3A_242 : memref<1x32x1024xf32, #tpu.memory_space<vmem>> -> memref<32x1024xf32, #tpu.memory_space<vmem>>
      %dma_wait3A_244 = arith.constant 0 : i32
      %dma_wait3A_245 = tpu.memref_slice %arg2[%add3A_54, %dma_wait3A_244] : memref<4096x1024xf32, #tpu.memory_space<hbm>> -> memref<32x1024xf32, #tpu.memory_space<hbm>>
      %dma_wait3A_246 = arith.constant 0 : i32
      %dma_wait3A_247 = arith.constant 0 : i32
      %dma_wait3A_248 = tpu.memref_slice %arg6[%run_scoped3A_55, %dma_wait3A_246, %dma_wait3A_247] : memref<2x32x1024xf32, #tpu.memory_space<vmem>> -> memref<1x32x1024xf32, #tpu.memory_space<vmem>>
      %dma_wait3A_249 = tpu.memref_squeeze %dma_wait3A_248 : memref<1x32x1024xf32, #tpu.memory_space<vmem>> -> memref<32x1024xf32, #tpu.memory_space<vmem>>
      %dma_wait3A_250 = arith.constant 0 : i32
      %dma_wait3A_251 = tpu.memref_slice %arg2[%add3A_54, %dma_wait3A_250] : memref<4096x1024xf32, #tpu.memory_space<hbm>> -> memref<32x1024xf32, #tpu.memory_space<hbm>>
      tpu.wait_dma2 semaphore(%run_scoped3A_227 : memref<!tpu.dma_semaphore, #tpu.memory_space<semaphore_mem>>) src(%dma_wait3A_251 : memref<32x1024xf32, #tpu.memory_space<hbm>>) dst(%dma_wait3A_249 : memref<32x1024xf32, #tpu.memory_space<vmem>>)
      tpu.yield
    }) : () -> ()
    %dma_start3A_56 = arith.constant 0 : i32
    %dma_start3A_57 = arith.constant 2 : i32
    %dma_start3A_58 = arith.constant 0 : i32
    %dma_start3A_59 = arith.constant 0 : i32
    %dma_start3A_60 = tpu.memref_slice %arg6[%dma_start3A_56, %dma_start3A_58, %dma_start3A_59] : memref<2x32x1024xf32, #tpu.memory_space<vmem>> -> memref<1x32x1024xf32, #tpu.memory_space<vmem>>
    %dma_start3A_61 = tpu.memref_squeeze %dma_start3A_60 : memref<1x32x1024xf32, #tpu.memory_space<vmem>> -> memref<32x1024xf32, #tpu.memory_space<vmem>>
    %dma_start3A_62 = arith.constant 0 : i32
    %dma_start3A_63 = tpu.memref_slice %arg5[%dma_start3A_57, %dma_start3A_62] : memref<8x32xi32, #tpu.memory_space<vmem>> -> memref<1x32xi32, #tpu.memory_space<vmem>>
    %dma_start3A_64 = tpu.memref_squeeze %dma_start3A_63 : memref<1x32xi32, #tpu.memory_space<vmem>> -> memref<32xi32, #tpu.memory_space<vmem>>
    %dma_start3A_65 = arith.constant 0 : i32
    %dma_start3A_66 = arith.constant 0 : i32
    %dma_start3A_67 = tpu.memref_slice %arg4[%dma_start3A_65, %dma_start3A_66] : memref<9216x1024xf32, #tpu.memory_space<hbm>> -> memref<9216x1024xf32, #tpu.memory_space<hbm>>
    tpu.enqueue_indirect_dma source(%dma_start3A_61 : memref<32x1024xf32, #tpu.memory_space<vmem>>) target(%dma_start3A_67 : memref<9216x1024xf32, #tpu.memory_space<hbm>>) offsets(%dma_start3A_64 : memref<32xi32, #tpu.memory_space<vmem>>) semaphore(%arg7 : memref<!tpu.dma_semaphore, #tpu.memory_space<semaphore_mem>>)
    %dma_wait3A_68 = arith.constant 1 : i32
    %dma_wait3A_69 = arith.constant 1 : i32
    %dma_wait3A_70 = arith.constant 0 : i32
    %dma_wait3A_71 = arith.constant 0 : i32
    %dma_wait3A_72 = tpu.memref_slice %arg6[%dma_wait3A_68, %dma_wait3A_70, %dma_wait3A_71] : memref<2x32x1024xf32, #tpu.memory_space<vmem>> -> memref<1x32x1024xf32, #tpu.memory_space<vmem>>
    %dma_wait3A_73 = tpu.memref_squeeze %dma_wait3A_72 : memref<1x32x1024xf32, #tpu.memory_space<vmem>> -> memref<32x1024xf32, #tpu.memory_space<vmem>>
    %dma_wait3A_74 = arith.constant 0 : i32
    %dma_wait3A_75 = tpu.memref_slice %arg5[%dma_wait3A_69, %dma_wait3A_74] : memref<8x32xi32, #tpu.memory_space<vmem>> -> memref<1x32xi32, #tpu.memory_space<vmem>>
    %dma_wait3A_76 = tpu.memref_squeeze %dma_wait3A_75 : memref<1x32xi32, #tpu.memory_space<vmem>> -> memref<32xi32, #tpu.memory_space<vmem>>
    %dma_wait3A_77 = arith.constant 0 : i32
    %dma_wait3A_78 = arith.constant 0 : i32
    %dma_wait3A_79 = tpu.memref_slice %arg4[%dma_wait3A_77, %dma_wait3A_78] : memref<9216x1024xf32, #tpu.memory_space<hbm>> -> memref<9216x1024xf32, #tpu.memory_space<hbm>>
    tpu.wait_indirect_dma semaphore(%arg7 : memref<!tpu.dma_semaphore, #tpu.memory_space<semaphore_mem>>) src(%dma_wait3A_73 : memref<32x1024xf32, #tpu.memory_space<vmem>>) dst(%dma_wait3A_79 : memref<9216x1024xf32, #tpu.memory_space<hbm>>)
    %add3A_80 = arith.constant 96 : i32
    %add3A_81 = arith.addi %select_n3A_11, %add3A_80 : i32
    %run_scoped3A_82 = arith.constant 1 : i32
    "tpu.region"() ({
      %run_scoped3A_227 = tpu.sem_alloc : memref<!tpu.dma_semaphore, #tpu.memory_space<semaphore_mem>>
      %dma_start3A_228 = arith.constant 0 : i32
      %dma_start3A_229 = arith.constant 0 : i32
      %dma_start3A_230 = tpu.memref_slice %arg6[%run_scoped3A_82, %dma_start3A_228, %dma_start3A_229] : memref<2x32x1024xf32, #tpu.memory_space<vmem>> -> memref<1x32x1024xf32, #tpu.memory_space<vmem>>
      %dma_start3A_231 = tpu.memref_squeeze %dma_start3A_230 : memref<1x32x1024xf32, #tpu.memory_space<vmem>> -> memref<32x1024xf32, #tpu.memory_space<vmem>>
      %dma_start3A_232 = arith.constant 0 : i32
      %dma_start3A_233 = tpu.memref_slice %arg2[%add3A_81, %dma_start3A_232] : memref<4096x1024xf32, #tpu.memory_space<hbm>> -> memref<32x1024xf32, #tpu.memory_space<hbm>>
      %dma_start3A_234 = arith.constant 0 : i32
      %dma_start3A_235 = arith.constant 0 : i32
      %dma_start3A_236 = tpu.memref_slice %arg6[%run_scoped3A_82, %dma_start3A_234, %dma_start3A_235] : memref<2x32x1024xf32, #tpu.memory_space<vmem>> -> memref<1x32x1024xf32, #tpu.memory_space<vmem>>
      %dma_start3A_237 = tpu.memref_squeeze %dma_start3A_236 : memref<1x32x1024xf32, #tpu.memory_space<vmem>> -> memref<32x1024xf32, #tpu.memory_space<vmem>>
      %dma_start3A_238 = arith.constant 0 : i32
      %dma_start3A_239 = tpu.memref_slice %arg2[%add3A_81, %dma_start3A_238] : memref<4096x1024xf32, #tpu.memory_space<hbm>> -> memref<32x1024xf32, #tpu.memory_space<hbm>>
      tpu.enqueue_dma source(%dma_start3A_239 : memref<32x1024xf32, #tpu.memory_space<hbm>>) target(%dma_start3A_237 : memref<32x1024xf32, #tpu.memory_space<vmem>>) target_semaphore(%run_scoped3A_227 : memref<!tpu.dma_semaphore, #tpu.memory_space<semaphore_mem>>)
      %dma_wait3A_240 = arith.constant 0 : i32
      %dma_wait3A_241 = arith.constant 0 : i32
      %dma_wait3A_242 = tpu.memref_slice %arg6[%run_scoped3A_82, %dma_wait3A_240, %dma_wait3A_241] : memref<2x32x1024xf32, #tpu.memory_space<vmem>> -> memref<1x32x1024xf32, #tpu.memory_space<vmem>>
      %dma_wait3A_243 = tpu.memref_squeeze %dma_wait3A_242 : memref<1x32x1024xf32, #tpu.memory_space<vmem>> -> memref<32x1024xf32, #tpu.memory_space<vmem>>
      %dma_wait3A_244 = arith.constant 0 : i32
      %dma_wait3A_245 = tpu.memref_slice %arg2[%add3A_81, %dma_wait3A_244] : memref<4096x1024xf32, #tpu.memory_space<hbm>> -> memref<32x1024xf32, #tpu.memory_space<hbm>>
      %dma_wait3A_246 = arith.constant 0 : i32
      %dma_wait3A_247 = arith.constant 0 : i32
      %dma_wait3A_248 = tpu.memref_slice %arg6[%run_scoped3A_82, %dma_wait3A_246, %dma_wait3A_247] : memref<2x32x1024xf32, #tpu.memory_space<vmem>> -> memref<1x32x1024xf32, #tpu.memory_space<vmem>>
      %dma_wait3A_249 = tpu.memref_squeeze %dma_wait3A_248 : memref<1x32x1024xf32, #tpu.memory_space<vmem>> -> memref<32x1024xf32, #tpu.memory_space<vmem>>
      %dma_wait3A_250 = arith.constant 0 : i32
      %dma_wait3A_251 = tpu.memref_slice %arg2[%add3A_81, %dma_wait3A_250] : memref<4096x1024xf32, #tpu.memory_space<hbm>> -> memref<32x1024xf32, #tpu.memory_space<hbm>>
      tpu.wait_dma2 semaphore(%run_scoped3A_227 : memref<!tpu.dma_semaphore, #tpu.memory_space<semaphore_mem>>) src(%dma_wait3A_251 : memref<32x1024xf32, #tpu.memory_space<hbm>>) dst(%dma_wait3A_249 : memref<32x1024xf32, #tpu.memory_space<vmem>>)
      tpu.yield
    }) : () -> ()
    %dma_start3A_83 = arith.constant 1 : i32
    %dma_start3A_84 = arith.constant 3 : i32
    %dma_start3A_85 = arith.constant 0 : i32
    %dma_start3A_86 = arith.constant 0 : i32
    %dma_start3A_87 = tpu.memref_slice %arg6[%dma_start3A_83, %dma_start3A_85, %dma_start3A_86] : memref<2x32x1024xf32, #tpu.memory_space<vmem>> -> memref<1x32x1024xf32, #tpu.memory_space<vmem>>
    %dma_start3A_88 = tpu.memref_squeeze %dma_start3A_87 : memref<1x32x1024xf32, #tpu.memory_space<vmem>> -> memref<32x1024xf32, #tpu.memory_space<vmem>>
    %dma_start3A_89 = arith.constant 0 : i32
    %dma_start3A_90 = tpu.memref_slice %arg5[%dma_start3A_84, %dma_start3A_89] : memref<8x32xi32, #tpu.memory_space<vmem>> -> memref<1x32xi32, #tpu.memory_space<vmem>>
    %dma_start3A_91 = tpu.memref_squeeze %dma_start3A_90 : memref<1x32xi32, #tpu.memory_space<vmem>> -> memref<32xi32, #tpu.memory_space<vmem>>
    %dma_start3A_92 = arith.constant 0 : i32
    %dma_start3A_93 = arith.constant 0 : i32
    %dma_start3A_94 = tpu.memref_slice %arg4[%dma_start3A_92, %dma_start3A_93] : memref<9216x1024xf32, #tpu.memory_space<hbm>> -> memref<9216x1024xf32, #tpu.memory_space<hbm>>
    tpu.enqueue_indirect_dma source(%dma_start3A_88 : memref<32x1024xf32, #tpu.memory_space<vmem>>) target(%dma_start3A_94 : memref<9216x1024xf32, #tpu.memory_space<hbm>>) offsets(%dma_start3A_91 : memref<32xi32, #tpu.memory_space<vmem>>) semaphore(%arg7 : memref<!tpu.dma_semaphore, #tpu.memory_space<semaphore_mem>>)
    %dma_wait3A_95 = arith.constant 0 : i32
    %dma_wait3A_96 = arith.constant 2 : i32
    %dma_wait3A_97 = arith.constant 0 : i32
    %dma_wait3A_98 = arith.constant 0 : i32
    %dma_wait3A_99 = tpu.memref_slice %arg6[%dma_wait3A_95, %dma_wait3A_97, %dma_wait3A_98] : memref<2x32x1024xf32, #tpu.memory_space<vmem>> -> memref<1x32x1024xf32, #tpu.memory_space<vmem>>
    %dma_wait3A_100 = tpu.memref_squeeze %dma_wait3A_99 : memref<1x32x1024xf32, #tpu.memory_space<vmem>> -> memref<32x1024xf32, #tpu.memory_space<vmem>>
    %dma_wait3A_101 = arith.constant 0 : i32
    %dma_wait3A_102 = tpu.memref_slice %arg5[%dma_wait3A_96, %dma_wait3A_101] : memref<8x32xi32, #tpu.memory_space<vmem>> -> memref<1x32xi32, #tpu.memory_space<vmem>>
    %dma_wait3A_103 = tpu.memref_squeeze %dma_wait3A_102 : memref<1x32xi32, #tpu.memory_space<vmem>> -> memref<32xi32, #tpu.memory_space<vmem>>
    %dma_wait3A_104 = arith.constant 0 : i32
    %dma_wait3A_105 = arith.constant 0 : i32
    %dma_wait3A_106 = tpu.memref_slice %arg4[%dma_wait3A_104, %dma_wait3A_105] : memref<9216x1024xf32, #tpu.memory_space<hbm>> -> memref<9216x1024xf32, #tpu.memory_space<hbm>>
    tpu.wait_indirect_dma semaphore(%arg7 : memref<!tpu.dma_semaphore, #tpu.memory_space<semaphore_mem>>) src(%dma_wait3A_100 : memref<32x1024xf32, #tpu.memory_space<vmem>>) dst(%dma_wait3A_106 : memref<9216x1024xf32, #tpu.memory_space<hbm>>)
    %add3A_107 = arith.constant 128 : i32
    %add3A_108 = arith.addi %select_n3A_11, %add3A_107 : i32
    %run_scoped3A_109 = arith.constant 0 : i32
    "tpu.region"() ({
      %run_scoped3A_227 = tpu.sem_alloc : memref<!tpu.dma_semaphore, #tpu.memory_space<semaphore_mem>>
      %dma_start3A_228 = arith.constant 0 : i32
      %dma_start3A_229 = arith.constant 0 : i32
      %dma_start3A_230 = tpu.memref_slice %arg6[%run_scoped3A_109, %dma_start3A_228, %dma_start3A_229] : memref<2x32x1024xf32, #tpu.memory_space<vmem>> -> memref<1x32x1024xf32, #tpu.memory_space<vmem>>
      %dma_start3A_231 = tpu.memref_squeeze %dma_start3A_230 : memref<1x32x1024xf32, #tpu.memory_space<vmem>> -> memref<32x1024xf32, #tpu.memory_space<vmem>>
      %dma_start3A_232 = arith.constant 0 : i32
      %dma_start3A_233 = tpu.memref_slice %arg2[%add3A_108, %dma_start3A_232] : memref<4096x1024xf32, #tpu.memory_space<hbm>> -> memref<32x1024xf32, #tpu.memory_space<hbm>>
      %dma_start3A_234 = arith.constant 0 : i32
      %dma_start3A_235 = arith.constant 0 : i32
      %dma_start3A_236 = tpu.memref_slice %arg6[%run_scoped3A_109, %dma_start3A_234, %dma_start3A_235] : memref<2x32x1024xf32, #tpu.memory_space<vmem>> -> memref<1x32x1024xf32, #tpu.memory_space<vmem>>
      %dma_start3A_237 = tpu.memref_squeeze %dma_start3A_236 : memref<1x32x1024xf32, #tpu.memory_space<vmem>> -> memref<32x1024xf32, #tpu.memory_space<vmem>>
      %dma_start3A_238 = arith.constant 0 : i32
      %dma_start3A_239 = tpu.memref_slice %arg2[%add3A_108, %dma_start3A_238] : memref<4096x1024xf32, #tpu.memory_space<hbm>> -> memref<32x1024xf32, #tpu.memory_space<hbm>>
      tpu.enqueue_dma source(%dma_start3A_239 : memref<32x1024xf32, #tpu.memory_space<hbm>>) target(%dma_start3A_237 : memref<32x1024xf32, #tpu.memory_space<vmem>>) target_semaphore(%run_scoped3A_227 : memref<!tpu.dma_semaphore, #tpu.memory_space<semaphore_mem>>)
      %dma_wait3A_240 = arith.constant 0 : i32
      %dma_wait3A_241 = arith.constant 0 : i32
      %dma_wait3A_242 = tpu.memref_slice %arg6[%run_scoped3A_109, %dma_wait3A_240, %dma_wait3A_241] : memref<2x32x1024xf32, #tpu.memory_space<vmem>> -> memref<1x32x1024xf32, #tpu.memory_space<vmem>>
      %dma_wait3A_243 = tpu.memref_squeeze %dma_wait3A_242 : memref<1x32x1024xf32, #tpu.memory_space<vmem>> -> memref<32x1024xf32, #tpu.memory_space<vmem>>
      %dma_wait3A_244 = arith.constant 0 : i32
      %dma_wait3A_245 = tpu.memref_slice %arg2[%add3A_108, %dma_wait3A_244] : memref<4096x1024xf32, #tpu.memory_space<hbm>> -> memref<32x1024xf32, #tpu.memory_space<hbm>>
      %dma_wait3A_246 = arith.constant 0 : i32
      %dma_wait3A_247 = arith.constant 0 : i32
      %dma_wait3A_248 = tpu.memref_slice %arg6[%run_scoped3A_109, %dma_wait3A_246, %dma_wait3A_247] : memref<2x32x1024xf32, #tpu.memory_space<vmem>> -> memref<1x32x1024xf32, #tpu.memory_space<vmem>>
      %dma_wait3A_249 = tpu.memref_squeeze %dma_wait3A_248 : memref<1x32x1024xf32, #tpu.memory_space<vmem>> -> memref<32x1024xf32, #tpu.memory_space<vmem>>
      %dma_wait3A_250 = arith.constant 0 : i32
      %dma_wait3A_251 = tpu.memref_slice %arg2[%add3A_108, %dma_wait3A_250] : memref<4096x1024xf32, #tpu.memory_space<hbm>> -> memref<32x1024xf32, #tpu.memory_space<hbm>>
      tpu.wait_dma2 semaphore(%run_scoped3A_227 : memref<!tpu.dma_semaphore, #tpu.memory_space<semaphore_mem>>) src(%dma_wait3A_251 : memref<32x1024xf32, #tpu.memory_space<hbm>>) dst(%dma_wait3A_249 : memref<32x1024xf32, #tpu.memory_space<vmem>>)
      tpu.yield
    }) : () -> ()
    %dma_start3A_110 = arith.constant 0 : i32
    %dma_start3A_111 = arith.constant 4 : i32
    %dma_start3A_112 = arith.constant 0 : i32
    %dma_start3A_113 = arith.constant 0 : i32
    %dma_start3A_114 = tpu.memref_slice %arg6[%dma_start3A_110, %dma_start3A_112, %dma_start3A_113] : memref<2x32x1024xf32, #tpu.memory_space<vmem>> -> memref<1x32x1024xf32, #tpu.memory_space<vmem>>
    %dma_start3A_115 = tpu.memref_squeeze %dma_start3A_114 : memref<1x32x1024xf32, #tpu.memory_space<vmem>> -> memref<32x1024xf32, #tpu.memory_space<vmem>>
    %dma_start3A_116 = arith.constant 0 : i32
    %dma_start3A_117 = tpu.memref_slice %arg5[%dma_start3A_111, %dma_start3A_116] : memref<8x32xi32, #tpu.memory_space<vmem>> -> memref<1x32xi32, #tpu.memory_space<vmem>>
    %dma_start3A_118 = tpu.memref_squeeze %dma_start3A_117 : memref<1x32xi32, #tpu.memory_space<vmem>> -> memref<32xi32, #tpu.memory_space<vmem>>
    %dma_start3A_119 = arith.constant 0 : i32
    %dma_start3A_120 = arith.constant 0 : i32
    %dma_start3A_121 = tpu.memref_slice %arg4[%dma_start3A_119, %dma_start3A_120] : memref<9216x1024xf32, #tpu.memory_space<hbm>> -> memref<9216x1024xf32, #tpu.memory_space<hbm>>
    tpu.enqueue_indirect_dma source(%dma_start3A_115 : memref<32x1024xf32, #tpu.memory_space<vmem>>) target(%dma_start3A_121 : memref<9216x1024xf32, #tpu.memory_space<hbm>>) offsets(%dma_start3A_118 : memref<32xi32, #tpu.memory_space<vmem>>) semaphore(%arg7 : memref<!tpu.dma_semaphore, #tpu.memory_space<semaphore_mem>>)
    %dma_wait3A_122 = arith.constant 1 : i32
    %dma_wait3A_123 = arith.constant 3 : i32
    %dma_wait3A_124 = arith.constant 0 : i32
    %dma_wait3A_125 = arith.constant 0 : i32
    %dma_wait3A_126 = tpu.memref_slice %arg6[%dma_wait3A_122, %dma_wait3A_124, %dma_wait3A_125] : memref<2x32x1024xf32, #tpu.memory_space<vmem>> -> memref<1x32x1024xf32, #tpu.memory_space<vmem>>
    %dma_wait3A_127 = tpu.memref_squeeze %dma_wait3A_126 : memref<1x32x1024xf32, #tpu.memory_space<vmem>> -> memref<32x1024xf32, #tpu.memory_space<vmem>>
    %dma_wait3A_128 = arith.constant 0 : i32
    %dma_wait3A_129 = tpu.memref_slice %arg5[%dma_wait3A_123, %dma_wait3A_128] : memref<8x32xi32, #tpu.memory_space<vmem>> -> memref<1x32xi32, #tpu.memory_space<vmem>>
    %dma_wait3A_130 = tpu.memref_squeeze %dma_wait3A_129 : memref<1x32xi32, #tpu.memory_space<vmem>> -> memref<32xi32, #tpu.memory_space<vmem>>
    %dma_wait3A_131 = arith.constant 0 : i32
    %dma_wait3A_132 = arith.constant 0 : i32
    %dma_wait3A_133 = tpu.memref_slice %arg4[%dma_wait3A_131, %dma_wait3A_132] : memref<9216x1024xf32, #tpu.memory_space<hbm>> -> memref<9216x1024xf32, #tpu.memory_space<hbm>>
    tpu.wait_indirect_dma semaphore(%arg7 : memref<!tpu.dma_semaphore, #tpu.memory_space<semaphore_mem>>) src(%dma_wait3A_127 : memref<32x1024xf32, #tpu.memory_space<vmem>>) dst(%dma_wait3A_133 : memref<9216x1024xf32, #tpu.memory_space<hbm>>)
    %add3A_134 = arith.constant 160 : i32
    %add3A_135 = arith.addi %select_n3A_11, %add3A_134 : i32
    %run_scoped3A_136 = arith.constant 1 : i32
    "tpu.region"() ({
      %run_scoped3A_227 = tpu.sem_alloc : memref<!tpu.dma_semaphore, #tpu.memory_space<semaphore_mem>>
      %dma_start3A_228 = arith.constant 0 : i32
      %dma_start3A_229 = arith.constant 0 : i32
      %dma_start3A_230 = tpu.memref_slice %arg6[%run_scoped3A_136, %dma_start3A_228, %dma_start3A_229] : memref<2x32x1024xf32, #tpu.memory_space<vmem>> -> memref<1x32x1024xf32, #tpu.memory_space<vmem>>
      %dma_start3A_231 = tpu.memref_squeeze %dma_start3A_230 : memref<1x32x1024xf32, #tpu.memory_space<vmem>> -> memref<32x1024xf32, #tpu.memory_space<vmem>>
      %dma_start3A_232 = arith.constant 0 : i32
      %dma_start3A_233 = tpu.memref_slice %arg2[%add3A_135, %dma_start3A_232] : memref<4096x1024xf32, #tpu.memory_space<hbm>> -> memref<32x1024xf32, #tpu.memory_space<hbm>>
      %dma_start3A_234 = arith.constant 0 : i32
      %dma_start3A_235 = arith.constant 0 : i32
      %dma_start3A_236 = tpu.memref_slice %arg6[%run_scoped3A_136, %dma_start3A_234, %dma_start3A_235] : memref<2x32x1024xf32, #tpu.memory_space<vmem>> -> memref<1x32x1024xf32, #tpu.memory_space<vmem>>
      %dma_start3A_237 = tpu.memref_squeeze %dma_start3A_236 : memref<1x32x1024xf32, #tpu.memory_space<vmem>> -> memref<32x1024xf32, #tpu.memory_space<vmem>>
      %dma_start3A_238 = arith.constant 0 : i32
      %dma_start3A_239 = tpu.memref_slice %arg2[%add3A_135, %dma_start3A_238] : memref<4096x1024xf32, #tpu.memory_space<hbm>> -> memref<32x1024xf32, #tpu.memory_space<hbm>>
      tpu.enqueue_dma source(%dma_start3A_239 : memref<32x1024xf32, #tpu.memory_space<hbm>>) target(%dma_start3A_237 : memref<32x1024xf32, #tpu.memory_space<vmem>>) target_semaphore(%run_scoped3A_227 : memref<!tpu.dma_semaphore, #tpu.memory_space<semaphore_mem>>)
      %dma_wait3A_240 = arith.constant 0 : i32
      %dma_wait3A_241 = arith.constant 0 : i32
      %dma_wait3A_242 = tpu.memref_slice %arg6[%run_scoped3A_136, %dma_wait3A_240, %dma_wait3A_241] : memref<2x32x1024xf32, #tpu.memory_space<vmem>> -> memref<1x32x1024xf32, #tpu.memory_space<vmem>>
      %dma_wait3A_243 = tpu.memref_squeeze %dma_wait3A_242 : memref<1x32x1024xf32, #tpu.memory_space<vmem>> -> memref<32x1024xf32, #tpu.memory_space<vmem>>
      %dma_wait3A_244 = arith.constant 0 : i32
      %dma_wait3A_245 = tpu.memref_slice %arg2[%add3A_135, %dma_wait3A_244] : memref<4096x1024xf32, #tpu.memory_space<hbm>> -> memref<32x1024xf32, #tpu.memory_space<hbm>>
      %dma_wait3A_246 = arith.constant 0 : i32
      %dma_wait3A_247 = arith.constant 0 : i32
      %dma_wait3A_248 = tpu.memref_slice %arg6[%run_scoped3A_136, %dma_wait3A_246, %dma_wait3A_247] : memref<2x32x1024xf32, #tpu.memory_space<vmem>> -> memref<1x32x1024xf32, #tpu.memory_space<vmem>>
      %dma_wait3A_249 = tpu.memref_squeeze %dma_wait3A_248 : memref<1x32x1024xf32, #tpu.memory_space<vmem>> -> memref<32x1024xf32, #tpu.memory_space<vmem>>
      %dma_wait3A_250 = arith.constant 0 : i32
      %dma_wait3A_251 = tpu.memref_slice %arg2[%add3A_135, %dma_wait3A_250] : memref<4096x1024xf32, #tpu.memory_space<hbm>> -> memref<32x1024xf32, #tpu.memory_space<hbm>>
      tpu.wait_dma2 semaphore(%run_scoped3A_227 : memref<!tpu.dma_semaphore, #tpu.memory_space<semaphore_mem>>) src(%dma_wait3A_251 : memref<32x1024xf32, #tpu.memory_space<hbm>>) dst(%dma_wait3A_249 : memref<32x1024xf32, #tpu.memory_space<vmem>>)
      tpu.yield
    }) : () -> ()
    %dma_start3A_137 = arith.constant 1 : i32
    %dma_start3A_138 = arith.constant 5 : i32
    %dma_start3A_139 = arith.constant 0 : i32
    %dma_start3A_140 = arith.constant 0 : i32
    %dma_start3A_141 = tpu.memref_slice %arg6[%dma_start3A_137, %dma_start3A_139, %dma_start3A_140] : memref<2x32x1024xf32, #tpu.memory_space<vmem>> -> memref<1x32x1024xf32, #tpu.memory_space<vmem>>
    %dma_start3A_142 = tpu.memref_squeeze %dma_start3A_141 : memref<1x32x1024xf32, #tpu.memory_space<vmem>> -> memref<32x1024xf32, #tpu.memory_space<vmem>>
    %dma_start3A_143 = arith.constant 0 : i32
    %dma_start3A_144 = tpu.memref_slice %arg5[%dma_start3A_138, %dma_start3A_143] : memref<8x32xi32, #tpu.memory_space<vmem>> -> memref<1x32xi32, #tpu.memory_space<vmem>>
    %dma_start3A_145 = tpu.memref_squeeze %dma_start3A_144 : memref<1x32xi32, #tpu.memory_space<vmem>> -> memref<32xi32, #tpu.memory_space<vmem>>
    %dma_start3A_146 = arith.constant 0 : i32
    %dma_start3A_147 = arith.constant 0 : i32
    %dma_start3A_148 = tpu.memref_slice %arg4[%dma_start3A_146, %dma_start3A_147] : memref<9216x1024xf32, #tpu.memory_space<hbm>> -> memref<9216x1024xf32, #tpu.memory_space<hbm>>
    tpu.enqueue_indirect_dma source(%dma_start3A_142 : memref<32x1024xf32, #tpu.memory_space<vmem>>) target(%dma_start3A_148 : memref<9216x1024xf32, #tpu.memory_space<hbm>>) offsets(%dma_start3A_145 : memref<32xi32, #tpu.memory_space<vmem>>) semaphore(%arg7 : memref<!tpu.dma_semaphore, #tpu.memory_space<semaphore_mem>>)
    %dma_wait3A_149 = arith.constant 0 : i32
    %dma_wait3A_150 = arith.constant 4 : i32
    %dma_wait3A_151 = arith.constant 0 : i32
    %dma_wait3A_152 = arith.constant 0 : i32
    %dma_wait3A_153 = tpu.memref_slice %arg6[%dma_wait3A_149, %dma_wait3A_151, %dma_wait3A_152] : memref<2x32x1024xf32, #tpu.memory_space<vmem>> -> memref<1x32x1024xf32, #tpu.memory_space<vmem>>
    %dma_wait3A_154 = tpu.memref_squeeze %dma_wait3A_153 : memref<1x32x1024xf32, #tpu.memory_space<vmem>> -> memref<32x1024xf32, #tpu.memory_space<vmem>>
    %dma_wait3A_155 = arith.constant 0 : i32
    %dma_wait3A_156 = tpu.memref_slice %arg5[%dma_wait3A_150, %dma_wait3A_155] : memref<8x32xi32, #tpu.memory_space<vmem>> -> memref<1x32xi32, #tpu.memory_space<vmem>>
    %dma_wait3A_157 = tpu.memref_squeeze %dma_wait3A_156 : memref<1x32xi32, #tpu.memory_space<vmem>> -> memref<32xi32, #tpu.memory_space<vmem>>
    %dma_wait3A_158 = arith.constant 0 : i32
    %dma_wait3A_159 = arith.constant 0 : i32
    %dma_wait3A_160 = tpu.memref_slice %arg4[%dma_wait3A_158, %dma_wait3A_159] : memref<9216x1024xf32, #tpu.memory_space<hbm>> -> memref<9216x1024xf32, #tpu.memory_space<hbm>>
    tpu.wait_indirect_dma semaphore(%arg7 : memref<!tpu.dma_semaphore, #tpu.memory_space<semaphore_mem>>) src(%dma_wait3A_154 : memref<32x1024xf32, #tpu.memory_space<vmem>>) dst(%dma_wait3A_160 : memref<9216x1024xf32, #tpu.memory_space<hbm>>)
    %add3A_161 = arith.constant 192 : i32
    %add3A_162 = arith.addi %select_n3A_11, %add3A_161 : i32
    %run_scoped3A_163 = arith.constant 0 : i32
    "tpu.region"() ({
      %run_scoped3A_227 = tpu.sem_alloc : memref<!tpu.dma_semaphore, #tpu.memory_space<semaphore_mem>>
      %dma_start3A_228 = arith.constant 0 : i32
      %dma_start3A_229 = arith.constant 0 : i32
      %dma_start3A_230 = tpu.memref_slice %arg6[%run_scoped3A_163, %dma_start3A_228, %dma_start3A_229] : memref<2x32x1024xf32, #tpu.memory_space<vmem>> -> memref<1x32x1024xf32, #tpu.memory_space<vmem>>
      %dma_start3A_231 = tpu.memref_squeeze %dma_start3A_230 : memref<1x32x1024xf32, #tpu.memory_space<vmem>> -> memref<32x1024xf32, #tpu.memory_space<vmem>>
      %dma_start3A_232 = arith.constant 0 : i32
      %dma_start3A_233 = tpu.memref_slice %arg2[%add3A_162, %dma_start3A_232] : memref<4096x1024xf32, #tpu.memory_space<hbm>> -> memref<32x1024xf32, #tpu.memory_space<hbm>>
      %dma_start3A_234 = arith.constant 0 : i32
      %dma_start3A_235 = arith.constant 0 : i32
      %dma_start3A_236 = tpu.memref_slice %arg6[%run_scoped3A_163, %dma_start3A_234, %dma_start3A_235] : memref<2x32x1024xf32, #tpu.memory_space<vmem>> -> memref<1x32x1024xf32, #tpu.memory_space<vmem>>
      %dma_start3A_237 = tpu.memref_squeeze %dma_start3A_236 : memref<1x32x1024xf32, #tpu.memory_space<vmem>> -> memref<32x1024xf32, #tpu.memory_space<vmem>>
      %dma_start3A_238 = arith.constant 0 : i32
      %dma_start3A_239 = tpu.memref_slice %arg2[%add3A_162, %dma_start3A_238] : memref<4096x1024xf32, #tpu.memory_space<hbm>> -> memref<32x1024xf32, #tpu.memory_space<hbm>>
      tpu.enqueue_dma source(%dma_start3A_239 : memref<32x1024xf32, #tpu.memory_space<hbm>>) target(%dma_start3A_237 : memref<32x1024xf32, #tpu.memory_space<vmem>>) target_semaphore(%run_scoped3A_227 : memref<!tpu.dma_semaphore, #tpu.memory_space<semaphore_mem>>)
      %dma_wait3A_240 = arith.constant 0 : i32
      %dma_wait3A_241 = arith.constant 0 : i32
      %dma_wait3A_242 = tpu.memref_slice %arg6[%run_scoped3A_163, %dma_wait3A_240, %dma_wait3A_241] : memref<2x32x1024xf32, #tpu.memory_space<vmem>> -> memref<1x32x1024xf32, #tpu.memory_space<vmem>>
      %dma_wait3A_243 = tpu.memref_squeeze %dma_wait3A_242 : memref<1x32x1024xf32, #tpu.memory_space<vmem>> -> memref<32x1024xf32, #tpu.memory_space<vmem>>
      %dma_wait3A_244 = arith.constant 0 : i32
      %dma_wait3A_245 = tpu.memref_slice %arg2[%add3A_162, %dma_wait3A_244] : memref<4096x1024xf32, #tpu.memory_space<hbm>> -> memref<32x1024xf32, #tpu.memory_space<hbm>>
      %dma_wait3A_246 = arith.constant 0 : i32
      %dma_wait3A_247 = arith.constant 0 : i32
      %dma_wait3A_248 = tpu.memref_slice %arg6[%run_scoped3A_163, %dma_wait3A_246, %dma_wait3A_247] : memref<2x32x1024xf32, #tpu.memory_space<vmem>> -> memref<1x32x1024xf32, #tpu.memory_space<vmem>>
      %dma_wait3A_249 = tpu.memref_squeeze %dma_wait3A_248 : memref<1x32x1024xf32, #tpu.memory_space<vmem>> -> memref<32x1024xf32, #tpu.memory_space<vmem>>
      %dma_wait3A_250 = arith.constant 0 : i32
      %dma_wait3A_251 = tpu.memref_slice %arg2[%add3A_162, %dma_wait3A_250] : memref<4096x1024xf32, #tpu.memory_space<hbm>> -> memref<32x1024xf32, #tpu.memory_space<hbm>>
      tpu.wait_dma2 semaphore(%run_scoped3A_227 : memref<!tpu.dma_semaphore, #tpu.memory_space<semaphore_mem>>) src(%dma_wait3A_251 : memref<32x1024xf32, #tpu.memory_space<hbm>>) dst(%dma_wait3A_249 : memref<32x1024xf32, #tpu.memory_space<vmem>>)
      tpu.yield
    }) : () -> ()
    %dma_start3A_164 = arith.constant 0 : i32
    %dma_start3A_165 = arith.constant 6 : i32
    %dma_start3A_166 = arith.constant 0 : i32
    %dma_start3A_167 = arith.constant 0 : i32
    %dma_start3A_168 = tpu.memref_slice %arg6[%dma_start3A_164, %dma_start3A_166, %dma_start3A_167] : memref<2x32x1024xf32, #tpu.memory_space<vmem>> -> memref<1x32x1024xf32, #tpu.memory_space<vmem>>
    %dma_start3A_169 = tpu.memref_squeeze %dma_start3A_168 : memref<1x32x1024xf32, #tpu.memory_space<vmem>> -> memref<32x1024xf32, #tpu.memory_space<vmem>>
    %dma_start3A_170 = arith.constant 0 : i32
    %dma_start3A_171 = tpu.memref_slice %arg5[%dma_start3A_165, %dma_start3A_170] : memref<8x32xi32, #tpu.memory_space<vmem>> -> memref<1x32xi32, #tpu.memory_space<vmem>>
    %dma_start3A_172 = tpu.memref_squeeze %dma_start3A_171 : memref<1x32xi32, #tpu.memory_space<vmem>> -> memref<32xi32, #tpu.memory_space<vmem>>
    %dma_start3A_173 = arith.constant 0 : i32
    %dma_start3A_174 = arith.constant 0 : i32
    %dma_start3A_175 = tpu.memref_slice %arg4[%dma_start3A_173, %dma_start3A_174] : memref<9216x1024xf32, #tpu.memory_space<hbm>> -> memref<9216x1024xf32, #tpu.memory_space<hbm>>
    tpu.enqueue_indirect_dma source(%dma_start3A_169 : memref<32x1024xf32, #tpu.memory_space<vmem>>) target(%dma_start3A_175 : memref<9216x1024xf32, #tpu.memory_space<hbm>>) offsets(%dma_start3A_172 : memref<32xi32, #tpu.memory_space<vmem>>) semaphore(%arg7 : memref<!tpu.dma_semaphore, #tpu.memory_space<semaphore_mem>>)
    %dma_wait3A_176 = arith.constant 1 : i32
    %dma_wait3A_177 = arith.constant 5 : i32
    %dma_wait3A_178 = arith.constant 0 : i32
    %dma_wait3A_179 = arith.constant 0 : i32
    %dma_wait3A_180 = tpu.memref_slice %arg6[%dma_wait3A_176, %dma_wait3A_178, %dma_wait3A_179] : memref<2x32x1024xf32, #tpu.memory_space<vmem>> -> memref<1x32x1024xf32, #tpu.memory_space<vmem>>
    %dma_wait3A_181 = tpu.memref_squeeze %dma_wait3A_180 : memref<1x32x1024xf32, #tpu.memory_space<vmem>> -> memref<32x1024xf32, #tpu.memory_space<vmem>>
    %dma_wait3A_182 = arith.constant 0 : i32
    %dma_wait3A_183 = tpu.memref_slice %arg5[%dma_wait3A_177, %dma_wait3A_182] : memref<8x32xi32, #tpu.memory_space<vmem>> -> memref<1x32xi32, #tpu.memory_space<vmem>>
    %dma_wait3A_184 = tpu.memref_squeeze %dma_wait3A_183 : memref<1x32xi32, #tpu.memory_space<vmem>> -> memref<32xi32, #tpu.memory_space<vmem>>
    %dma_wait3A_185 = arith.constant 0 : i32
    %dma_wait3A_186 = arith.constant 0 : i32
    %dma_wait3A_187 = tpu.memref_slice %arg4[%dma_wait3A_185, %dma_wait3A_186] : memref<9216x1024xf32, #tpu.memory_space<hbm>> -> memref<9216x1024xf32, #tpu.memory_space<hbm>>
    tpu.wait_indirect_dma semaphore(%arg7 : memref<!tpu.dma_semaphore, #tpu.memory_space<semaphore_mem>>) src(%dma_wait3A_181 : memref<32x1024xf32, #tpu.memory_space<vmem>>) dst(%dma_wait3A_187 : memref<9216x1024xf32, #tpu.memory_space<hbm>>)
    %add3A_188 = arith.constant 224 : i32
    %add3A_189 = arith.addi %select_n3A_11, %add3A_188 : i32
    %run_scoped3A_190 = arith.constant 1 : i32
    "tpu.region"() ({
      %run_scoped3A_227 = tpu.sem_alloc : memref<!tpu.dma_semaphore, #tpu.memory_space<semaphore_mem>>
      %dma_start3A_228 = arith.constant 0 : i32
      %dma_start3A_229 = arith.constant 0 : i32
      %dma_start3A_230 = tpu.memref_slice %arg6[%run_scoped3A_190, %dma_start3A_228, %dma_start3A_229] : memref<2x32x1024xf32, #tpu.memory_space<vmem>> -> memref<1x32x1024xf32, #tpu.memory_space<vmem>>
      %dma_start3A_231 = tpu.memref_squeeze %dma_start3A_230 : memref<1x32x1024xf32, #tpu.memory_space<vmem>> -> memref<32x1024xf32, #tpu.memory_space<vmem>>
      %dma_start3A_232 = arith.constant 0 : i32
      %dma_start3A_233 = tpu.memref_slice %arg2[%add3A_189, %dma_start3A_232] : memref<4096x1024xf32, #tpu.memory_space<hbm>> -> memref<32x1024xf32, #tpu.memory_space<hbm>>
      %dma_start3A_234 = arith.constant 0 : i32
      %dma_start3A_235 = arith.constant 0 : i32
      %dma_start3A_236 = tpu.memref_slice %arg6[%run_scoped3A_190, %dma_start3A_234, %dma_start3A_235] : memref<2x32x1024xf32, #tpu.memory_space<vmem>> -> memref<1x32x1024xf32, #tpu.memory_space<vmem>>
      %dma_start3A_237 = tpu.memref_squeeze %dma_start3A_236 : memref<1x32x1024xf32, #tpu.memory_space<vmem>> -> memref<32x1024xf32, #tpu.memory_space<vmem>>
      %dma_start3A_238 = arith.constant 0 : i32
      %dma_start3A_239 = tpu.memref_slice %arg2[%add3A_189, %dma_start3A_238] : memref<4096x1024xf32, #tpu.memory_space<hbm>> -> memref<32x1024xf32, #tpu.memory_space<hbm>>
      tpu.enqueue_dma source(%dma_start3A_239 : memref<32x1024xf32, #tpu.memory_space<hbm>>) target(%dma_start3A_237 : memref<32x1024xf32, #tpu.memory_space<vmem>>) target_semaphore(%run_scoped3A_227 : memref<!tpu.dma_semaphore, #tpu.memory_space<semaphore_mem>>)
      %dma_wait3A_240 = arith.constant 0 : i32
      %dma_wait3A_241 = arith.constant 0 : i32
      %dma_wait3A_242 = tpu.memref_slice %arg6[%run_scoped3A_190, %dma_wait3A_240, %dma_wait3A_241] : memref<2x32x1024xf32, #tpu.memory_space<vmem>> -> memref<1x32x1024xf32, #tpu.memory_space<vmem>>
      %dma_wait3A_243 = tpu.memref_squeeze %dma_wait3A_242 : memref<1x32x1024xf32, #tpu.memory_space<vmem>> -> memref<32x1024xf32, #tpu.memory_space<vmem>>
      %dma_wait3A_244 = arith.constant 0 : i32
      %dma_wait3A_245 = tpu.memref_slice %arg2[%add3A_189, %dma_wait3A_244] : memref<4096x1024xf32, #tpu.memory_space<hbm>> -> memref<32x1024xf32, #tpu.memory_space<hbm>>
      %dma_wait3A_246 = arith.constant 0 : i32
      %dma_wait3A_247 = arith.constant 0 : i32
      %dma_wait3A_248 = tpu.memref_slice %arg6[%run_scoped3A_190, %dma_wait3A_246, %dma_wait3A_247] : memref<2x32x1024xf32, #tpu.memory_space<vmem>> -> memref<1x32x1024xf32, #tpu.memory_space<vmem>>
      %dma_wait3A_249 = tpu.memref_squeeze %dma_wait3A_248 : memref<1x32x1024xf32, #tpu.memory_space<vmem>> -> memref<32x1024xf32, #tpu.memory_space<vmem>>
      %dma_wait3A_250 = arith.constant 0 : i32
      %dma_wait3A_251 = tpu.memref_slice %arg2[%add3A_189, %dma_wait3A_250] : memref<4096x1024xf32, #tpu.memory_space<hbm>> -> memref<32x1024xf32, #tpu.memory_space<hbm>>
      tpu.wait_dma2 semaphore(%run_scoped3A_227 : memref<!tpu.dma_semaphore, #tpu.memory_space<semaphore_mem>>) src(%dma_wait3A_251 : memref<32x1024xf32, #tpu.memory_space<hbm>>) dst(%dma_wait3A_249 : memref<32x1024xf32, #tpu.memory_space<vmem>>)
      tpu.yield
    }) : () -> ()
    %dma_start3A_191 = arith.constant 1 : i32
    %dma_start3A_192 = arith.constant 7 : i32
    %dma_start3A_193 = arith.constant 0 : i32
    %dma_start3A_194 = arith.constant 0 : i32
    %dma_start3A_195 = tpu.memref_slice %arg6[%dma_start3A_191, %dma_start3A_193, %dma_start3A_194] : memref<2x32x1024xf32, #tpu.memory_space<vmem>> -> memref<1x32x1024xf32, #tpu.memory_space<vmem>>
    %dma_start3A_196 = tpu.memref_squeeze %dma_start3A_195 : memref<1x32x1024xf32, #tpu.memory_space<vmem>> -> memref<32x1024xf32, #tpu.memory_space<vmem>>
    %dma_start3A_197 = arith.constant 0 : i32
    %dma_start3A_198 = tpu.memref_slice %arg5[%dma_start3A_192, %dma_start3A_197] : memref<8x32xi32, #tpu.memory_space<vmem>> -> memref<1x32xi32, #tpu.memory_space<vmem>>
    %dma_start3A_199 = tpu.memref_squeeze %dma_start3A_198 : memref<1x32xi32, #tpu.memory_space<vmem>> -> memref<32xi32, #tpu.memory_space<vmem>>
    %dma_start3A_200 = arith.constant 0 : i32
    %dma_start3A_201 = arith.constant 0 : i32
    %dma_start3A_202 = tpu.memref_slice %arg4[%dma_start3A_200, %dma_start3A_201] : memref<9216x1024xf32, #tpu.memory_space<hbm>> -> memref<9216x1024xf32, #tpu.memory_space<hbm>>
    tpu.enqueue_indirect_dma source(%dma_start3A_196 : memref<32x1024xf32, #tpu.memory_space<vmem>>) target(%dma_start3A_202 : memref<9216x1024xf32, #tpu.memory_space<hbm>>) offsets(%dma_start3A_199 : memref<32xi32, #tpu.memory_space<vmem>>) semaphore(%arg7 : memref<!tpu.dma_semaphore, #tpu.memory_space<semaphore_mem>>)
    %dma_wait3A_203 = arith.constant 0 : i32
    %dma_wait3A_204 = arith.constant 6 : i32
    %dma_wait3A_205 = arith.constant 0 : i32
    %dma_wait3A_206 = arith.constant 0 : i32
    %dma_wait3A_207 = tpu.memref_slice %arg6[%dma_wait3A_203, %dma_wait3A_205, %dma_wait3A_206] : memref<2x32x1024xf32, #tpu.memory_space<vmem>> -> memref<1x32x1024xf32, #tpu.memory_space<vmem>>
    %dma_wait3A_208 = tpu.memref_squeeze %dma_wait3A_207 : memref<1x32x1024xf32, #tpu.memory_space<vmem>> -> memref<32x1024xf32, #tpu.memory_space<vmem>>
    %dma_wait3A_209 = arith.constant 0 : i32
    %dma_wait3A_210 = tpu.memref_slice %arg5[%dma_wait3A_204, %dma_wait3A_209] : memref<8x32xi32, #tpu.memory_space<vmem>> -> memref<1x32xi32, #tpu.memory_space<vmem>>
    %dma_wait3A_211 = tpu.memref_squeeze %dma_wait3A_210 : memref<1x32xi32, #tpu.memory_space<vmem>> -> memref<32xi32, #tpu.memory_space<vmem>>
    %dma_wait3A_212 = arith.constant 0 : i32
    %dma_wait3A_213 = arith.constant 0 : i32
    %dma_wait3A_214 = tpu.memref_slice %arg4[%dma_wait3A_212, %dma_wait3A_213] : memref<9216x1024xf32, #tpu.memory_space<hbm>> -> memref<9216x1024xf32, #tpu.memory_space<hbm>>
    tpu.wait_indirect_dma semaphore(%arg7 : memref<!tpu.dma_semaphore, #tpu.memory_space<semaphore_mem>>) src(%dma_wait3A_208 : memref<32x1024xf32, #tpu.memory_space<vmem>>) dst(%dma_wait3A_214 : memref<9216x1024xf32, #tpu.memory_space<hbm>>)
    %dma_wait3A_215 = arith.constant 1 : i32
    %dma_wait3A_216 = arith.constant 7 : i32
    %dma_wait3A_217 = arith.constant 0 : i32
    %dma_wait3A_218 = arith.constant 0 : i32
    %dma_wait3A_219 = tpu.memref_slice %arg6[%dma_wait3A_215, %dma_wait3A_217, %dma_wait3A_218] : memref<2x32x1024xf32, #tpu.memory_space<vmem>> -> memref<1x32x1024xf32, #tpu.memory_space<vmem>>
    %dma_wait3A_220 = tpu.memref_squeeze %dma_wait3A_219 : memref<1x32x1024xf32, #tpu.memory_space<vmem>> -> memref<32x1024xf32, #tpu.memory_space<vmem>>
    %dma_wait3A_221 = arith.constant 0 : i32
    %dma_wait3A_222 = tpu.memref_slice %arg5[%dma_wait3A_216, %dma_wait3A_221] : memref<8x32xi32, #tpu.memory_space<vmem>> -> memref<1x32xi32, #tpu.memory_space<vmem>>
    %dma_wait3A_223 = tpu.memref_squeeze %dma_wait3A_222 : memref<1x32xi32, #tpu.memory_space<vmem>> -> memref<32xi32, #tpu.memory_space<vmem>>
    %dma_wait3A_224 = arith.constant 0 : i32
    %dma_wait3A_225 = arith.constant 0 : i32
    %dma_wait3A_226 = tpu.memref_slice %arg4[%dma_wait3A_224, %dma_wait3A_225] : memref<9216x1024xf32, #tpu.memory_space<hbm>> -> memref<9216x1024xf32, #tpu.memory_space<hbm>>
    tpu.wait_indirect_dma semaphore(%arg7 : memref<!tpu.dma_semaphore, #tpu.memory_space<semaphore_mem>>) src(%dma_wait3A_220 : memref<32x1024xf32, #tpu.memory_space<vmem>>) dst(%dma_wait3A_226 : memref<9216x1024xf32, #tpu.memory_space<hbm>>)
    return
  }
}

#map = affine_map<(d0, d1) -> (0, 0)>
module attributes {stable_mosaic.version = 14 : i64} {
  func.func @comb(%arg0: i32, %arg1: i32, %arg2: memref<9216x1024xf32, #tpu.memory_space<hbm>>, %arg3: memref<256x32xi32, #tpu.memory_space<hbm>>, %arg4: memref<4096x1024xf32, #tpu.memory_space<hbm>>, %arg5: memref<4096x1024xf32, #tpu.memory_space<hbm>>, %arg6: memref<8x32xi32, #tpu.memory_space<vmem>>, %arg7: memref<2x32x1024xf32, #tpu.memory_space<vmem>>, %arg8: memref<!tpu.dma_semaphore, #tpu.memory_space<semaphore_mem>>, %arg9: memref<!tpu.dma_semaphore, #tpu.memory_space<semaphore_mem>>) attributes {dimension_semantics = [#tpu.dimension_semantics<core_parallel>, #tpu.dimension_semantics<subcore_parallel>], iteration_bounds = array<i64: 2, 16>, scalar_prefetch = 0 : i64, scratch_operands = 4 : i64, tpu.core_type = #tpu.core_type<sc_vector_subcore>, window_params = [{transform_indices = #map}, {transform_indices = #map}, {transform_indices = #map}, {transform_indices = #map}]} {
    %mul3A = arith.constant 2 : i32
    %mul3A_0 = arith.muli %arg1, %mul3A : i32
    %add3A = arith.addi %mul3A_0, %arg0 : i32
    %mul3A_1 = arith.constant 128 : i32
    %mul3A_2 = arith.muli %add3A, %mul3A_1 : i32
    %mul3A_3 = arith.constant 4 : i32
    %mul3A_4 = arith.muli %add3A, %mul3A_3 : i32
    %mul3A_5 = arith.constant 4 : i32
    %mul3A_6 = arith.muli %add3A, %mul3A_5 : i32
    %add3A_7 = arith.constant 128 : i32
    %add3A_8 = arith.addi %add3A_7, %mul3A_6 : i32
    "tpu.region"() ({
      %run_scoped3A = tpu.sem_alloc : memref<!tpu.dma_semaphore, #tpu.memory_space<semaphore_mem>>
      %dma_start3A_423 = arith.constant 0 : i32
      %dma_start3A_424 = arith.constant 0 : i32
      %dma_start3A_425 = tpu.memref_slice %arg6[%dma_start3A_423, %dma_start3A_424] : memref<8x32xi32, #tpu.memory_space<vmem>> -> memref<4x32xi32, #tpu.memory_space<vmem>>
      %dma_start3A_426 = arith.constant 0 : i32
      %dma_start3A_427 = tpu.memref_slice %arg3[%mul3A_4, %dma_start3A_426] : memref<256x32xi32, #tpu.memory_space<hbm>> -> memref<4x32xi32, #tpu.memory_space<hbm>>
      %dma_start3A_428 = arith.constant 0 : i32
      %dma_start3A_429 = arith.constant 0 : i32
      %dma_start3A_430 = tpu.memref_slice %arg6[%dma_start3A_428, %dma_start3A_429] : memref<8x32xi32, #tpu.memory_space<vmem>> -> memref<4x32xi32, #tpu.memory_space<vmem>>
      %dma_start3A_431 = arith.constant 0 : i32
      %dma_start3A_432 = tpu.memref_slice %arg3[%mul3A_4, %dma_start3A_431] : memref<256x32xi32, #tpu.memory_space<hbm>> -> memref<4x32xi32, #tpu.memory_space<hbm>>
      tpu.enqueue_dma source(%dma_start3A_432 : memref<4x32xi32, #tpu.memory_space<hbm>>) target(%dma_start3A_430 : memref<4x32xi32, #tpu.memory_space<vmem>>) target_semaphore(%run_scoped3A : memref<!tpu.dma_semaphore, #tpu.memory_space<semaphore_mem>>)
      %dma_wait3A_433 = arith.constant 0 : i32
      %dma_wait3A_434 = arith.constant 0 : i32
      %dma_wait3A_435 = tpu.memref_slice %arg6[%dma_wait3A_433, %dma_wait3A_434] : memref<8x32xi32, #tpu.memory_space<vmem>> -> memref<4x32xi32, #tpu.memory_space<vmem>>
      %dma_wait3A_436 = arith.constant 0 : i32
      %dma_wait3A_437 = tpu.memref_slice %arg3[%mul3A_4, %dma_wait3A_436] : memref<256x32xi32, #tpu.memory_space<hbm>> -> memref<4x32xi32, #tpu.memory_space<hbm>>
      %dma_wait3A_438 = arith.constant 0 : i32
      %dma_wait3A_439 = arith.constant 0 : i32
      %dma_wait3A_440 = tpu.memref_slice %arg6[%dma_wait3A_438, %dma_wait3A_439] : memref<8x32xi32, #tpu.memory_space<vmem>> -> memref<4x32xi32, #tpu.memory_space<vmem>>
      %dma_wait3A_441 = arith.constant 0 : i32
      %dma_wait3A_442 = tpu.memref_slice %arg3[%mul3A_4, %dma_wait3A_441] : memref<256x32xi32, #tpu.memory_space<hbm>> -> memref<4x32xi32, #tpu.memory_space<hbm>>
      tpu.wait_dma2 semaphore(%run_scoped3A : memref<!tpu.dma_semaphore, #tpu.memory_space<semaphore_mem>>) src(%dma_wait3A_442 : memref<4x32xi32, #tpu.memory_space<hbm>>) dst(%dma_wait3A_440 : memref<4x32xi32, #tpu.memory_space<vmem>>)
      tpu.yield
    }) : () -> ()
    "tpu.region"() ({
      %run_scoped3A = tpu.sem_alloc : memref<!tpu.dma_semaphore, #tpu.memory_space<semaphore_mem>>
      %dma_start3A_423 = arith.constant 4 : i32
      %dma_start3A_424 = arith.constant 0 : i32
      %dma_start3A_425 = tpu.memref_slice %arg6[%dma_start3A_423, %dma_start3A_424] : memref<8x32xi32, #tpu.memory_space<vmem>> -> memref<4x32xi32, #tpu.memory_space<vmem>>
      %dma_start3A_426 = arith.constant 0 : i32
      %dma_start3A_427 = tpu.memref_slice %arg3[%add3A_8, %dma_start3A_426] : memref<256x32xi32, #tpu.memory_space<hbm>> -> memref<4x32xi32, #tpu.memory_space<hbm>>
      %dma_start3A_428 = arith.constant 4 : i32
      %dma_start3A_429 = arith.constant 0 : i32
      %dma_start3A_430 = tpu.memref_slice %arg6[%dma_start3A_428, %dma_start3A_429] : memref<8x32xi32, #tpu.memory_space<vmem>> -> memref<4x32xi32, #tpu.memory_space<vmem>>
      %dma_start3A_431 = arith.constant 0 : i32
      %dma_start3A_432 = tpu.memref_slice %arg3[%add3A_8, %dma_start3A_431] : memref<256x32xi32, #tpu.memory_space<hbm>> -> memref<4x32xi32, #tpu.memory_space<hbm>>
      tpu.enqueue_dma source(%dma_start3A_432 : memref<4x32xi32, #tpu.memory_space<hbm>>) target(%dma_start3A_430 : memref<4x32xi32, #tpu.memory_space<vmem>>) target_semaphore(%run_scoped3A : memref<!tpu.dma_semaphore, #tpu.memory_space<semaphore_mem>>)
      %dma_wait3A_433 = arith.constant 4 : i32
      %dma_wait3A_434 = arith.constant 0 : i32
      %dma_wait3A_435 = tpu.memref_slice %arg6[%dma_wait3A_433, %dma_wait3A_434] : memref<8x32xi32, #tpu.memory_space<vmem>> -> memref<4x32xi32, #tpu.memory_space<vmem>>
      %dma_wait3A_436 = arith.constant 0 : i32
      %dma_wait3A_437 = tpu.memref_slice %arg3[%add3A_8, %dma_wait3A_436] : memref<256x32xi32, #tpu.memory_space<hbm>> -> memref<4x32xi32, #tpu.memory_space<hbm>>
      %dma_wait3A_438 = arith.constant 4 : i32
      %dma_wait3A_439 = arith.constant 0 : i32
      %dma_wait3A_440 = tpu.memref_slice %arg6[%dma_wait3A_438, %dma_wait3A_439] : memref<8x32xi32, #tpu.memory_space<vmem>> -> memref<4x32xi32, #tpu.memory_space<vmem>>
      %dma_wait3A_441 = arith.constant 0 : i32
      %dma_wait3A_442 = tpu.memref_slice %arg3[%add3A_8, %dma_wait3A_441] : memref<256x32xi32, #tpu.memory_space<hbm>> -> memref<4x32xi32, #tpu.memory_space<hbm>>
      tpu.wait_dma2 semaphore(%run_scoped3A : memref<!tpu.dma_semaphore, #tpu.memory_space<semaphore_mem>>) src(%dma_wait3A_442 : memref<4x32xi32, #tpu.memory_space<hbm>>) dst(%dma_wait3A_440 : memref<4x32xi32, #tpu.memory_space<vmem>>)
      tpu.yield
    }) : () -> ()
    %add3A_9 = arith.constant 0 : i32
    %add3A_10 = arith.addi %mul3A_2, %add3A_9 : i32
    %dma_start3A = arith.constant 0 : i32
    %dma_start3A_11 = arith.constant 0 : i32
    %dma_start3A_12 = arith.constant 0 : i32
    %dma_start3A_13 = arith.constant 0 : i32
    %dma_start3A_14 = tpu.memref_slice %arg7[%dma_start3A_11, %dma_start3A_12, %dma_start3A_13] : memref<2x32x1024xf32, #tpu.memory_space<vmem>> -> memref<1x32x1024xf32, #tpu.memory_space<vmem>>
    %dma_start3A_15 = tpu.memref_squeeze %dma_start3A_14 : memref<1x32x1024xf32, #tpu.memory_space<vmem>> -> memref<32x1024xf32, #tpu.memory_space<vmem>>
    %dma_start3A_16 = arith.constant 0 : i32
    %dma_start3A_17 = tpu.memref_slice %arg6[%dma_start3A, %dma_start3A_16] : memref<8x32xi32, #tpu.memory_space<vmem>> -> memref<1x32xi32, #tpu.memory_space<vmem>>
    %dma_start3A_18 = tpu.memref_squeeze %dma_start3A_17 : memref<1x32xi32, #tpu.memory_space<vmem>> -> memref<32xi32, #tpu.memory_space<vmem>>
    %dma_start3A_19 = arith.constant 0 : i32
    %dma_start3A_20 = arith.constant 0 : i32
    %dma_start3A_21 = tpu.memref_slice %arg2[%dma_start3A_19, %dma_start3A_20] : memref<9216x1024xf32, #tpu.memory_space<hbm>> -> memref<9216x1024xf32, #tpu.memory_space<hbm>>
    tpu.enqueue_indirect_dma source(%dma_start3A_21 : memref<9216x1024xf32, #tpu.memory_space<hbm>>) target(%dma_start3A_15 : memref<32x1024xf32, #tpu.memory_space<vmem>>) offsets(%dma_start3A_18 : memref<32xi32, #tpu.memory_space<vmem>>) semaphore(%arg8 : memref<!tpu.dma_semaphore, #tpu.memory_space<semaphore_mem>>)
    %dma_wait3A = arith.constant 0 : i32
    %dma_wait3A_22 = arith.constant 0 : i32
    %dma_wait3A_23 = arith.constant 0 : i32
    %dma_wait3A_24 = arith.constant 0 : i32
    %dma_wait3A_25 = tpu.memref_slice %arg7[%dma_wait3A_22, %dma_wait3A_23, %dma_wait3A_24] : memref<2x32x1024xf32, #tpu.memory_space<vmem>> -> memref<1x32x1024xf32, #tpu.memory_space<vmem>>
    %dma_wait3A_26 = tpu.memref_squeeze %dma_wait3A_25 : memref<1x32x1024xf32, #tpu.memory_space<vmem>> -> memref<32x1024xf32, #tpu.memory_space<vmem>>
    %dma_wait3A_27 = arith.constant 0 : i32
    %dma_wait3A_28 = tpu.memref_slice %arg6[%dma_wait3A, %dma_wait3A_27] : memref<8x32xi32, #tpu.memory_space<vmem>> -> memref<1x32xi32, #tpu.memory_space<vmem>>
    %dma_wait3A_29 = tpu.memref_squeeze %dma_wait3A_28 : memref<1x32xi32, #tpu.memory_space<vmem>> -> memref<32xi32, #tpu.memory_space<vmem>>
    %dma_wait3A_30 = arith.constant 0 : i32
    %dma_wait3A_31 = arith.constant 0 : i32
    %dma_wait3A_32 = tpu.memref_slice %arg2[%dma_wait3A_30, %dma_wait3A_31] : memref<9216x1024xf32, #tpu.memory_space<hbm>> -> memref<9216x1024xf32, #tpu.memory_space<hbm>>
    tpu.wait_indirect_dma semaphore(%arg8 : memref<!tpu.dma_semaphore, #tpu.memory_space<semaphore_mem>>) src(%dma_wait3A_32 : memref<9216x1024xf32, #tpu.memory_space<hbm>>) dst(%dma_wait3A_26 : memref<32x1024xf32, #tpu.memory_space<vmem>>)
    %dma_start3A_33 = arith.constant 0 : i32
    %dma_start3A_34 = arith.constant 0 : i32
    %dma_start3A_35 = arith.constant 0 : i32
    %dma_start3A_36 = tpu.memref_slice %arg7[%dma_start3A_33, %dma_start3A_34, %dma_start3A_35] : memref<2x32x1024xf32, #tpu.memory_space<vmem>> -> memref<1x32x1024xf32, #tpu.memory_space<vmem>>
    %dma_start3A_37 = tpu.memref_squeeze %dma_start3A_36 : memref<1x32x1024xf32, #tpu.memory_space<vmem>> -> memref<32x1024xf32, #tpu.memory_space<vmem>>
    %dma_start3A_38 = arith.constant 0 : i32
    %dma_start3A_39 = tpu.memref_slice %arg4[%add3A_10, %dma_start3A_38] : memref<4096x1024xf32, #tpu.memory_space<hbm>> -> memref<32x1024xf32, #tpu.memory_space<hbm>>
    %dma_start3A_40 = arith.constant 0 : i32
    %dma_start3A_41 = tpu.memref_slice %arg4[%add3A_10, %dma_start3A_40] : memref<4096x1024xf32, #tpu.memory_space<hbm>> -> memref<32x1024xf32, #tpu.memory_space<hbm>>
    %dma_start3A_42 = arith.constant 0 : i32
    %dma_start3A_43 = arith.constant 0 : i32
    %dma_start3A_44 = tpu.memref_slice %arg7[%dma_start3A_33, %dma_start3A_42, %dma_start3A_43] : memref<2x32x1024xf32, #tpu.memory_space<vmem>> -> memref<1x32x1024xf32, #tpu.memory_space<vmem>>
    %dma_start3A_45 = tpu.memref_squeeze %dma_start3A_44 : memref<1x32x1024xf32, #tpu.memory_space<vmem>> -> memref<32x1024xf32, #tpu.memory_space<vmem>>
    tpu.enqueue_dma source(%dma_start3A_45 : memref<32x1024xf32, #tpu.memory_space<vmem>>) target(%dma_start3A_41 : memref<32x1024xf32, #tpu.memory_space<hbm>>) target_semaphore(%arg9 : memref<!tpu.dma_semaphore, #tpu.memory_space<semaphore_mem>>)
    %add3A_46 = arith.constant 32 : i32
    %add3A_47 = arith.addi %mul3A_2, %add3A_46 : i32
    %dma_start3A_48 = arith.constant 1 : i32
    %dma_start3A_49 = arith.constant 1 : i32
    %dma_start3A_50 = arith.constant 0 : i32
    %dma_start3A_51 = arith.constant 0 : i32
    %dma_start3A_52 = tpu.memref_slice %arg7[%dma_start3A_49, %dma_start3A_50, %dma_start3A_51] : memref<2x32x1024xf32, #tpu.memory_space<vmem>> -> memref<1x32x1024xf32, #tpu.memory_space<vmem>>
    %dma_start3A_53 = tpu.memref_squeeze %dma_start3A_52 : memref<1x32x1024xf32, #tpu.memory_space<vmem>> -> memref<32x1024xf32, #tpu.memory_space<vmem>>
    %dma_start3A_54 = arith.constant 0 : i32
    %dma_start3A_55 = tpu.memref_slice %arg6[%dma_start3A_48, %dma_start3A_54] : memref<8x32xi32, #tpu.memory_space<vmem>> -> memref<1x32xi32, #tpu.memory_space<vmem>>
    %dma_start3A_56 = tpu.memref_squeeze %dma_start3A_55 : memref<1x32xi32, #tpu.memory_space<vmem>> -> memref<32xi32, #tpu.memory_space<vmem>>
    %dma_start3A_57 = arith.constant 0 : i32
    %dma_start3A_58 = arith.constant 0 : i32
    %dma_start3A_59 = tpu.memref_slice %arg2[%dma_start3A_57, %dma_start3A_58] : memref<9216x1024xf32, #tpu.memory_space<hbm>> -> memref<9216x1024xf32, #tpu.memory_space<hbm>>
    tpu.enqueue_indirect_dma source(%dma_start3A_59 : memref<9216x1024xf32, #tpu.memory_space<hbm>>) target(%dma_start3A_53 : memref<32x1024xf32, #tpu.memory_space<vmem>>) offsets(%dma_start3A_56 : memref<32xi32, #tpu.memory_space<vmem>>) semaphore(%arg8 : memref<!tpu.dma_semaphore, #tpu.memory_space<semaphore_mem>>)
    %dma_wait3A_60 = arith.constant 1 : i32
    %dma_wait3A_61 = arith.constant 1 : i32
    %dma_wait3A_62 = arith.constant 0 : i32
    %dma_wait3A_63 = arith.constant 0 : i32
    %dma_wait3A_64 = tpu.memref_slice %arg7[%dma_wait3A_61, %dma_wait3A_62, %dma_wait3A_63] : memref<2x32x1024xf32, #tpu.memory_space<vmem>> -> memref<1x32x1024xf32, #tpu.memory_space<vmem>>
    %dma_wait3A_65 = tpu.memref_squeeze %dma_wait3A_64 : memref<1x32x1024xf32, #tpu.memory_space<vmem>> -> memref<32x1024xf32, #tpu.memory_space<vmem>>
    %dma_wait3A_66 = arith.constant 0 : i32
    %dma_wait3A_67 = tpu.memref_slice %arg6[%dma_wait3A_60, %dma_wait3A_66] : memref<8x32xi32, #tpu.memory_space<vmem>> -> memref<1x32xi32, #tpu.memory_space<vmem>>
    %dma_wait3A_68 = tpu.memref_squeeze %dma_wait3A_67 : memref<1x32xi32, #tpu.memory_space<vmem>> -> memref<32xi32, #tpu.memory_space<vmem>>
    %dma_wait3A_69 = arith.constant 0 : i32
    %dma_wait3A_70 = arith.constant 0 : i32
    %dma_wait3A_71 = tpu.memref_slice %arg2[%dma_wait3A_69, %dma_wait3A_70] : memref<9216x1024xf32, #tpu.memory_space<hbm>> -> memref<9216x1024xf32, #tpu.memory_space<hbm>>
    tpu.wait_indirect_dma semaphore(%arg8 : memref<!tpu.dma_semaphore, #tpu.memory_space<semaphore_mem>>) src(%dma_wait3A_71 : memref<9216x1024xf32, #tpu.memory_space<hbm>>) dst(%dma_wait3A_65 : memref<32x1024xf32, #tpu.memory_space<vmem>>)
    %dma_start3A_72 = arith.constant 1 : i32
    %dma_start3A_73 = arith.constant 0 : i32
    %dma_start3A_74 = arith.constant 0 : i32
    %dma_start3A_75 = tpu.memref_slice %arg7[%dma_start3A_72, %dma_start3A_73, %dma_start3A_74] : memref<2x32x1024xf32, #tpu.memory_space<vmem>> -> memref<1x32x1024xf32, #tpu.memory_space<vmem>>
    %dma_start3A_76 = tpu.memref_squeeze %dma_start3A_75 : memref<1x32x1024xf32, #tpu.memory_space<vmem>> -> memref<32x1024xf32, #tpu.memory_space<vmem>>
    %dma_start3A_77 = arith.constant 0 : i32
    %dma_start3A_78 = tpu.memref_slice %arg4[%add3A_47, %dma_start3A_77] : memref<4096x1024xf32, #tpu.memory_space<hbm>> -> memref<32x1024xf32, #tpu.memory_space<hbm>>
    %dma_start3A_79 = arith.constant 0 : i32
    %dma_start3A_80 = tpu.memref_slice %arg4[%add3A_47, %dma_start3A_79] : memref<4096x1024xf32, #tpu.memory_space<hbm>> -> memref<32x1024xf32, #tpu.memory_space<hbm>>
    %dma_start3A_81 = arith.constant 0 : i32
    %dma_start3A_82 = arith.constant 0 : i32
    %dma_start3A_83 = tpu.memref_slice %arg7[%dma_start3A_72, %dma_start3A_81, %dma_start3A_82] : memref<2x32x1024xf32, #tpu.memory_space<vmem>> -> memref<1x32x1024xf32, #tpu.memory_space<vmem>>
    %dma_start3A_84 = tpu.memref_squeeze %dma_start3A_83 : memref<1x32x1024xf32, #tpu.memory_space<vmem>> -> memref<32x1024xf32, #tpu.memory_space<vmem>>
    tpu.enqueue_dma source(%dma_start3A_84 : memref<32x1024xf32, #tpu.memory_space<vmem>>) target(%dma_start3A_80 : memref<32x1024xf32, #tpu.memory_space<hbm>>) target_semaphore(%arg9 : memref<!tpu.dma_semaphore, #tpu.memory_space<semaphore_mem>>)
    %add3A_85 = arith.constant 64 : i32
    %add3A_86 = arith.addi %mul3A_2, %add3A_85 : i32
    %dma_wait3A_87 = arith.constant 0 : i32
    %dma_wait3A_88 = arith.constant 0 : i32
    %dma_wait3A_89 = arith.constant 0 : i32
    %dma_wait3A_90 = tpu.memref_slice %arg7[%dma_wait3A_87, %dma_wait3A_88, %dma_wait3A_89] : memref<2x32x1024xf32, #tpu.memory_space<vmem>> -> memref<1x32x1024xf32, #tpu.memory_space<vmem>>
    %dma_wait3A_91 = tpu.memref_squeeze %dma_wait3A_90 : memref<1x32x1024xf32, #tpu.memory_space<vmem>> -> memref<32x1024xf32, #tpu.memory_space<vmem>>
    %dma_wait3A_92 = arith.constant 0 : i32
    %dma_wait3A_93 = tpu.memref_slice %arg4[%add3A_10, %dma_wait3A_92] : memref<4096x1024xf32, #tpu.memory_space<hbm>> -> memref<32x1024xf32, #tpu.memory_space<hbm>>
    %dma_wait3A_94 = arith.constant 0 : i32
    %dma_wait3A_95 = tpu.memref_slice %arg4[%add3A_10, %dma_wait3A_94] : memref<4096x1024xf32, #tpu.memory_space<hbm>> -> memref<32x1024xf32, #tpu.memory_space<hbm>>
    %dma_wait3A_96 = arith.constant 0 : i32
    %dma_wait3A_97 = arith.constant 0 : i32
    %dma_wait3A_98 = tpu.memref_slice %arg7[%dma_wait3A_87, %dma_wait3A_96, %dma_wait3A_97] : memref<2x32x1024xf32, #tpu.memory_space<vmem>> -> memref<1x32x1024xf32, #tpu.memory_space<vmem>>
    %dma_wait3A_99 = tpu.memref_squeeze %dma_wait3A_98 : memref<1x32x1024xf32, #tpu.memory_space<vmem>> -> memref<32x1024xf32, #tpu.memory_space<vmem>>
    tpu.wait_dma2 semaphore(%arg9 : memref<!tpu.dma_semaphore, #tpu.memory_space<semaphore_mem>>) src(%dma_wait3A_99 : memref<32x1024xf32, #tpu.memory_space<vmem>>) dst(%dma_wait3A_95 : memref<32x1024xf32, #tpu.memory_space<hbm>>)
    %dma_start3A_100 = arith.constant 2 : i32
    %dma_start3A_101 = arith.constant 0 : i32
    %dma_start3A_102 = arith.constant 0 : i32
    %dma_start3A_103 = arith.constant 0 : i32
    %dma_start3A_104 = tpu.memref_slice %arg7[%dma_start3A_101, %dma_start3A_102, %dma_start3A_103] : memref<2x32x1024xf32, #tpu.memory_space<vmem>> -> memref<1x32x1024xf32, #tpu.memory_space<vmem>>
    %dma_start3A_105 = tpu.memref_squeeze %dma_start3A_104 : memref<1x32x1024xf32, #tpu.memory_space<vmem>> -> memref<32x1024xf32, #tpu.memory_space<vmem>>
    %dma_start3A_106 = arith.constant 0 : i32
    %dma_start3A_107 = tpu.memref_slice %arg6[%dma_start3A_100, %dma_start3A_106] : memref<8x32xi32, #tpu.memory_space<vmem>> -> memref<1x32xi32, #tpu.memory_space<vmem>>
    %dma_start3A_108 = tpu.memref_squeeze %dma_start3A_107 : memref<1x32xi32, #tpu.memory_space<vmem>> -> memref<32xi32, #tpu.memory_space<vmem>>
    %dma_start3A_109 = arith.constant 0 : i32
    %dma_start3A_110 = arith.constant 0 : i32
    %dma_start3A_111 = tpu.memref_slice %arg2[%dma_start3A_109, %dma_start3A_110] : memref<9216x1024xf32, #tpu.memory_space<hbm>> -> memref<9216x1024xf32, #tpu.memory_space<hbm>>
    tpu.enqueue_indirect_dma source(%dma_start3A_111 : memref<9216x1024xf32, #tpu.memory_space<hbm>>) target(%dma_start3A_105 : memref<32x1024xf32, #tpu.memory_space<vmem>>) offsets(%dma_start3A_108 : memref<32xi32, #tpu.memory_space<vmem>>) semaphore(%arg8 : memref<!tpu.dma_semaphore, #tpu.memory_space<semaphore_mem>>)
    %dma_wait3A_112 = arith.constant 2 : i32
    %dma_wait3A_113 = arith.constant 0 : i32
    %dma_wait3A_114 = arith.constant 0 : i32
    %dma_wait3A_115 = arith.constant 0 : i32
    %dma_wait3A_116 = tpu.memref_slice %arg7[%dma_wait3A_113, %dma_wait3A_114, %dma_wait3A_115] : memref<2x32x1024xf32, #tpu.memory_space<vmem>> -> memref<1x32x1024xf32, #tpu.memory_space<vmem>>
    %dma_wait3A_117 = tpu.memref_squeeze %dma_wait3A_116 : memref<1x32x1024xf32, #tpu.memory_space<vmem>> -> memref<32x1024xf32, #tpu.memory_space<vmem>>
    %dma_wait3A_118 = arith.constant 0 : i32
    %dma_wait3A_119 = tpu.memref_slice %arg6[%dma_wait3A_112, %dma_wait3A_118] : memref<8x32xi32, #tpu.memory_space<vmem>> -> memref<1x32xi32, #tpu.memory_space<vmem>>
    %dma_wait3A_120 = tpu.memref_squeeze %dma_wait3A_119 : memref<1x32xi32, #tpu.memory_space<vmem>> -> memref<32xi32, #tpu.memory_space<vmem>>
    %dma_wait3A_121 = arith.constant 0 : i32
    %dma_wait3A_122 = arith.constant 0 : i32
    %dma_wait3A_123 = tpu.memref_slice %arg2[%dma_wait3A_121, %dma_wait3A_122] : memref<9216x1024xf32, #tpu.memory_space<hbm>> -> memref<9216x1024xf32, #tpu.memory_space<hbm>>
    tpu.wait_indirect_dma semaphore(%arg8 : memref<!tpu.dma_semaphore, #tpu.memory_space<semaphore_mem>>) src(%dma_wait3A_123 : memref<9216x1024xf32, #tpu.memory_space<hbm>>) dst(%dma_wait3A_117 : memref<32x1024xf32, #tpu.memory_space<vmem>>)
    %dma_start3A_124 = arith.constant 0 : i32
    %dma_start3A_125 = arith.constant 0 : i32
    %dma_start3A_126 = arith.constant 0 : i32
    %dma_start3A_127 = tpu.memref_slice %arg7[%dma_start3A_124, %dma_start3A_125, %dma_start3A_126] : memref<2x32x1024xf32, #tpu.memory_space<vmem>> -> memref<1x32x1024xf32, #tpu.memory_space<vmem>>
    %dma_start3A_128 = tpu.memref_squeeze %dma_start3A_127 : memref<1x32x1024xf32, #tpu.memory_space<vmem>> -> memref<32x1024xf32, #tpu.memory_space<vmem>>
    %dma_start3A_129 = arith.constant 0 : i32
    %dma_start3A_130 = tpu.memref_slice %arg4[%add3A_86, %dma_start3A_129] : memref<4096x1024xf32, #tpu.memory_space<hbm>> -> memref<32x1024xf32, #tpu.memory_space<hbm>>
    %dma_start3A_131 = arith.constant 0 : i32
    %dma_start3A_132 = tpu.memref_slice %arg4[%add3A_86, %dma_start3A_131] : memref<4096x1024xf32, #tpu.memory_space<hbm>> -> memref<32x1024xf32, #tpu.memory_space<hbm>>
    %dma_start3A_133 = arith.constant 0 : i32
    %dma_start3A_134 = arith.constant 0 : i32
    %dma_start3A_135 = tpu.memref_slice %arg7[%dma_start3A_124, %dma_start3A_133, %dma_start3A_134] : memref<2x32x1024xf32, #tpu.memory_space<vmem>> -> memref<1x32x1024xf32, #tpu.memory_space<vmem>>
    %dma_start3A_136 = tpu.memref_squeeze %dma_start3A_135 : memref<1x32x1024xf32, #tpu.memory_space<vmem>> -> memref<32x1024xf32, #tpu.memory_space<vmem>>
    tpu.enqueue_dma source(%dma_start3A_136 : memref<32x1024xf32, #tpu.memory_space<vmem>>) target(%dma_start3A_132 : memref<32x1024xf32, #tpu.memory_space<hbm>>) target_semaphore(%arg9 : memref<!tpu.dma_semaphore, #tpu.memory_space<semaphore_mem>>)
    %add3A_137 = arith.constant 96 : i32
    %add3A_138 = arith.addi %mul3A_2, %add3A_137 : i32
    %dma_wait3A_139 = arith.constant 1 : i32
    %dma_wait3A_140 = arith.constant 0 : i32
    %dma_wait3A_141 = arith.constant 0 : i32
    %dma_wait3A_142 = tpu.memref_slice %arg7[%dma_wait3A_139, %dma_wait3A_140, %dma_wait3A_141] : memref<2x32x1024xf32, #tpu.memory_space<vmem>> -> memref<1x32x1024xf32, #tpu.memory_space<vmem>>
    %dma_wait3A_143 = tpu.memref_squeeze %dma_wait3A_142 : memref<1x32x1024xf32, #tpu.memory_space<vmem>> -> memref<32x1024xf32, #tpu.memory_space<vmem>>
    %dma_wait3A_144 = arith.constant 0 : i32
    %dma_wait3A_145 = tpu.memref_slice %arg4[%add3A_47, %dma_wait3A_144] : memref<4096x1024xf32, #tpu.memory_space<hbm>> -> memref<32x1024xf32, #tpu.memory_space<hbm>>
    %dma_wait3A_146 = arith.constant 0 : i32
    %dma_wait3A_147 = tpu.memref_slice %arg4[%add3A_47, %dma_wait3A_146] : memref<4096x1024xf32, #tpu.memory_space<hbm>> -> memref<32x1024xf32, #tpu.memory_space<hbm>>
    %dma_wait3A_148 = arith.constant 0 : i32
    %dma_wait3A_149 = arith.constant 0 : i32
    %dma_wait3A_150 = tpu.memref_slice %arg7[%dma_wait3A_139, %dma_wait3A_148, %dma_wait3A_149] : memref<2x32x1024xf32, #tpu.memory_space<vmem>> -> memref<1x32x1024xf32, #tpu.memory_space<vmem>>
    %dma_wait3A_151 = tpu.memref_squeeze %dma_wait3A_150 : memref<1x32x1024xf32, #tpu.memory_space<vmem>> -> memref<32x1024xf32, #tpu.memory_space<vmem>>
    tpu.wait_dma2 semaphore(%arg9 : memref<!tpu.dma_semaphore, #tpu.memory_space<semaphore_mem>>) src(%dma_wait3A_151 : memref<32x1024xf32, #tpu.memory_space<vmem>>) dst(%dma_wait3A_147 : memref<32x1024xf32, #tpu.memory_space<hbm>>)
    %dma_start3A_152 = arith.constant 3 : i32
    %dma_start3A_153 = arith.constant 1 : i32
    %dma_start3A_154 = arith.constant 0 : i32
    %dma_start3A_155 = arith.constant 0 : i32
    %dma_start3A_156 = tpu.memref_slice %arg7[%dma_start3A_153, %dma_start3A_154, %dma_start3A_155] : memref<2x32x1024xf32, #tpu.memory_space<vmem>> -> memref<1x32x1024xf32, #tpu.memory_space<vmem>>
    %dma_start3A_157 = tpu.memref_squeeze %dma_start3A_156 : memref<1x32x1024xf32, #tpu.memory_space<vmem>> -> memref<32x1024xf32, #tpu.memory_space<vmem>>
    %dma_start3A_158 = arith.constant 0 : i32
    %dma_start3A_159 = tpu.memref_slice %arg6[%dma_start3A_152, %dma_start3A_158] : memref<8x32xi32, #tpu.memory_space<vmem>> -> memref<1x32xi32, #tpu.memory_space<vmem>>
    %dma_start3A_160 = tpu.memref_squeeze %dma_start3A_159 : memref<1x32xi32, #tpu.memory_space<vmem>> -> memref<32xi32, #tpu.memory_space<vmem>>
    %dma_start3A_161 = arith.constant 0 : i32
    %dma_start3A_162 = arith.constant 0 : i32
    %dma_start3A_163 = tpu.memref_slice %arg2[%dma_start3A_161, %dma_start3A_162] : memref<9216x1024xf32, #tpu.memory_space<hbm>> -> memref<9216x1024xf32, #tpu.memory_space<hbm>>
    tpu.enqueue_indirect_dma source(%dma_start3A_163 : memref<9216x1024xf32, #tpu.memory_space<hbm>>) target(%dma_start3A_157 : memref<32x1024xf32, #tpu.memory_space<vmem>>) offsets(%dma_start3A_160 : memref<32xi32, #tpu.memory_space<vmem>>) semaphore(%arg8 : memref<!tpu.dma_semaphore, #tpu.memory_space<semaphore_mem>>)
    %dma_wait3A_164 = arith.constant 3 : i32
    %dma_wait3A_165 = arith.constant 1 : i32
    %dma_wait3A_166 = arith.constant 0 : i32
    %dma_wait3A_167 = arith.constant 0 : i32
    %dma_wait3A_168 = tpu.memref_slice %arg7[%dma_wait3A_165, %dma_wait3A_166, %dma_wait3A_167] : memref<2x32x1024xf32, #tpu.memory_space<vmem>> -> memref<1x32x1024xf32, #tpu.memory_space<vmem>>
    %dma_wait3A_169 = tpu.memref_squeeze %dma_wait3A_168 : memref<1x32x1024xf32, #tpu.memory_space<vmem>> -> memref<32x1024xf32, #tpu.memory_space<vmem>>
    %dma_wait3A_170 = arith.constant 0 : i32
    %dma_wait3A_171 = tpu.memref_slice %arg6[%dma_wait3A_164, %dma_wait3A_170] : memref<8x32xi32, #tpu.memory_space<vmem>> -> memref<1x32xi32, #tpu.memory_space<vmem>>
    %dma_wait3A_172 = tpu.memref_squeeze %dma_wait3A_171 : memref<1x32xi32, #tpu.memory_space<vmem>> -> memref<32xi32, #tpu.memory_space<vmem>>
    %dma_wait3A_173 = arith.constant 0 : i32
    %dma_wait3A_174 = arith.constant 0 : i32
    %dma_wait3A_175 = tpu.memref_slice %arg2[%dma_wait3A_173, %dma_wait3A_174] : memref<9216x1024xf32, #tpu.memory_space<hbm>> -> memref<9216x1024xf32, #tpu.memory_space<hbm>>
    tpu.wait_indirect_dma semaphore(%arg8 : memref<!tpu.dma_semaphore, #tpu.memory_space<semaphore_mem>>) src(%dma_wait3A_175 : memref<9216x1024xf32, #tpu.memory_space<hbm>>) dst(%dma_wait3A_169 : memref<32x1024xf32, #tpu.memory_space<vmem>>)
    %dma_start3A_176 = arith.constant 1 : i32
    %dma_start3A_177 = arith.constant 0 : i32
    %dma_start3A_178 = arith.constant 0 : i32
    %dma_start3A_179 = tpu.memref_slice %arg7[%dma_start3A_176, %dma_start3A_177, %dma_start3A_178] : memref<2x32x1024xf32, #tpu.memory_space<vmem>> -> memref<1x32x1024xf32, #tpu.memory_space<vmem>>
    %dma_start3A_180 = tpu.memref_squeeze %dma_start3A_179 : memref<1x32x1024xf32, #tpu.memory_space<vmem>> -> memref<32x1024xf32, #tpu.memory_space<vmem>>
    %dma_start3A_181 = arith.constant 0 : i32
    %dma_start3A_182 = tpu.memref_slice %arg4[%add3A_138, %dma_start3A_181] : memref<4096x1024xf32, #tpu.memory_space<hbm>> -> memref<32x1024xf32, #tpu.memory_space<hbm>>
    %dma_start3A_183 = arith.constant 0 : i32
    %dma_start3A_184 = tpu.memref_slice %arg4[%add3A_138, %dma_start3A_183] : memref<4096x1024xf32, #tpu.memory_space<hbm>> -> memref<32x1024xf32, #tpu.memory_space<hbm>>
    %dma_start3A_185 = arith.constant 0 : i32
    %dma_start3A_186 = arith.constant 0 : i32
    %dma_start3A_187 = tpu.memref_slice %arg7[%dma_start3A_176, %dma_start3A_185, %dma_start3A_186] : memref<2x32x1024xf32, #tpu.memory_space<vmem>> -> memref<1x32x1024xf32, #tpu.memory_space<vmem>>
    %dma_start3A_188 = tpu.memref_squeeze %dma_start3A_187 : memref<1x32x1024xf32, #tpu.memory_space<vmem>> -> memref<32x1024xf32, #tpu.memory_space<vmem>>
    tpu.enqueue_dma source(%dma_start3A_188 : memref<32x1024xf32, #tpu.memory_space<vmem>>) target(%dma_start3A_184 : memref<32x1024xf32, #tpu.memory_space<hbm>>) target_semaphore(%arg9 : memref<!tpu.dma_semaphore, #tpu.memory_space<semaphore_mem>>)
    %add3A_189 = arith.constant 0 : i32
    %add3A_190 = arith.addi %mul3A_2, %add3A_189 : i32
    %dma_wait3A_191 = arith.constant 0 : i32
    %dma_wait3A_192 = arith.constant 0 : i32
    %dma_wait3A_193 = arith.constant 0 : i32
    %dma_wait3A_194 = tpu.memref_slice %arg7[%dma_wait3A_191, %dma_wait3A_192, %dma_wait3A_193] : memref<2x32x1024xf32, #tpu.memory_space<vmem>> -> memref<1x32x1024xf32, #tpu.memory_space<vmem>>
    %dma_wait3A_195 = tpu.memref_squeeze %dma_wait3A_194 : memref<1x32x1024xf32, #tpu.memory_space<vmem>> -> memref<32x1024xf32, #tpu.memory_space<vmem>>
    %dma_wait3A_196 = arith.constant 0 : i32
    %dma_wait3A_197 = tpu.memref_slice %arg4[%add3A_86, %dma_wait3A_196] : memref<4096x1024xf32, #tpu.memory_space<hbm>> -> memref<32x1024xf32, #tpu.memory_space<hbm>>
    %dma_wait3A_198 = arith.constant 0 : i32
    %dma_wait3A_199 = tpu.memref_slice %arg4[%add3A_86, %dma_wait3A_198] : memref<4096x1024xf32, #tpu.memory_space<hbm>> -> memref<32x1024xf32, #tpu.memory_space<hbm>>
    %dma_wait3A_200 = arith.constant 0 : i32
    %dma_wait3A_201 = arith.constant 0 : i32
    %dma_wait3A_202 = tpu.memref_slice %arg7[%dma_wait3A_191, %dma_wait3A_200, %dma_wait3A_201] : memref<2x32x1024xf32, #tpu.memory_space<vmem>> -> memref<1x32x1024xf32, #tpu.memory_space<vmem>>
    %dma_wait3A_203 = tpu.memref_squeeze %dma_wait3A_202 : memref<1x32x1024xf32, #tpu.memory_space<vmem>> -> memref<32x1024xf32, #tpu.memory_space<vmem>>
    tpu.wait_dma2 semaphore(%arg9 : memref<!tpu.dma_semaphore, #tpu.memory_space<semaphore_mem>>) src(%dma_wait3A_203 : memref<32x1024xf32, #tpu.memory_space<vmem>>) dst(%dma_wait3A_199 : memref<32x1024xf32, #tpu.memory_space<hbm>>)
    %dma_start3A_204 = arith.constant 4 : i32
    %dma_start3A_205 = arith.constant 0 : i32
    %dma_start3A_206 = arith.constant 0 : i32
    %dma_start3A_207 = arith.constant 0 : i32
    %dma_start3A_208 = tpu.memref_slice %arg7[%dma_start3A_205, %dma_start3A_206, %dma_start3A_207] : memref<2x32x1024xf32, #tpu.memory_space<vmem>> -> memref<1x32x1024xf32, #tpu.memory_space<vmem>>
    %dma_start3A_209 = tpu.memref_squeeze %dma_start3A_208 : memref<1x32x1024xf32, #tpu.memory_space<vmem>> -> memref<32x1024xf32, #tpu.memory_space<vmem>>
    %dma_start3A_210 = arith.constant 0 : i32
    %dma_start3A_211 = tpu.memref_slice %arg6[%dma_start3A_204, %dma_start3A_210] : memref<8x32xi32, #tpu.memory_space<vmem>> -> memref<1x32xi32, #tpu.memory_space<vmem>>
    %dma_start3A_212 = tpu.memref_squeeze %dma_start3A_211 : memref<1x32xi32, #tpu.memory_space<vmem>> -> memref<32xi32, #tpu.memory_space<vmem>>
    %dma_start3A_213 = arith.constant 0 : i32
    %dma_start3A_214 = arith.constant 0 : i32
    %dma_start3A_215 = tpu.memref_slice %arg2[%dma_start3A_213, %dma_start3A_214] : memref<9216x1024xf32, #tpu.memory_space<hbm>> -> memref<9216x1024xf32, #tpu.memory_space<hbm>>
    tpu.enqueue_indirect_dma source(%dma_start3A_215 : memref<9216x1024xf32, #tpu.memory_space<hbm>>) target(%dma_start3A_209 : memref<32x1024xf32, #tpu.memory_space<vmem>>) offsets(%dma_start3A_212 : memref<32xi32, #tpu.memory_space<vmem>>) semaphore(%arg8 : memref<!tpu.dma_semaphore, #tpu.memory_space<semaphore_mem>>)
    %dma_wait3A_216 = arith.constant 4 : i32
    %dma_wait3A_217 = arith.constant 0 : i32
    %dma_wait3A_218 = arith.constant 0 : i32
    %dma_wait3A_219 = arith.constant 0 : i32
    %dma_wait3A_220 = tpu.memref_slice %arg7[%dma_wait3A_217, %dma_wait3A_218, %dma_wait3A_219] : memref<2x32x1024xf32, #tpu.memory_space<vmem>> -> memref<1x32x1024xf32, #tpu.memory_space<vmem>>
    %dma_wait3A_221 = tpu.memref_squeeze %dma_wait3A_220 : memref<1x32x1024xf32, #tpu.memory_space<vmem>> -> memref<32x1024xf32, #tpu.memory_space<vmem>>
    %dma_wait3A_222 = arith.constant 0 : i32
    %dma_wait3A_223 = tpu.memref_slice %arg6[%dma_wait3A_216, %dma_wait3A_222] : memref<8x32xi32, #tpu.memory_space<vmem>> -> memref<1x32xi32, #tpu.memory_space<vmem>>
    %dma_wait3A_224 = tpu.memref_squeeze %dma_wait3A_223 : memref<1x32xi32, #tpu.memory_space<vmem>> -> memref<32xi32, #tpu.memory_space<vmem>>
    %dma_wait3A_225 = arith.constant 0 : i32
    %dma_wait3A_226 = arith.constant 0 : i32
    %dma_wait3A_227 = tpu.memref_slice %arg2[%dma_wait3A_225, %dma_wait3A_226] : memref<9216x1024xf32, #tpu.memory_space<hbm>> -> memref<9216x1024xf32, #tpu.memory_space<hbm>>
    tpu.wait_indirect_dma semaphore(%arg8 : memref<!tpu.dma_semaphore, #tpu.memory_space<semaphore_mem>>) src(%dma_wait3A_227 : memref<9216x1024xf32, #tpu.memory_space<hbm>>) dst(%dma_wait3A_221 : memref<32x1024xf32, #tpu.memory_space<vmem>>)
    %dma_start3A_228 = arith.constant 0 : i32
    %dma_start3A_229 = arith.constant 0 : i32
    %dma_start3A_230 = arith.constant 0 : i32
    %dma_start3A_231 = tpu.memref_slice %arg7[%dma_start3A_228, %dma_start3A_229, %dma_start3A_230] : memref<2x32x1024xf32, #tpu.memory_space<vmem>> -> memref<1x32x1024xf32, #tpu.memory_space<vmem>>
    %dma_start3A_232 = tpu.memref_squeeze %dma_start3A_231 : memref<1x32x1024xf32, #tpu.memory_space<vmem>> -> memref<32x1024xf32, #tpu.memory_space<vmem>>
    %dma_start3A_233 = arith.constant 0 : i32
    %dma_start3A_234 = tpu.memref_slice %arg5[%add3A_190, %dma_start3A_233] : memref<4096x1024xf32, #tpu.memory_space<hbm>> -> memref<32x1024xf32, #tpu.memory_space<hbm>>
    %dma_start3A_235 = arith.constant 0 : i32
    %dma_start3A_236 = tpu.memref_slice %arg5[%add3A_190, %dma_start3A_235] : memref<4096x1024xf32, #tpu.memory_space<hbm>> -> memref<32x1024xf32, #tpu.memory_space<hbm>>
    %dma_start3A_237 = arith.constant 0 : i32
    %dma_start3A_238 = arith.constant 0 : i32
    %dma_start3A_239 = tpu.memref_slice %arg7[%dma_start3A_228, %dma_start3A_237, %dma_start3A_238] : memref<2x32x1024xf32, #tpu.memory_space<vmem>> -> memref<1x32x1024xf32, #tpu.memory_space<vmem>>
    %dma_start3A_240 = tpu.memref_squeeze %dma_start3A_239 : memref<1x32x1024xf32, #tpu.memory_space<vmem>> -> memref<32x1024xf32, #tpu.memory_space<vmem>>
    tpu.enqueue_dma source(%dma_start3A_240 : memref<32x1024xf32, #tpu.memory_space<vmem>>) target(%dma_start3A_236 : memref<32x1024xf32, #tpu.memory_space<hbm>>) target_semaphore(%arg9 : memref<!tpu.dma_semaphore, #tpu.memory_space<semaphore_mem>>)
    %add3A_241 = arith.constant 32 : i32
    %add3A_242 = arith.addi %mul3A_2, %add3A_241 : i32
    %dma_wait3A_243 = arith.constant 1 : i32
    %dma_wait3A_244 = arith.constant 0 : i32
    %dma_wait3A_245 = arith.constant 0 : i32
    %dma_wait3A_246 = tpu.memref_slice %arg7[%dma_wait3A_243, %dma_wait3A_244, %dma_wait3A_245] : memref<2x32x1024xf32, #tpu.memory_space<vmem>> -> memref<1x32x1024xf32, #tpu.memory_space<vmem>>
    %dma_wait3A_247 = tpu.memref_squeeze %dma_wait3A_246 : memref<1x32x1024xf32, #tpu.memory_space<vmem>> -> memref<32x1024xf32, #tpu.memory_space<vmem>>
    %dma_wait3A_248 = arith.constant 0 : i32
    %dma_wait3A_249 = tpu.memref_slice %arg4[%add3A_138, %dma_wait3A_248] : memref<4096x1024xf32, #tpu.memory_space<hbm>> -> memref<32x1024xf32, #tpu.memory_space<hbm>>
    %dma_wait3A_250 = arith.constant 0 : i32
    %dma_wait3A_251 = tpu.memref_slice %arg4[%add3A_138, %dma_wait3A_250] : memref<4096x1024xf32, #tpu.memory_space<hbm>> -> memref<32x1024xf32, #tpu.memory_space<hbm>>
    %dma_wait3A_252 = arith.constant 0 : i32
    %dma_wait3A_253 = arith.constant 0 : i32
    %dma_wait3A_254 = tpu.memref_slice %arg7[%dma_wait3A_243, %dma_wait3A_252, %dma_wait3A_253] : memref<2x32x1024xf32, #tpu.memory_space<vmem>> -> memref<1x32x1024xf32, #tpu.memory_space<vmem>>
    %dma_wait3A_255 = tpu.memref_squeeze %dma_wait3A_254 : memref<1x32x1024xf32, #tpu.memory_space<vmem>> -> memref<32x1024xf32, #tpu.memory_space<vmem>>
    tpu.wait_dma2 semaphore(%arg9 : memref<!tpu.dma_semaphore, #tpu.memory_space<semaphore_mem>>) src(%dma_wait3A_255 : memref<32x1024xf32, #tpu.memory_space<vmem>>) dst(%dma_wait3A_251 : memref<32x1024xf32, #tpu.memory_space<hbm>>)
    %dma_start3A_256 = arith.constant 5 : i32
    %dma_start3A_257 = arith.constant 1 : i32
    %dma_start3A_258 = arith.constant 0 : i32
    %dma_start3A_259 = arith.constant 0 : i32
    %dma_start3A_260 = tpu.memref_slice %arg7[%dma_start3A_257, %dma_start3A_258, %dma_start3A_259] : memref<2x32x1024xf32, #tpu.memory_space<vmem>> -> memref<1x32x1024xf32, #tpu.memory_space<vmem>>
    %dma_start3A_261 = tpu.memref_squeeze %dma_start3A_260 : memref<1x32x1024xf32, #tpu.memory_space<vmem>> -> memref<32x1024xf32, #tpu.memory_space<vmem>>
    %dma_start3A_262 = arith.constant 0 : i32
    %dma_start3A_263 = tpu.memref_slice %arg6[%dma_start3A_256, %dma_start3A_262] : memref<8x32xi32, #tpu.memory_space<vmem>> -> memref<1x32xi32, #tpu.memory_space<vmem>>
    %dma_start3A_264 = tpu.memref_squeeze %dma_start3A_263 : memref<1x32xi32, #tpu.memory_space<vmem>> -> memref<32xi32, #tpu.memory_space<vmem>>
    %dma_start3A_265 = arith.constant 0 : i32
    %dma_start3A_266 = arith.constant 0 : i32
    %dma_start3A_267 = tpu.memref_slice %arg2[%dma_start3A_265, %dma_start3A_266] : memref<9216x1024xf32, #tpu.memory_space<hbm>> -> memref<9216x1024xf32, #tpu.memory_space<hbm>>
    tpu.enqueue_indirect_dma source(%dma_start3A_267 : memref<9216x1024xf32, #tpu.memory_space<hbm>>) target(%dma_start3A_261 : memref<32x1024xf32, #tpu.memory_space<vmem>>) offsets(%dma_start3A_264 : memref<32xi32, #tpu.memory_space<vmem>>) semaphore(%arg8 : memref<!tpu.dma_semaphore, #tpu.memory_space<semaphore_mem>>)
    %dma_wait3A_268 = arith.constant 5 : i32
    %dma_wait3A_269 = arith.constant 1 : i32
    %dma_wait3A_270 = arith.constant 0 : i32
    %dma_wait3A_271 = arith.constant 0 : i32
    %dma_wait3A_272 = tpu.memref_slice %arg7[%dma_wait3A_269, %dma_wait3A_270, %dma_wait3A_271] : memref<2x32x1024xf32, #tpu.memory_space<vmem>> -> memref<1x32x1024xf32, #tpu.memory_space<vmem>>
    %dma_wait3A_273 = tpu.memref_squeeze %dma_wait3A_272 : memref<1x32x1024xf32, #tpu.memory_space<vmem>> -> memref<32x1024xf32, #tpu.memory_space<vmem>>
    %dma_wait3A_274 = arith.constant 0 : i32
    %dma_wait3A_275 = tpu.memref_slice %arg6[%dma_wait3A_268, %dma_wait3A_274] : memref<8x32xi32, #tpu.memory_space<vmem>> -> memref<1x32xi32, #tpu.memory_space<vmem>>
    %dma_wait3A_276 = tpu.memref_squeeze %dma_wait3A_275 : memref<1x32xi32, #tpu.memory_space<vmem>> -> memref<32xi32, #tpu.memory_space<vmem>>
    %dma_wait3A_277 = arith.constant 0 : i32
    %dma_wait3A_278 = arith.constant 0 : i32
    %dma_wait3A_279 = tpu.memref_slice %arg2[%dma_wait3A_277, %dma_wait3A_278] : memref<9216x1024xf32, #tpu.memory_space<hbm>> -> memref<9216x1024xf32, #tpu.memory_space<hbm>>
    tpu.wait_indirect_dma semaphore(%arg8 : memref<!tpu.dma_semaphore, #tpu.memory_space<semaphore_mem>>) src(%dma_wait3A_279 : memref<9216x1024xf32, #tpu.memory_space<hbm>>) dst(%dma_wait3A_273 : memref<32x1024xf32, #tpu.memory_space<vmem>>)
    %dma_start3A_280 = arith.constant 1 : i32
    %dma_start3A_281 = arith.constant 0 : i32
    %dma_start3A_282 = arith.constant 0 : i32
    %dma_start3A_283 = tpu.memref_slice %arg7[%dma_start3A_280, %dma_start3A_281, %dma_start3A_282] : memref<2x32x1024xf32, #tpu.memory_space<vmem>> -> memref<1x32x1024xf32, #tpu.memory_space<vmem>>
    %dma_start3A_284 = tpu.memref_squeeze %dma_start3A_283 : memref<1x32x1024xf32, #tpu.memory_space<vmem>> -> memref<32x1024xf32, #tpu.memory_space<vmem>>
    %dma_start3A_285 = arith.constant 0 : i32
    %dma_start3A_286 = tpu.memref_slice %arg5[%add3A_242, %dma_start3A_285] : memref<4096x1024xf32, #tpu.memory_space<hbm>> -> memref<32x1024xf32, #tpu.memory_space<hbm>>
    %dma_start3A_287 = arith.constant 0 : i32
    %dma_start3A_288 = tpu.memref_slice %arg5[%add3A_242, %dma_start3A_287] : memref<4096x1024xf32, #tpu.memory_space<hbm>> -> memref<32x1024xf32, #tpu.memory_space<hbm>>
    %dma_start3A_289 = arith.constant 0 : i32
    %dma_start3A_290 = arith.constant 0 : i32
    %dma_start3A_291 = tpu.memref_slice %arg7[%dma_start3A_280, %dma_start3A_289, %dma_start3A_290] : memref<2x32x1024xf32, #tpu.memory_space<vmem>> -> memref<1x32x1024xf32, #tpu.memory_space<vmem>>
    %dma_start3A_292 = tpu.memref_squeeze %dma_start3A_291 : memref<1x32x1024xf32, #tpu.memory_space<vmem>> -> memref<32x1024xf32, #tpu.memory_space<vmem>>
    tpu.enqueue_dma source(%dma_start3A_292 : memref<32x1024xf32, #tpu.memory_space<vmem>>) target(%dma_start3A_288 : memref<32x1024xf32, #tpu.memory_space<hbm>>) target_semaphore(%arg9 : memref<!tpu.dma_semaphore, #tpu.memory_space<semaphore_mem>>)
    %add3A_293 = arith.constant 64 : i32
    %add3A_294 = arith.addi %mul3A_2, %add3A_293 : i32
    %dma_wait3A_295 = arith.constant 0 : i32
    %dma_wait3A_296 = arith.constant 0 : i32
    %dma_wait3A_297 = arith.constant 0 : i32
    %dma_wait3A_298 = tpu.memref_slice %arg7[%dma_wait3A_295, %dma_wait3A_296, %dma_wait3A_297] : memref<2x32x1024xf32, #tpu.memory_space<vmem>> -> memref<1x32x1024xf32, #tpu.memory_space<vmem>>
    %dma_wait3A_299 = tpu.memref_squeeze %dma_wait3A_298 : memref<1x32x1024xf32, #tpu.memory_space<vmem>> -> memref<32x1024xf32, #tpu.memory_space<vmem>>
    %dma_wait3A_300 = arith.constant 0 : i32
    %dma_wait3A_301 = tpu.memref_slice %arg5[%add3A_190, %dma_wait3A_300] : memref<4096x1024xf32, #tpu.memory_space<hbm>> -> memref<32x1024xf32, #tpu.memory_space<hbm>>
    %dma_wait3A_302 = arith.constant 0 : i32
    %dma_wait3A_303 = tpu.memref_slice %arg5[%add3A_190, %dma_wait3A_302] : memref<4096x1024xf32, #tpu.memory_space<hbm>> -> memref<32x1024xf32, #tpu.memory_space<hbm>>
    %dma_wait3A_304 = arith.constant 0 : i32
    %dma_wait3A_305 = arith.constant 0 : i32
    %dma_wait3A_306 = tpu.memref_slice %arg7[%dma_wait3A_295, %dma_wait3A_304, %dma_wait3A_305] : memref<2x32x1024xf32, #tpu.memory_space<vmem>> -> memref<1x32x1024xf32, #tpu.memory_space<vmem>>
    %dma_wait3A_307 = tpu.memref_squeeze %dma_wait3A_306 : memref<1x32x1024xf32, #tpu.memory_space<vmem>> -> memref<32x1024xf32, #tpu.memory_space<vmem>>
    tpu.wait_dma2 semaphore(%arg9 : memref<!tpu.dma_semaphore, #tpu.memory_space<semaphore_mem>>) src(%dma_wait3A_307 : memref<32x1024xf32, #tpu.memory_space<vmem>>) dst(%dma_wait3A_303 : memref<32x1024xf32, #tpu.memory_space<hbm>>)
    %dma_start3A_308 = arith.constant 6 : i32
    %dma_start3A_309 = arith.constant 0 : i32
    %dma_start3A_310 = arith.constant 0 : i32
    %dma_start3A_311 = arith.constant 0 : i32
    %dma_start3A_312 = tpu.memref_slice %arg7[%dma_start3A_309, %dma_start3A_310, %dma_start3A_311] : memref<2x32x1024xf32, #tpu.memory_space<vmem>> -> memref<1x32x1024xf32, #tpu.memory_space<vmem>>
    %dma_start3A_313 = tpu.memref_squeeze %dma_start3A_312 : memref<1x32x1024xf32, #tpu.memory_space<vmem>> -> memref<32x1024xf32, #tpu.memory_space<vmem>>
    %dma_start3A_314 = arith.constant 0 : i32
    %dma_start3A_315 = tpu.memref_slice %arg6[%dma_start3A_308, %dma_start3A_314] : memref<8x32xi32, #tpu.memory_space<vmem>> -> memref<1x32xi32, #tpu.memory_space<vmem>>
    %dma_start3A_316 = tpu.memref_squeeze %dma_start3A_315 : memref<1x32xi32, #tpu.memory_space<vmem>> -> memref<32xi32, #tpu.memory_space<vmem>>
    %dma_start3A_317 = arith.constant 0 : i32
    %dma_start3A_318 = arith.constant 0 : i32
    %dma_start3A_319 = tpu.memref_slice %arg2[%dma_start3A_317, %dma_start3A_318] : memref<9216x1024xf32, #tpu.memory_space<hbm>> -> memref<9216x1024xf32, #tpu.memory_space<hbm>>
    tpu.enqueue_indirect_dma source(%dma_start3A_319 : memref<9216x1024xf32, #tpu.memory_space<hbm>>) target(%dma_start3A_313 : memref<32x1024xf32, #tpu.memory_space<vmem>>) offsets(%dma_start3A_316 : memref<32xi32, #tpu.memory_space<vmem>>) semaphore(%arg8 : memref<!tpu.dma_semaphore, #tpu.memory_space<semaphore_mem>>)
    %dma_wait3A_320 = arith.constant 6 : i32
    %dma_wait3A_321 = arith.constant 0 : i32
    %dma_wait3A_322 = arith.constant 0 : i32
    %dma_wait3A_323 = arith.constant 0 : i32
    %dma_wait3A_324 = tpu.memref_slice %arg7[%dma_wait3A_321, %dma_wait3A_322, %dma_wait3A_323] : memref<2x32x1024xf32, #tpu.memory_space<vmem>> -> memref<1x32x1024xf32, #tpu.memory_space<vmem>>
    %dma_wait3A_325 = tpu.memref_squeeze %dma_wait3A_324 : memref<1x32x1024xf32, #tpu.memory_space<vmem>> -> memref<32x1024xf32, #tpu.memory_space<vmem>>
    %dma_wait3A_326 = arith.constant 0 : i32
    %dma_wait3A_327 = tpu.memref_slice %arg6[%dma_wait3A_320, %dma_wait3A_326] : memref<8x32xi32, #tpu.memory_space<vmem>> -> memref<1x32xi32, #tpu.memory_space<vmem>>
    %dma_wait3A_328 = tpu.memref_squeeze %dma_wait3A_327 : memref<1x32xi32, #tpu.memory_space<vmem>> -> memref<32xi32, #tpu.memory_space<vmem>>
    %dma_wait3A_329 = arith.constant 0 : i32
    %dma_wait3A_330 = arith.constant 0 : i32
    %dma_wait3A_331 = tpu.memref_slice %arg2[%dma_wait3A_329, %dma_wait3A_330] : memref<9216x1024xf32, #tpu.memory_space<hbm>> -> memref<9216x1024xf32, #tpu.memory_space<hbm>>
    tpu.wait_indirect_dma semaphore(%arg8 : memref<!tpu.dma_semaphore, #tpu.memory_space<semaphore_mem>>) src(%dma_wait3A_331 : memref<9216x1024xf32, #tpu.memory_space<hbm>>) dst(%dma_wait3A_325 : memref<32x1024xf32, #tpu.memory_space<vmem>>)
    %dma_start3A_332 = arith.constant 0 : i32
    %dma_start3A_333 = arith.constant 0 : i32
    %dma_start3A_334 = arith.constant 0 : i32
    %dma_start3A_335 = tpu.memref_slice %arg7[%dma_start3A_332, %dma_start3A_333, %dma_start3A_334] : memref<2x32x1024xf32, #tpu.memory_space<vmem>> -> memref<1x32x1024xf32, #tpu.memory_space<vmem>>
    %dma_start3A_336 = tpu.memref_squeeze %dma_start3A_335 : memref<1x32x1024xf32, #tpu.memory_space<vmem>> -> memref<32x1024xf32, #tpu.memory_space<vmem>>
    %dma_start3A_337 = arith.constant 0 : i32
    %dma_start3A_338 = tpu.memref_slice %arg5[%add3A_294, %dma_start3A_337] : memref<4096x1024xf32, #tpu.memory_space<hbm>> -> memref<32x1024xf32, #tpu.memory_space<hbm>>
    %dma_start3A_339 = arith.constant 0 : i32
    %dma_start3A_340 = tpu.memref_slice %arg5[%add3A_294, %dma_start3A_339] : memref<4096x1024xf32, #tpu.memory_space<hbm>> -> memref<32x1024xf32, #tpu.memory_space<hbm>>
    %dma_start3A_341 = arith.constant 0 : i32
    %dma_start3A_342 = arith.constant 0 : i32
    %dma_start3A_343 = tpu.memref_slice %arg7[%dma_start3A_332, %dma_start3A_341, %dma_start3A_342] : memref<2x32x1024xf32, #tpu.memory_space<vmem>> -> memref<1x32x1024xf32, #tpu.memory_space<vmem>>
    %dma_start3A_344 = tpu.memref_squeeze %dma_start3A_343 : memref<1x32x1024xf32, #tpu.memory_space<vmem>> -> memref<32x1024xf32, #tpu.memory_space<vmem>>
    tpu.enqueue_dma source(%dma_start3A_344 : memref<32x1024xf32, #tpu.memory_space<vmem>>) target(%dma_start3A_340 : memref<32x1024xf32, #tpu.memory_space<hbm>>) target_semaphore(%arg9 : memref<!tpu.dma_semaphore, #tpu.memory_space<semaphore_mem>>)
    %add3A_345 = arith.constant 96 : i32
    %add3A_346 = arith.addi %mul3A_2, %add3A_345 : i32
    %dma_wait3A_347 = arith.constant 1 : i32
    %dma_wait3A_348 = arith.constant 0 : i32
    %dma_wait3A_349 = arith.constant 0 : i32
    %dma_wait3A_350 = tpu.memref_slice %arg7[%dma_wait3A_347, %dma_wait3A_348, %dma_wait3A_349] : memref<2x32x1024xf32, #tpu.memory_space<vmem>> -> memref<1x32x1024xf32, #tpu.memory_space<vmem>>
    %dma_wait3A_351 = tpu.memref_squeeze %dma_wait3A_350 : memref<1x32x1024xf32, #tpu.memory_space<vmem>> -> memref<32x1024xf32, #tpu.memory_space<vmem>>
    %dma_wait3A_352 = arith.constant 0 : i32
    %dma_wait3A_353 = tpu.memref_slice %arg5[%add3A_242, %dma_wait3A_352] : memref<4096x1024xf32, #tpu.memory_space<hbm>> -> memref<32x1024xf32, #tpu.memory_space<hbm>>
    %dma_wait3A_354 = arith.constant 0 : i32
    %dma_wait3A_355 = tpu.memref_slice %arg5[%add3A_242, %dma_wait3A_354] : memref<4096x1024xf32, #tpu.memory_space<hbm>> -> memref<32x1024xf32, #tpu.memory_space<hbm>>
    %dma_wait3A_356 = arith.constant 0 : i32
    %dma_wait3A_357 = arith.constant 0 : i32
    %dma_wait3A_358 = tpu.memref_slice %arg7[%dma_wait3A_347, %dma_wait3A_356, %dma_wait3A_357] : memref<2x32x1024xf32, #tpu.memory_space<vmem>> -> memref<1x32x1024xf32, #tpu.memory_space<vmem>>
    %dma_wait3A_359 = tpu.memref_squeeze %dma_wait3A_358 : memref<1x32x1024xf32, #tpu.memory_space<vmem>> -> memref<32x1024xf32, #tpu.memory_space<vmem>>
    tpu.wait_dma2 semaphore(%arg9 : memref<!tpu.dma_semaphore, #tpu.memory_space<semaphore_mem>>) src(%dma_wait3A_359 : memref<32x1024xf32, #tpu.memory_space<vmem>>) dst(%dma_wait3A_355 : memref<32x1024xf32, #tpu.memory_space<hbm>>)
    %dma_start3A_360 = arith.constant 7 : i32
    %dma_start3A_361 = arith.constant 1 : i32
    %dma_start3A_362 = arith.constant 0 : i32
    %dma_start3A_363 = arith.constant 0 : i32
    %dma_start3A_364 = tpu.memref_slice %arg7[%dma_start3A_361, %dma_start3A_362, %dma_start3A_363] : memref<2x32x1024xf32, #tpu.memory_space<vmem>> -> memref<1x32x1024xf32, #tpu.memory_space<vmem>>
    %dma_start3A_365 = tpu.memref_squeeze %dma_start3A_364 : memref<1x32x1024xf32, #tpu.memory_space<vmem>> -> memref<32x1024xf32, #tpu.memory_space<vmem>>
    %dma_start3A_366 = arith.constant 0 : i32
    %dma_start3A_367 = tpu.memref_slice %arg6[%dma_start3A_360, %dma_start3A_366] : memref<8x32xi32, #tpu.memory_space<vmem>> -> memref<1x32xi32, #tpu.memory_space<vmem>>
    %dma_start3A_368 = tpu.memref_squeeze %dma_start3A_367 : memref<1x32xi32, #tpu.memory_space<vmem>> -> memref<32xi32, #tpu.memory_space<vmem>>
    %dma_start3A_369 = arith.constant 0 : i32
    %dma_start3A_370 = arith.constant 0 : i32
    %dma_start3A_371 = tpu.memref_slice %arg2[%dma_start3A_369, %dma_start3A_370] : memref<9216x1024xf32, #tpu.memory_space<hbm>> -> memref<9216x1024xf32, #tpu.memory_space<hbm>>
    tpu.enqueue_indirect_dma source(%dma_start3A_371 : memref<9216x1024xf32, #tpu.memory_space<hbm>>) target(%dma_start3A_365 : memref<32x1024xf32, #tpu.memory_space<vmem>>) offsets(%dma_start3A_368 : memref<32xi32, #tpu.memory_space<vmem>>) semaphore(%arg8 : memref<!tpu.dma_semaphore, #tpu.memory_space<semaphore_mem>>)
    %dma_wait3A_372 = arith.constant 7 : i32
    %dma_wait3A_373 = arith.constant 1 : i32
    %dma_wait3A_374 = arith.constant 0 : i32
    %dma_wait3A_375 = arith.constant 0 : i32
    %dma_wait3A_376 = tpu.memref_slice %arg7[%dma_wait3A_373, %dma_wait3A_374, %dma_wait3A_375] : memref<2x32x1024xf32, #tpu.memory_space<vmem>> -> memref<1x32x1024xf32, #tpu.memory_space<vmem>>
    %dma_wait3A_377 = tpu.memref_squeeze %dma_wait3A_376 : memref<1x32x1024xf32, #tpu.memory_space<vmem>> -> memref<32x1024xf32, #tpu.memory_space<vmem>>
    %dma_wait3A_378 = arith.constant 0 : i32
    %dma_wait3A_379 = tpu.memref_slice %arg6[%dma_wait3A_372, %dma_wait3A_378] : memref<8x32xi32, #tpu.memory_space<vmem>> -> memref<1x32xi32, #tpu.memory_space<vmem>>
    %dma_wait3A_380 = tpu.memref_squeeze %dma_wait3A_379 : memref<1x32xi32, #tpu.memory_space<vmem>> -> memref<32xi32, #tpu.memory_space<vmem>>
    %dma_wait3A_381 = arith.constant 0 : i32
    %dma_wait3A_382 = arith.constant 0 : i32
    %dma_wait3A_383 = tpu.memref_slice %arg2[%dma_wait3A_381, %dma_wait3A_382] : memref<9216x1024xf32, #tpu.memory_space<hbm>> -> memref<9216x1024xf32, #tpu.memory_space<hbm>>
    tpu.wait_indirect_dma semaphore(%arg8 : memref<!tpu.dma_semaphore, #tpu.memory_space<semaphore_mem>>) src(%dma_wait3A_383 : memref<9216x1024xf32, #tpu.memory_space<hbm>>) dst(%dma_wait3A_377 : memref<32x1024xf32, #tpu.memory_space<vmem>>)
    %dma_start3A_384 = arith.constant 1 : i32
    %dma_start3A_385 = arith.constant 0 : i32
    %dma_start3A_386 = arith.constant 0 : i32
    %dma_start3A_387 = tpu.memref_slice %arg7[%dma_start3A_384, %dma_start3A_385, %dma_start3A_386] : memref<2x32x1024xf32, #tpu.memory_space<vmem>> -> memref<1x32x1024xf32, #tpu.memory_space<vmem>>
    %dma_start3A_388 = tpu.memref_squeeze %dma_start3A_387 : memref<1x32x1024xf32, #tpu.memory_space<vmem>> -> memref<32x1024xf32, #tpu.memory_space<vmem>>
    %dma_start3A_389 = arith.constant 0 : i32
    %dma_start3A_390 = tpu.memref_slice %arg5[%add3A_346, %dma_start3A_389] : memref<4096x1024xf32, #tpu.memory_space<hbm>> -> memref<32x1024xf32, #tpu.memory_space<hbm>>
    %dma_start3A_391 = arith.constant 0 : i32
    %dma_start3A_392 = tpu.memref_slice %arg5[%add3A_346, %dma_start3A_391] : memref<4096x1024xf32, #tpu.memory_space<hbm>> -> memref<32x1024xf32, #tpu.memory_space<hbm>>
    %dma_start3A_393 = arith.constant 0 : i32
    %dma_start3A_394 = arith.constant 0 : i32
    %dma_start3A_395 = tpu.memref_slice %arg7[%dma_start3A_384, %dma_start3A_393, %dma_start3A_394] : memref<2x32x1024xf32, #tpu.memory_space<vmem>> -> memref<1x32x1024xf32, #tpu.memory_space<vmem>>
    %dma_start3A_396 = tpu.memref_squeeze %dma_start3A_395 : memref<1x32x1024xf32, #tpu.memory_space<vmem>> -> memref<32x1024xf32, #tpu.memory_space<vmem>>
    tpu.enqueue_dma source(%dma_start3A_396 : memref<32x1024xf32, #tpu.memory_space<vmem>>) target(%dma_start3A_392 : memref<32x1024xf32, #tpu.memory_space<hbm>>) target_semaphore(%arg9 : memref<!tpu.dma_semaphore, #tpu.memory_space<semaphore_mem>>)
    %dma_wait3A_397 = arith.constant 0 : i32
    %dma_wait3A_398 = arith.constant 0 : i32
    %dma_wait3A_399 = arith.constant 0 : i32
    %dma_wait3A_400 = tpu.memref_slice %arg7[%dma_wait3A_397, %dma_wait3A_398, %dma_wait3A_399] : memref<2x32x1024xf32, #tpu.memory_space<vmem>> -> memref<1x32x1024xf32, #tpu.memory_space<vmem>>
    %dma_wait3A_401 = tpu.memref_squeeze %dma_wait3A_400 : memref<1x32x1024xf32, #tpu.memory_space<vmem>> -> memref<32x1024xf32, #tpu.memory_space<vmem>>
    %dma_wait3A_402 = arith.constant 0 : i32
    %dma_wait3A_403 = tpu.memref_slice %arg5[%add3A_294, %dma_wait3A_402] : memref<4096x1024xf32, #tpu.memory_space<hbm>> -> memref<32x1024xf32, #tpu.memory_space<hbm>>
    %dma_wait3A_404 = arith.constant 0 : i32
    %dma_wait3A_405 = tpu.memref_slice %arg5[%add3A_294, %dma_wait3A_404] : memref<4096x1024xf32, #tpu.memory_space<hbm>> -> memref<32x1024xf32, #tpu.memory_space<hbm>>
    %dma_wait3A_406 = arith.constant 0 : i32
    %dma_wait3A_407 = arith.constant 0 : i32
    %dma_wait3A_408 = tpu.memref_slice %arg7[%dma_wait3A_397, %dma_wait3A_406, %dma_wait3A_407] : memref<2x32x1024xf32, #tpu.memory_space<vmem>> -> memref<1x32x1024xf32, #tpu.memory_space<vmem>>
    %dma_wait3A_409 = tpu.memref_squeeze %dma_wait3A_408 : memref<1x32x1024xf32, #tpu.memory_space<vmem>> -> memref<32x1024xf32, #tpu.memory_space<vmem>>
    tpu.wait_dma2 semaphore(%arg9 : memref<!tpu.dma_semaphore, #tpu.memory_space<semaphore_mem>>) src(%dma_wait3A_409 : memref<32x1024xf32, #tpu.memory_space<vmem>>) dst(%dma_wait3A_405 : memref<32x1024xf32, #tpu.memory_space<hbm>>)
    %dma_wait3A_410 = arith.constant 1 : i32
    %dma_wait3A_411 = arith.constant 0 : i32
    %dma_wait3A_412 = arith.constant 0 : i32
    %dma_wait3A_413 = tpu.memref_slice %arg7[%dma_wait3A_410, %dma_wait3A_411, %dma_wait3A_412] : memref<2x32x1024xf32, #tpu.memory_space<vmem>> -> memref<1x32x1024xf32, #tpu.memory_space<vmem>>
    %dma_wait3A_414 = tpu.memref_squeeze %dma_wait3A_413 : memref<1x32x1024xf32, #tpu.memory_space<vmem>> -> memref<32x1024xf32, #tpu.memory_space<vmem>>
    %dma_wait3A_415 = arith.constant 0 : i32
    %dma_wait3A_416 = tpu.memref_slice %arg5[%add3A_346, %dma_wait3A_415] : memref<4096x1024xf32, #tpu.memory_space<hbm>> -> memref<32x1024xf32, #tpu.memory_space<hbm>>
    %dma_wait3A_417 = arith.constant 0 : i32
    %dma_wait3A_418 = tpu.memref_slice %arg5[%add3A_346, %dma_wait3A_417] : memref<4096x1024xf32, #tpu.memory_space<hbm>> -> memref<32x1024xf32, #tpu.memory_space<hbm>>
    %dma_wait3A_419 = arith.constant 0 : i32
    %dma_wait3A_420 = arith.constant 0 : i32
    %dma_wait3A_421 = tpu.memref_slice %arg7[%dma_wait3A_410, %dma_wait3A_419, %dma_wait3A_420] : memref<2x32x1024xf32, #tpu.memory_space<vmem>> -> memref<1x32x1024xf32, #tpu.memory_space<vmem>>
    %dma_wait3A_422 = tpu.memref_squeeze %dma_wait3A_421 : memref<1x32x1024xf32, #tpu.memory_space<vmem>> -> memref<32x1024xf32, #tpu.memory_space<vmem>>
    tpu.wait_dma2 semaphore(%arg9 : memref<!tpu.dma_semaphore, #tpu.memory_space<semaphore_mem>>) src(%dma_wait3A_422 : memref<32x1024xf32, #tpu.memory_space<vmem>>) dst(%dma_wait3A_418 : memref<32x1024xf32, #tpu.memory_space<hbm>>)
    return
  }
}

module attributes {stable_mosaic.version = 14 : i64} {
  func.func @_qkv_body(%arg0: i32, %arg1: memref<512x1024xf32, #tpu.memory_space<vmem>>, %arg2: memref<3072x1024xf32, #tpu.memory_space<vmem>>, %arg3: memref<1x3072xf32, #tpu.memory_space<vmem>>, %arg4: memref<512x3072xf32, #tpu.memory_space<vmem>>) attributes {dimension_semantics = [#tpu.dimension_semantics<arbitrary>], iteration_bounds = array<i64: 8>, scalar_prefetch = 0 : i64, scratch_operands = 0 : i64, tpu.core_type = #tpu.core_type<tc>, window_params = [{transform_indices = @transform_0, window_bounds = array<i64: 512, 1024>}, {pipeline_mode = #tpu.pipeline_mode<synchronous>, transform_indices = @transform_1, window_bounds = array<i64: 3072, 1024>}, {pipeline_mode = #tpu.pipeline_mode<synchronous>, transform_indices = @transform_2, window_bounds = array<i64: 1, 3072>}, {transform_indices = @transform_3, window_bounds = array<i64: 512, 3072>}]} {
    %get3A = arith.constant 0 : index
    %get3A_0 = arith.constant 0 : index
    %get3A_1 = vector.load %arg1[%get3A, %get3A_0] : memref<512x1024xf32, #tpu.memory_space<vmem>>, vector<512x1024xf32>
    %get3A_2 = arith.constant 0 : index
    %get3A_3 = arith.constant 0 : index
    %get3A_4 = vector.load %arg2[%get3A_2, %get3A_3] : memref<3072x1024xf32, #tpu.memory_space<vmem>>, vector<3072x1024xf32>
    %dot_general3A = arith.constant dense<0.000000e+00> : vector<512x3072xf32>
    %dot_general3A_5 = tpu.matmul %get3A_1, %get3A_4, %dot_general3A {dimension_numbers = #tpu.dot_dimension_numbers<[1], [1], [0], [0], [0, 0, 1, 0], [], []>, transpose_lhs_hint = false} : vector<512x1024xf32>, vector<3072x1024xf32>, vector<512x3072xf32> -> vector<512x3072xf32>
    %get3A_6 = arith.constant 0 : index
    %get3A_7 = arith.constant 0 : index
    %get3A_8 = vector.load %arg3[%get3A_6, %get3A_7] : memref<1x3072xf32, #tpu.memory_space<vmem>>, vector<1x3072xf32>
    %add3A = vector.broadcast %get3A_8 : vector<1x3072xf32> to vector<512x3072xf32>
    %add3A_9 = arith.addf %dot_general3A_5, %add3A : vector<512x3072xf32>
    %swap3A = arith.constant 0 : index
    %swap3A_10 = arith.constant 0 : index
    %swap3A_11 = vector.load %arg4[%swap3A, %swap3A_10] : memref<512x3072xf32, #tpu.memory_space<vmem>>, vector<512x3072xf32>
    tpu.vector_store %arg4[%swap3A, %swap3A_10], %add3A_9 {strides = array<i32>} : memref<512x3072xf32, #tpu.memory_space<vmem>>, vector<512x3072xf32>,
    return
  }
  func.func @transform_0(%arg0: i32) -> (i32, i32) {
    %c0_i32 = arith.constant 0 : i32
    %c0_i32_0 = arith.constant 0 : i32
    return %arg0, %c0_i32 : i32, i32
  }
  func.func @transform_1(%arg0: i32) -> (i32, i32) {
    %c0_i32 = arith.constant 0 : i32
    %c0_i32_0 = arith.constant 0 : i32
    %c0_i32_1 = arith.constant 0 : i32
    return %c0_i32, %c0_i32_0 : i32, i32
  }
  func.func @transform_2(%arg0: i32) -> (i32, i32) {
    %c0_i32 = arith.constant 0 : i32
    %c0_i32_0 = arith.constant 0 : i32
    %c0_i32_1 = arith.constant 0 : i32
    return %c0_i32, %c0_i32_0 : i32, i32
  }
  func.func @transform_3(%arg0: i32) -> (i32, i32) {
    %c0_i32 = arith.constant 0 : i32
    %c0_i32_0 = arith.constant 0 : i32
    return %arg0, %c0_i32 : i32, i32
  }
}

module attributes {stable_mosaic.version = 14 : i64} {
  func.func @_att_body(%arg0: i32, %arg1: i32, %arg2: i32, %arg3: memref<512x512xf32, #tpu.memory_space<vmem>>, %arg4: memref<2048x512xf32, #tpu.memory_space<vmem>>, %arg5: memref<2048x512xf32, #tpu.memory_space<vmem>>, %arg6: memref<512x512xf32, #tpu.memory_space<vmem>>) attributes {dimension_semantics = [#tpu.dimension_semantics<arbitrary>, #tpu.dimension_semantics<arbitrary>, #tpu.dimension_semantics<arbitrary>], iteration_bounds = array<i64: 2, 2, 4>, scalar_prefetch = 0 : i64, scratch_operands = 0 : i64, tpu.core_type = #tpu.core_type<tc>, window_params = [{transform_indices = @transform_0, window_bounds = array<i64: 512, 512>}, {transform_indices = @transform_1, window_bounds = array<i64: 2048, 512>}, {transform_indices = @transform_2, window_bounds = array<i64: 2048, 512>}, {transform_indices = @transform_3, window_bounds = array<i64: 512, 512>}]} {
    %get3A = arith.constant 0 : index
    %get3A_0 = arith.constant 0 : index
    %get3A_1 = vector.load %arg3[%get3A, %get3A_0] : memref<512x512xf32, #tpu.memory_space<vmem>>, vector<512x64xf32>
    %get3A_2 = arith.constant 0 : index
    %get3A_3 = arith.constant 0 : index
    %get3A_4 = vector.load %arg4[%get3A_2, %get3A_3] : memref<2048x512xf32, #tpu.memory_space<vmem>>, vector<2048x64xf32>
    %get3A_5 = arith.constant 0 : index
    %get3A_6 = arith.constant 0 : index
    %get3A_7 = vector.load %arg5[%get3A_5, %get3A_6] : memref<2048x512xf32, #tpu.memory_space<vmem>>, vector<2048x64xf32>
    %dot_general3A = arith.constant dense<0.000000e+00> : vector<512x2048xf32>
    %dot_general3A_8 = tpu.matmul %get3A_1, %get3A_4, %dot_general3A {dimension_numbers = #tpu.dot_dimension_numbers<[1], [1], [0], [0], [0, 0, 1, 0], [], []>, transpose_lhs_hint = false} : vector<512x64xf32>, vector<2048x64xf32>, vector<512x2048xf32> -> vector<512x2048xf32>
    %mul3A = arith.constant 1.250000e-01 : f32
    %mul3A_9 = vector.broadcast %mul3A : f32 to vector<512x2048xf32>
    %mul3A_10 = arith.mulf %dot_general3A_8, %mul3A_9 : vector<512x2048xf32>
    %exp3A = math.exp %mul3A_10 : vector<512x2048xf32>
    %reduce_sum3A = arith.constant dense<0.000000e+00> : vector<512xf32>
    %reduce_sum3A_11 = vector.multi_reduction <add>, %exp3A, %reduce_sum3A [1] : vector<512x2048xf32> to vector<512xf32>
    %broadcast_in_dim3A = vector.shape_cast %reduce_sum3A_11 : vector<512xf32> to vector<512x1xf32>
    %dot_general3A_12 = arith.constant dense<0.000000e+00> : vector<512x64xf32>
    %dot_general3A_13 = tpu.matmul %exp3A, %get3A_7, %dot_general3A_12 {dimension_numbers = #tpu.dot_dimension_numbers<[1], [0], [0], [1], [0, 0, 1, 1], [], []>, transpose_lhs_hint = false} : vector<512x2048xf32>, vector<2048x64xf32>, vector<512x64xf32> -> vector<512x64xf32>
    %div3A = vector.broadcast %broadcast_in_dim3A : vector<512x1xf32> to vector<512x64xf32>
    %div3A_14 = arith.divf %dot_general3A_13, %div3A : vector<512x64xf32>
    %get3A_15 = arith.constant 0 : index
    %get3A_16 = arith.constant 64 : index
    %get3A_17 = vector.load %arg3[%get3A_15, %get3A_16] : memref<512x512xf32, #tpu.memory_space<vmem>>, vector<512x64xf32>
    %get3A_18 = arith.constant 0 : index
    %get3A_19 = arith.constant 64 : index
    %get3A_20 = vector.load %arg4[%get3A_18, %get3A_19] : memref<2048x512xf32, #tpu.memory_space<vmem>>, vector<2048x64xf32>
    %get3A_21 = arith.constant 0 : index
    %get3A_22 = arith.constant 64 : index
    %get3A_23 = vector.load %arg5[%get3A_21, %get3A_22] : memref<2048x512xf32, #tpu.memory_space<vmem>>, vector<2048x64xf32>
    %dot_general3A_24 = arith.constant dense<0.000000e+00> : vector<512x2048xf32>
    %dot_general3A_25 = tpu.matmul %get3A_17, %get3A_20, %dot_general3A_24 {dimension_numbers = #tpu.dot_dimension_numbers<[1], [1], [0], [0], [0, 0, 1, 0], [], []>, transpose_lhs_hint = false} : vector<512x64xf32>, vector<2048x64xf32>, vector<512x2048xf32> -> vector<512x2048xf32>
    %mul3A_26 = arith.constant 1.250000e-01 : f32
    %mul3A_27 = vector.broadcast %mul3A_26 : f32 to vector<512x2048xf32>
    %mul3A_28 = arith.mulf %dot_general3A_25, %mul3A_27 : vector<512x2048xf32>
    %exp3A_29 = math.exp %mul3A_28 : vector<512x2048xf32>
    %reduce_sum3A_30 = arith.constant dense<0.000000e+00> : vector<512xf32>
    %reduce_sum3A_31 = vector.multi_reduction <add>, %exp3A_29, %reduce_sum3A_30 [1] : vector<512x2048xf32> to vector<512xf32>
    %broadcast_in_dim3A_32 = vector.shape_cast %reduce_sum3A_31 : vector<512xf32> to vector<512x1xf32>
    %dot_general3A_33 = arith.constant dense<0.000000e+00> : vector<512x64xf32>
    %dot_general3A_34 = tpu.matmul %exp3A_29, %get3A_23, %dot_general3A_33 {dimension_numbers = #tpu.dot_dimension_numbers<[1], [0], [0], [1], [0, 0, 1, 1], [], []>, transpose_lhs_hint = false} : vector<512x2048xf32>, vector<2048x64xf32>, vector<512x64xf32> -> vector<512x64xf32>
    %div3A_35 = vector.broadcast %broadcast_in_dim3A_32 : vector<512x1xf32> to vector<512x64xf32>
    %div3A_36 = arith.divf %dot_general3A_34, %div3A_35 : vector<512x64xf32>
    %get3A_37 = arith.constant 0 : index
    %get3A_38 = arith.constant 128 : index
    %get3A_39 = vector.load %arg3[%get3A_37, %get3A_38] : memref<512x512xf32, #tpu.memory_space<vmem>>, vector<512x64xf32>
    %get3A_40 = arith.constant 0 : index
    %get3A_41 = arith.constant 128 : index
    %get3A_42 = vector.load %arg4[%get3A_40, %get3A_41] : memref<2048x512xf32, #tpu.memory_space<vmem>>, vector<2048x64xf32>
    %get3A_43 = arith.constant 0 : index
    %get3A_44 = arith.constant 128 : index
    %get3A_45 = vector.load %arg5[%get3A_43, %get3A_44] : memref<2048x512xf32, #tpu.memory_space<vmem>>, vector<2048x64xf32>
    %dot_general3A_46 = arith.constant dense<0.000000e+00> : vector<512x2048xf32>
    %dot_general3A_47 = tpu.matmul %get3A_39, %get3A_42, %dot_general3A_46 {dimension_numbers = #tpu.dot_dimension_numbers<[1], [1], [0], [0], [0, 0, 1, 0], [], []>, transpose_lhs_hint = false} : vector<512x64xf32>, vector<2048x64xf32>, vector<512x2048xf32> -> vector<512x2048xf32>
    %mul3A_48 = arith.constant 1.250000e-01 : f32
    %mul3A_49 = vector.broadcast %mul3A_48 : f32 to vector<512x2048xf32>
    %mul3A_50 = arith.mulf %dot_general3A_47, %mul3A_49 : vector<512x2048xf32>
    %exp3A_51 = math.exp %mul3A_50 : vector<512x2048xf32>
    %reduce_sum3A_52 = arith.constant dense<0.000000e+00> : vector<512xf32>
    %reduce_sum3A_53 = vector.multi_reduction <add>, %exp3A_51, %reduce_sum3A_52 [1] : vector<512x2048xf32> to vector<512xf32>
    %broadcast_in_dim3A_54 = vector.shape_cast %reduce_sum3A_53 : vector<512xf32> to vector<512x1xf32>
    %dot_general3A_55 = arith.constant dense<0.000000e+00> : vector<512x64xf32>
    %dot_general3A_56 = tpu.matmul %exp3A_51, %get3A_45, %dot_general3A_55 {dimension_numbers = #tpu.dot_dimension_numbers<[1], [0], [0], [1], [0, 0, 1, 1], [], []>, transpose_lhs_hint = false} : vector<512x2048xf32>, vector<2048x64xf32>, vector<512x64xf32> -> vector<512x64xf32>
    %div3A_57 = vector.broadcast %broadcast_in_dim3A_54 : vector<512x1xf32> to vector<512x64xf32>
    %div3A_58 = arith.divf %dot_general3A_56, %div3A_57 : vector<512x64xf32>
    %get3A_59 = arith.constant 0 : index
    %get3A_60 = arith.constant 192 : index
    %get3A_61 = vector.load %arg3[%get3A_59, %get3A_60] : memref<512x512xf32, #tpu.memory_space<vmem>>, vector<512x64xf32>
    %get3A_62 = arith.constant 0 : index
    %get3A_63 = arith.constant 192 : index
    %get3A_64 = vector.load %arg4[%get3A_62, %get3A_63] : memref<2048x512xf32, #tpu.memory_space<vmem>>, vector<2048x64xf32>
    %get3A_65 = arith.constant 0 : index
    %get3A_66 = arith.constant 192 : index
    %get3A_67 = vector.load %arg5[%get3A_65, %get3A_66] : memref<2048x512xf32, #tpu.memory_space<vmem>>, vector<2048x64xf32>
    %dot_general3A_68 = arith.constant dense<0.000000e+00> : vector<512x2048xf32>
    %dot_general3A_69 = tpu.matmul %get3A_61, %get3A_64, %dot_general3A_68 {dimension_numbers = #tpu.dot_dimension_numbers<[1], [1], [0], [0], [0, 0, 1, 0], [], []>, transpose_lhs_hint = false} : vector<512x64xf32>, vector<2048x64xf32>, vector<512x2048xf32> -> vector<512x2048xf32>
    %mul3A_70 = arith.constant 1.250000e-01 : f32
    %mul3A_71 = vector.broadcast %mul3A_70 : f32 to vector<512x2048xf32>
    %mul3A_72 = arith.mulf %dot_general3A_69, %mul3A_71 : vector<512x2048xf32>
    %exp3A_73 = math.exp %mul3A_72 : vector<512x2048xf32>
    %reduce_sum3A_74 = arith.constant dense<0.000000e+00> : vector<512xf32>
    %reduce_sum3A_75 = vector.multi_reduction <add>, %exp3A_73, %reduce_sum3A_74 [1] : vector<512x2048xf32> to vector<512xf32>
    %broadcast_in_dim3A_76 = vector.shape_cast %reduce_sum3A_75 : vector<512xf32> to vector<512x1xf32>
    %dot_general3A_77 = arith.constant dense<0.000000e+00> : vector<512x64xf32>
    %dot_general3A_78 = tpu.matmul %exp3A_73, %get3A_67, %dot_general3A_77 {dimension_numbers = #tpu.dot_dimension_numbers<[1], [0], [0], [1], [0, 0, 1, 1], [], []>, transpose_lhs_hint = false} : vector<512x2048xf32>, vector<2048x64xf32>, vector<512x64xf32> -> vector<512x64xf32>
    %div3A_79 = vector.broadcast %broadcast_in_dim3A_76 : vector<512x1xf32> to vector<512x64xf32>
    %div3A_80 = arith.divf %dot_general3A_78, %div3A_79 : vector<512x64xf32>
    %get3A_81 = arith.constant 0 : index
    %get3A_82 = arith.constant 256 : index
    %get3A_83 = vector.load %arg3[%get3A_81, %get3A_82] : memref<512x512xf32, #tpu.memory_space<vmem>>, vector<512x64xf32>
    %get3A_84 = arith.constant 0 : index
    %get3A_85 = arith.constant 256 : index
    %get3A_86 = vector.load %arg4[%get3A_84, %get3A_85] : memref<2048x512xf32, #tpu.memory_space<vmem>>, vector<2048x64xf32>
    %get3A_87 = arith.constant 0 : index
    %get3A_88 = arith.constant 256 : index
    %get3A_89 = vector.load %arg5[%get3A_87, %get3A_88] : memref<2048x512xf32, #tpu.memory_space<vmem>>, vector<2048x64xf32>
    %dot_general3A_90 = arith.constant dense<0.000000e+00> : vector<512x2048xf32>
    %dot_general3A_91 = tpu.matmul %get3A_83, %get3A_86, %dot_general3A_90 {dimension_numbers = #tpu.dot_dimension_numbers<[1], [1], [0], [0], [0, 0, 1, 0], [], []>, transpose_lhs_hint = false} : vector<512x64xf32>, vector<2048x64xf32>, vector<512x2048xf32> -> vector<512x2048xf32>
    %mul3A_92 = arith.constant 1.250000e-01 : f32
    %mul3A_93 = vector.broadcast %mul3A_92 : f32 to vector<512x2048xf32>
    %mul3A_94 = arith.mulf %dot_general3A_91, %mul3A_93 : vector<512x2048xf32>
    %exp3A_95 = math.exp %mul3A_94 : vector<512x2048xf32>
    %reduce_sum3A_96 = arith.constant dense<0.000000e+00> : vector<512xf32>
    %reduce_sum3A_97 = vector.multi_reduction <add>, %exp3A_95, %reduce_sum3A_96 [1] : vector<512x2048xf32> to vector<512xf32>
    %broadcast_in_dim3A_98 = vector.shape_cast %reduce_sum3A_97 : vector<512xf32> to vector<512x1xf32>
    %dot_general3A_99 = arith.constant dense<0.000000e+00> : vector<512x64xf32>
    %dot_general3A_100 = tpu.matmul %exp3A_95, %get3A_89, %dot_general3A_99 {dimension_numbers = #tpu.dot_dimension_numbers<[1], [0], [0], [1], [0, 0, 1, 1], [], []>, transpose_lhs_hint = false} : vector<512x2048xf32>, vector<2048x64xf32>, vector<512x64xf32> -> vector<512x64xf32>
    %div3A_101 = vector.broadcast %broadcast_in_dim3A_98 : vector<512x1xf32> to vector<512x64xf32>
    %div3A_102 = arith.divf %dot_general3A_100, %div3A_101 : vector<512x64xf32>
    %get3A_103 = arith.constant 0 : index
    %get3A_104 = arith.constant 320 : index
    %get3A_105 = vector.load %arg3[%get3A_103, %get3A_104] : memref<512x512xf32, #tpu.memory_space<vmem>>, vector<512x64xf32>
    %get3A_106 = arith.constant 0 : index
    %get3A_107 = arith.constant 320 : index
    %get3A_108 = vector.load %arg4[%get3A_106, %get3A_107] : memref<2048x512xf32, #tpu.memory_space<vmem>>, vector<2048x64xf32>
    %get3A_109 = arith.constant 0 : index
    %get3A_110 = arith.constant 320 : index
    %get3A_111 = vector.load %arg5[%get3A_109, %get3A_110] : memref<2048x512xf32, #tpu.memory_space<vmem>>, vector<2048x64xf32>
    %dot_general3A_112 = arith.constant dense<0.000000e+00> : vector<512x2048xf32>
    %dot_general3A_113 = tpu.matmul %get3A_105, %get3A_108, %dot_general3A_112 {dimension_numbers = #tpu.dot_dimension_numbers<[1], [1], [0], [0], [0, 0, 1, 0], [], []>, transpose_lhs_hint = false} : vector<512x64xf32>, vector<2048x64xf32>, vector<512x2048xf32> -> vector<512x2048xf32>
    %mul3A_114 = arith.constant 1.250000e-01 : f32
    %mul3A_115 = vector.broadcast %mul3A_114 : f32 to vector<512x2048xf32>
    %mul3A_116 = arith.mulf %dot_general3A_113, %mul3A_115 : vector<512x2048xf32>
    %exp3A_117 = math.exp %mul3A_116 : vector<512x2048xf32>
    %reduce_sum3A_118 = arith.constant dense<0.000000e+00> : vector<512xf32>
    %reduce_sum3A_119 = vector.multi_reduction <add>, %exp3A_117, %reduce_sum3A_118 [1] : vector<512x2048xf32> to vector<512xf32>
    %broadcast_in_dim3A_120 = vector.shape_cast %reduce_sum3A_119 : vector<512xf32> to vector<512x1xf32>
    %dot_general3A_121 = arith.constant dense<0.000000e+00> : vector<512x64xf32>
    %dot_general3A_122 = tpu.matmul %exp3A_117, %get3A_111, %dot_general3A_121 {dimension_numbers = #tpu.dot_dimension_numbers<[1], [0], [0], [1], [0, 0, 1, 1], [], []>, transpose_lhs_hint = false} : vector<512x2048xf32>, vector<2048x64xf32>, vector<512x64xf32> -> vector<512x64xf32>
    %div3A_123 = vector.broadcast %broadcast_in_dim3A_120 : vector<512x1xf32> to vector<512x64xf32>
    %div3A_124 = arith.divf %dot_general3A_122, %div3A_123 : vector<512x64xf32>
    %get3A_125 = arith.constant 0 : index
    %get3A_126 = arith.constant 384 : index
    %get3A_127 = vector.load %arg3[%get3A_125, %get3A_126] : memref<512x512xf32, #tpu.memory_space<vmem>>, vector<512x64xf32>
    %get3A_128 = arith.constant 0 : index
    %get3A_129 = arith.constant 384 : index
    %get3A_130 = vector.load %arg4[%get3A_128, %get3A_129] : memref<2048x512xf32, #tpu.memory_space<vmem>>, vector<2048x64xf32>
    %get3A_131 = arith.constant 0 : index
    %get3A_132 = arith.constant 384 : index
    %get3A_133 = vector.load %arg5[%get3A_131, %get3A_132] : memref<2048x512xf32, #tpu.memory_space<vmem>>, vector<2048x64xf32>
    %dot_general3A_134 = arith.constant dense<0.000000e+00> : vector<512x2048xf32>
    %dot_general3A_135 = tpu.matmul %get3A_127, %get3A_130, %dot_general3A_134 {dimension_numbers = #tpu.dot_dimension_numbers<[1], [1], [0], [0], [0, 0, 1, 0], [], []>, transpose_lhs_hint = false} : vector<512x64xf32>, vector<2048x64xf32>, vector<512x2048xf32> -> vector<512x2048xf32>
    %mul3A_136 = arith.constant 1.250000e-01 : f32
    %mul3A_137 = vector.broadcast %mul3A_136 : f32 to vector<512x2048xf32>
    %mul3A_138 = arith.mulf %dot_general3A_135, %mul3A_137 : vector<512x2048xf32>
    %exp3A_139 = math.exp %mul3A_138 : vector<512x2048xf32>
    %reduce_sum3A_140 = arith.constant dense<0.000000e+00> : vector<512xf32>
    %reduce_sum3A_141 = vector.multi_reduction <add>, %exp3A_139, %reduce_sum3A_140 [1] : vector<512x2048xf32> to vector<512xf32>
    %broadcast_in_dim3A_142 = vector.shape_cast %reduce_sum3A_141 : vector<512xf32> to vector<512x1xf32>
    %dot_general3A_143 = arith.constant dense<0.000000e+00> : vector<512x64xf32>
    %dot_general3A_144 = tpu.matmul %exp3A_139, %get3A_133, %dot_general3A_143 {dimension_numbers = #tpu.dot_dimension_numbers<[1], [0], [0], [1], [0, 0, 1, 1], [], []>, transpose_lhs_hint = false} : vector<512x2048xf32>, vector<2048x64xf32>, vector<512x64xf32> -> vector<512x64xf32>
    %div3A_145 = vector.broadcast %broadcast_in_dim3A_142 : vector<512x1xf32> to vector<512x64xf32>
    %div3A_146 = arith.divf %dot_general3A_144, %div3A_145 : vector<512x64xf32>
    %get3A_147 = arith.constant 0 : index
    %get3A_148 = arith.constant 448 : index
    %get3A_149 = vector.load %arg3[%get3A_147, %get3A_148] : memref<512x512xf32, #tpu.memory_space<vmem>>, vector<512x64xf32>
    %get3A_150 = arith.constant 0 : index
    %get3A_151 = arith.constant 448 : index
    %get3A_152 = vector.load %arg4[%get3A_150, %get3A_151] : memref<2048x512xf32, #tpu.memory_space<vmem>>, vector<2048x64xf32>
    %get3A_153 = arith.constant 0 : index
    %get3A_154 = arith.constant 448 : index
    %get3A_155 = vector.load %arg5[%get3A_153, %get3A_154] : memref<2048x512xf32, #tpu.memory_space<vmem>>, vector<2048x64xf32>
    %dot_general3A_156 = arith.constant dense<0.000000e+00> : vector<512x2048xf32>
    %dot_general3A_157 = tpu.matmul %get3A_149, %get3A_152, %dot_general3A_156 {dimension_numbers = #tpu.dot_dimension_numbers<[1], [1], [0], [0], [0, 0, 1, 0], [], []>, transpose_lhs_hint = false} : vector<512x64xf32>, vector<2048x64xf32>, vector<512x2048xf32> -> vector<512x2048xf32>
    %mul3A_158 = arith.constant 1.250000e-01 : f32
    %mul3A_159 = vector.broadcast %mul3A_158 : f32 to vector<512x2048xf32>
    %mul3A_160 = arith.mulf %dot_general3A_157, %mul3A_159 : vector<512x2048xf32>
    %exp3A_161 = math.exp %mul3A_160 : vector<512x2048xf32>
    %reduce_sum3A_162 = arith.constant dense<0.000000e+00> : vector<512xf32>
    %reduce_sum3A_163 = vector.multi_reduction <add>, %exp3A_161, %reduce_sum3A_162 [1] : vector<512x2048xf32> to vector<512xf32>
    %broadcast_in_dim3A_164 = vector.shape_cast %reduce_sum3A_163 : vector<512xf32> to vector<512x1xf32>
    %dot_general3A_165 = arith.constant dense<0.000000e+00> : vector<512x64xf32>
    %dot_general3A_166 = tpu.matmul %exp3A_161, %get3A_155, %dot_general3A_165 {dimension_numbers = #tpu.dot_dimension_numbers<[1], [0], [0], [1], [0, 0, 1, 1], [], []>, transpose_lhs_hint = false} : vector<512x2048xf32>, vector<2048x64xf32>, vector<512x64xf32> -> vector<512x64xf32>
    %div3A_167 = vector.broadcast %broadcast_in_dim3A_164 : vector<512x1xf32> to vector<512x64xf32>
    %div3A_168 = arith.divf %dot_general3A_166, %div3A_167 : vector<512x64xf32>
    %concatenate3A = tpu.concatenate %div3A_14, %div3A_36, %div3A_58, %div3A_80, %div3A_102, %div3A_124, %div3A_146, %div3A_168 in 1 : vector<512x64xf32>, vector<512x64xf32>, vector<512x64xf32>, vector<512x64xf32>, vector<512x64xf32>, vector<512x64xf32>, vector<512x64xf32>, vector<512x64xf32> -> vector<512x512xf32>
    %swap3A = arith.constant 0 : index
    %swap3A_169 = arith.constant 0 : index
    %swap3A_170 = vector.load %arg6[%swap3A, %swap3A_169] : memref<512x512xf32, #tpu.memory_space<vmem>>, vector<512x512xf32>
    tpu.vector_store %arg6[%swap3A, %swap3A_169], %concatenate3A {strides = array<i32>} : memref<512x512xf32, #tpu.memory_space<vmem>>, vector<512x512xf32>,
    return
  }
  func.func @transform_0(%arg0: i32, %arg1: i32, %arg2: i32) -> (i32, i32) {
    %mul3A = arith.constant 4 : i32
    %mul3A_0 = arith.muli %arg0, %mul3A : i32
    %add3A = arith.addi %mul3A_0, %arg2 : i32
    %c0_i32 = arith.constant 0 : i32
    return %add3A, %arg1 : i32, i32
  }
  func.func @transform_1(%arg0: i32, %arg1: i32, %arg2: i32) -> (i32, i32) {
    %add3A = arith.constant 2 : i32
    %add3A_0 = arith.addi %add3A, %arg1 : i32
    %c0_i32 = arith.constant 0 : i32
    return %arg0, %add3A_0 : i32, i32
  }
  func.func @transform_2(%arg0: i32, %arg1: i32, %arg2: i32) -> (i32, i32) {
    %add3A = arith.constant 4 : i32
    %add3A_0 = arith.addi %add3A, %arg1 : i32
    %c0_i32 = arith.constant 0 : i32
    return %arg0, %add3A_0 : i32, i32
  }
  func.func @transform_3(%arg0: i32, %arg1: i32, %arg2: i32) -> (i32, i32) {
    %mul3A = arith.constant 4 : i32
    %mul3A_0 = arith.muli %arg0, %mul3A : i32
    %add3A = arith.addi %mul3A_0, %arg2 : i32
    %c0_i32 = arith.constant 0 : i32
    return %add3A, %arg1 : i32, i32
  }
}

module attributes {stable_mosaic.version = 14 : i64} {
  func.func @_proj_ln_body(%arg0: i32, %arg1: memref<512x1024xf32, #tpu.memory_space<vmem>>, %arg2: memref<1024x1024xf32, #tpu.memory_space<vmem>>, %arg3: memref<1x1024xf32, #tpu.memory_space<vmem>>, %arg4: memref<512x1024xf32, #tpu.memory_space<vmem>>, %arg5: memref<1x1024xf32, #tpu.memory_space<vmem>>, %arg6: memref<1x1024xf32, #tpu.memory_space<vmem>>, %arg7: memref<1024x8xf32, #tpu.memory_space<vmem>>, %arg8: memref<512x1024xf32, #tpu.memory_space<vmem>>, %arg9: memref<8192x1xi32, #tpu.memory_space<vmem>>, %arg10: memref<8192x1xf32, #tpu.memory_space<vmem>>, %arg11: memref<72x1xi32, #tpu.memory_space<vmem>>, %arg12: memref<4096x8xf32, #tpu.memory_space<vmem>>) attributes {dimension_semantics = [#tpu.dimension_semantics<arbitrary>], iteration_bounds = array<i64: 8>, scalar_prefetch = 0 : i64, scratch_operands = 1 : i64, tpu.core_type = #tpu.core_type<tc>, window_params = [{transform_indices = @transform_0, window_bounds = array<i64: 512, 1024>}, {pipeline_mode = #tpu.pipeline_mode<synchronous>, transform_indices = @transform_1, window_bounds = array<i64: 1024, 1024>}, {pipeline_mode = #tpu.pipeline_mode<synchronous>, transform_indices = @transform_2, window_bounds = array<i64: 1, 1024>}, {transform_indices = @transform_3, window_bounds = array<i64: 512, 1024>}, {pipeline_mode = #tpu.pipeline_mode<synchronous>, transform_indices = @transform_4, window_bounds = array<i64: 1, 1024>}, {pipeline_mode = #tpu.pipeline_mode<synchronous>, transform_indices = @transform_5, window_bounds = array<i64: 1, 1024>}, {pipeline_mode = #tpu.pipeline_mode<synchronous>, transform_indices = @transform_6, window_bounds = array<i64: 1024, 8>}, {transform_indices = @transform_7, window_bounds = array<i64: 512, 1024>}, {pipeline_mode = #tpu.pipeline_mode<synchronous>, transform_indices = @transform_8, window_bounds = array<i64: 8192, 1>}, {pipeline_mode = #tpu.pipeline_mode<synchronous>, transform_indices = @transform_9, window_bounds = array<i64: 8192, 1>}, {pipeline_mode = #tpu.pipeline_mode<synchronous>, transform_indices = @transform_10, window_bounds = array<i64: 72, 1>}]} {
    %get3A = arith.constant 0 : index
    %get3A_0 = arith.constant 0 : index
    %get3A_1 = vector.load %arg1[%get3A, %get3A_0] : memref<512x1024xf32, #tpu.memory_space<vmem>>, vector<512x1024xf32>
    %get3A_2 = arith.constant 0 : index
    %get3A_3 = arith.constant 0 : index
    %get3A_4 = vector.load %arg2[%get3A_2, %get3A_3] : memref<1024x1024xf32, #tpu.memory_space<vmem>>, vector<1024x1024xf32>
    %dot_general3A = arith.constant dense<0.000000e+00> : vector<512x1024xf32>
    %dot_general3A_5 = tpu.matmul %get3A_1, %get3A_4, %dot_general3A {dimension_numbers = #tpu.dot_dimension_numbers<[1], [1], [0], [0], [0, 0, 1, 0], [], []>, transpose_lhs_hint = false} : vector<512x1024xf32>, vector<1024x1024xf32>, vector<512x1024xf32> -> vector<512x1024xf32>
    %get3A_6 = arith.constant 0 : index
    %get3A_7 = arith.constant 0 : index
    %get3A_8 = vector.load %arg3[%get3A_6, %get3A_7] : memref<1x1024xf32, #tpu.memory_space<vmem>>, vector<1x1024xf32>
    %add3A = vector.broadcast %get3A_8 : vector<1x1024xf32> to vector<512x1024xf32>
    %add3A_9 = arith.addf %dot_general3A_5, %add3A : vector<512x1024xf32>
    %get3A_10 = arith.constant 0 : index
    %get3A_11 = arith.constant 0 : index
    %get3A_12 = vector.load %arg4[%get3A_10, %get3A_11] : memref<512x1024xf32, #tpu.memory_space<vmem>>, vector<512x1024xf32>
    %add3A_13 = arith.addf %add3A_9, %get3A_12 : vector<512x1024xf32>
    %reduce_sum3A = arith.constant dense<0.000000e+00> : vector<512xf32>
    %reduce_sum3A_14 = vector.multi_reduction <add>, %add3A_13, %reduce_sum3A [1] : vector<512x1024xf32> to vector<512xf32>
    %broadcast_in_dim3A = vector.shape_cast %reduce_sum3A_14 : vector<512xf32> to vector<512x1xf32>
    %div3A = arith.constant 1.024000e+03 : f32
    %div3A_15 = vector.broadcast %div3A : f32 to vector<512x1xf32>
    %div3A_16 = arith.divf %broadcast_in_dim3A, %div3A_15 : vector<512x1xf32>
    %sub3A = vector.broadcast %div3A_16 : vector<512x1xf32> to vector<512x1024xf32>
    %sub3A_17 = arith.subf %add3A_13, %sub3A : vector<512x1024xf32>
    %mul3A = arith.mulf %sub3A_17, %sub3A_17 : vector<512x1024xf32>
    %reduce_sum3A_18 = arith.constant dense<0.000000e+00> : vector<512xf32>
    %reduce_sum3A_19 = vector.multi_reduction <add>, %mul3A, %reduce_sum3A_18 [1] : vector<512x1024xf32> to vector<512xf32>
    %broadcast_in_dim3A_20 = vector.shape_cast %reduce_sum3A_19 : vector<512xf32> to vector<512x1xf32>
    %div3A_21 = arith.constant 1.024000e+03 : f32
    %div3A_22 = vector.broadcast %div3A_21 : f32 to vector<512x1xf32>
    %div3A_23 = arith.divf %broadcast_in_dim3A_20, %div3A_22 : vector<512x1xf32>
    %add3A_24 = arith.constant 9.99999974E-6 : f32
    %add3A_25 = vector.broadcast %add3A_24 : f32 to vector<512x1xf32>
    %add3A_26 = arith.addf %div3A_23, %add3A_25 : vector<512x1xf32>
    %rsqrt3A = math.rsqrt %add3A_26 : vector<512x1xf32>
    %mul3A_27 = vector.broadcast %rsqrt3A : vector<512x1xf32> to vector<512x1024xf32>
    %mul3A_28 = arith.mulf %sub3A_17, %mul3A_27 : vector<512x1024xf32>
    %get3A_29 = arith.constant 0 : index
    %get3A_30 = arith.constant 0 : index
    %get3A_31 = vector.load %arg5[%get3A_29, %get3A_30] : memref<1x1024xf32, #tpu.memory_space<vmem>>, vector<1x1024xf32>
    %mul3A_32 = vector.broadcast %get3A_31 : vector<1x1024xf32> to vector<512x1024xf32>
    %mul3A_33 = arith.mulf %mul3A_28, %mul3A_32 : vector<512x1024xf32>
    %get3A_34 = arith.constant 0 : index
    %get3A_35 = arith.constant 0 : index
    %get3A_36 = vector.load %arg6[%get3A_34, %get3A_35] : memref<1x1024xf32, #tpu.memory_space<vmem>>, vector<1x1024xf32>
    %add3A_37 = vector.broadcast %get3A_36 : vector<1x1024xf32> to vector<512x1024xf32>
    %add3A_38 = arith.addf %mul3A_33, %add3A_37 : vector<512x1024xf32>
    %swap3A = arith.constant 0 : index
    %swap3A_39 = arith.constant 0 : index
    %swap3A_40 = vector.load %arg8[%swap3A, %swap3A_39] : memref<512x1024xf32, #tpu.memory_space<vmem>>, vector<512x1024xf32>
    tpu.vector_store %arg8[%swap3A, %swap3A_39], %add3A_38 {strides = array<i32>} : memref<512x1024xf32, #tpu.memory_space<vmem>>, vector<512x1024xf32>,
    %get3A_41 = arith.constant 0 : index
    %get3A_42 = arith.constant 0 : index
    %get3A_43 = vector.load %arg7[%get3A_41, %get3A_42] : memref<1024x8xf32, #tpu.memory_space<vmem>>, vector<1024x8xf32>
    %dot_general3A_44 = arith.constant dense<0.000000e+00> : vector<512x8xf32>
    %dot_general3A_45 = tpu.matmul %add3A_38, %get3A_43, %dot_general3A_44 {dimension_numbers = #tpu.dot_dimension_numbers<[1], [0], [0], [1], [0, 0, 1, 1], [], []>, transpose_lhs_hint = false} : vector<512x1024xf32>, vector<1024x8xf32>, vector<512x8xf32> -> vector<512x8xf32>
    %mul3A_46 = arith.constant 512 : i32
    %mul3A_47 = arith.muli %arg0, %mul3A_46 : i32
    %swap3A_48 = arith.index_cast %mul3A_47 : i32 to index
    %swap3A_49 = arith.constant 0 : index
    %swap3A_50 = vector.load %arg12[%swap3A_48, %swap3A_49] : memref<4096x8xf32, #tpu.memory_space<vmem>>, vector<512x8xf32>
    tpu.vector_store %arg12[%swap3A_48, %swap3A_49], %dot_general3A_45 {strides = array<i32>} : memref<4096x8xf32, #tpu.memory_space<vmem>>, vector<512x8xf32>,
    %eq3A = arith.constant 7 : i32
    %eq3A_51 = arith.cmpi eq, %arg0, %eq3A : i32
    %convert_element_type3A = arith.extui %eq3A_51 : i1 to i32
    %cond3A = arith.constant 0 : i32
    %cond3A_52 = arith.cmpi ne, %convert_element_type3A, %cond3A : i32
    scf.if %cond3A_52 {
      %get3A_53 = arith.constant 0 : index
      %get3A_54 = arith.constant 0 : index
      %get3A_55 = vector.load %arg12[%get3A_53, %get3A_54] : memref<4096x8xf32, #tpu.memory_space<vmem>>, vector<4096x8xf32>
      %reduce_max3A = arith.constant dense<0xFF800000> : vector<4096xf32>
      %reduce_max3A_56 = vector.multi_reduction <maximumf>, %get3A_55, %reduce_max3A [1] : vector<4096x8xf32> to vector<4096xf32>
      %broadcast_in_dim3A_57 = vector.shape_cast %reduce_max3A_56 : vector<4096xf32> to vector<4096x1xf32>
      %sub3A_58 = vector.broadcast %broadcast_in_dim3A_57 : vector<4096x1xf32> to vector<4096x8xf32>
      %sub3A_59 = arith.subf %get3A_55, %sub3A_58 : vector<4096x8xf32>
      %exp3A = math.exp %sub3A_59 : vector<4096x8xf32>
      %reduce_sum3A_60 = arith.constant dense<0.000000e+00> : vector<4096xf32>
      %reduce_sum3A_61 = vector.multi_reduction <add>, %exp3A, %reduce_sum3A_60 [1] : vector<4096x8xf32> to vector<4096xf32>
      %broadcast_in_dim3A_62 = vector.shape_cast %reduce_sum3A_61 : vector<4096xf32> to vector<4096x1xf32>
      %div3A_63 = vector.broadcast %broadcast_in_dim3A_62 : vector<4096x1xf32> to vector<4096x8xf32>
      %div3A_64 = arith.divf %exp3A, %div3A_63 : vector<4096x8xf32>
      %iota3A = tpu.iota {dimensions = array<i32: 1>} : vector<4096x8xi32>
      %reduce_max3A_65 = arith.constant dense<0xFF800000> : vector<4096xf32>
      %reduce_max3A_66 = vector.multi_reduction <maximumf>, %div3A_64, %reduce_max3A_65 [1] : vector<4096x8xf32> to vector<4096xf32>
      %broadcast_in_dim3A_67 = vector.shape_cast %reduce_max3A_66 : vector<4096xf32> to vector<4096x1xf32>
      %eq3A_68 = vector.broadcast %broadcast_in_dim3A_67 : vector<4096x1xf32> to vector<4096x8xf32>
      %eq3A_69 = arith.cmpf oeq, %div3A_64, %eq3A_68 : vector<4096x8xf32>
      %jit3A = arith.constant 8 : i32
      %broadcast_in_dim3A_70 = vector.broadcast %jit3A : i32 to vector<4096x8xi32>
      %select_n3A = arith.select %eq3A_69, %iota3A, %broadcast_in_dim3A_70 : vector<4096x8xi1>, vector<4096x8xi32>
      %reduce_min3A = arith.constant dense<2147483647> : vector<4096xi32>
      %reduce_min3A_71 = vector.multi_reduction <minsi>, %select_n3A, %reduce_min3A [1] : vector<4096x8xi32> to vector<4096xi32>
      %broadcast_in_dim3A_72 = vector.shape_cast %reduce_min3A_71 : vector<4096xi32> to vector<4096x1xi32>
      %eq3A_73 = vector.broadcast %broadcast_in_dim3A_72 : vector<4096x1xi32> to vector<4096x8xi32>
      %eq3A_74 = arith.cmpi eq, %iota3A, %eq3A_73 : vector<4096x8xi32>
      %jit3A_75 = arith.constant -1.000000e+00 : f32
      %broadcast_in_dim3A_76 = vector.broadcast %jit3A_75 : f32 to vector<4096x8xf32>
      %select_n3A_77 = arith.select %eq3A_74, %broadcast_in_dim3A_76, %div3A_64 : vector<4096x8xi1>, vector<4096x8xf32>
      %reduce_max3A_78 = arith.constant dense<0xFF800000> : vector<4096xf32>
      %reduce_max3A_79 = vector.multi_reduction <maximumf>, %select_n3A_77, %reduce_max3A_78 [1] : vector<4096x8xf32> to vector<4096xf32>
      %broadcast_in_dim3A_80 = vector.shape_cast %reduce_max3A_79 : vector<4096xf32> to vector<4096x1xf32>
      %eq3A_81 = vector.broadcast %broadcast_in_dim3A_80 : vector<4096x1xf32> to vector<4096x8xf32>
      %eq3A_82 = arith.cmpf oeq, %select_n3A_77, %eq3A_81 : vector<4096x8xf32>
      %jit3A_83 = arith.constant 8 : i32
      %broadcast_in_dim3A_84 = vector.broadcast %jit3A_83 : i32 to vector<4096x8xi32>
      %select_n3A_85 = arith.select %eq3A_82, %iota3A, %broadcast_in_dim3A_84 : vector<4096x8xi1>, vector<4096x8xi32>
      %reduce_min3A_86 = arith.constant dense<2147483647> : vector<4096xi32>
      %reduce_min3A_87 = vector.multi_reduction <minsi>, %select_n3A_85, %reduce_min3A_86 [1] : vector<4096x8xi32> to vector<4096xi32>
      %broadcast_in_dim3A_88 = vector.shape_cast %reduce_min3A_87 : vector<4096xi32> to vector<4096x1xi32>
      %add3A_89 = arith.addf %broadcast_in_dim3A_67, %broadcast_in_dim3A_80 : vector<4096x1xf32>
      %add3A_90 = arith.constant 9.99999971E-10 : f32
      %add3A_91 = vector.broadcast %add3A_90 : f32 to vector<4096x1xf32>
      %add3A_92 = arith.addf %add3A_89, %add3A_91 : vector<4096x1xf32>
      %div3A_93 = arith.divf %broadcast_in_dim3A_67, %add3A_92 : vector<4096x1xf32>
      %div3A_94 = arith.divf %broadcast_in_dim3A_80, %add3A_92 : vector<4096x1xf32>
      %eq3A_95 = vector.broadcast %broadcast_in_dim3A_72 : vector<4096x1xi32> to vector<4096x8xi32>
      %eq3A_96 = arith.cmpi eq, %iota3A, %eq3A_95 : vector<4096x8xi32>
      %convert_element_type3A_97 = arith.extui %eq3A_96 : vector<4096x8xi1> to vector<4096x8xi32>
      %convert_element_type3A_98 = arith.sitofp %convert_element_type3A_97 : vector<4096x8xi32> to vector<4096x8xf32>
      %eq3A_99 = vector.broadcast %broadcast_in_dim3A_88 : vector<4096x1xi32> to vector<4096x8xi32>
      %eq3A_100 = arith.cmpi eq, %iota3A, %eq3A_99 : vector<4096x8xi32>
      %convert_element_type3A_101 = arith.extui %eq3A_100 : vector<4096x8xi1> to vector<4096x8xi32>
      %convert_element_type3A_102 = arith.sitofp %convert_element_type3A_101 : vector<4096x8xi32> to vector<4096x8xf32>
      %concatenate3A = tpu.concatenate %convert_element_type3A_98, %convert_element_type3A_102 in 0 : vector<4096x8xf32>, vector<4096x8xf32> -> vector<8192x8xf32>
      %iota3A_103 = tpu.iota {dimensions = array<i32: 0>} : vector<512x512xi32>
      %iota3A_104 = tpu.iota {dimensions = array<i32: 1>} : vector<512x512xi32>
      %lt3A = arith.cmpi slt, %iota3A_104, %iota3A_103 : vector<512x512xi32>
      %convert_element_type3A_105 = arith.extui %lt3A : vector<512x512xi1> to vector<512x512xi32>
      %convert_element_type3A_106 = arith.sitofp %convert_element_type3A_105 : vector<512x512xi32> to vector<512x512xf32>
      %broadcast_in_dim3A_107 = arith.constant 0.000000e+00 : f32
      %broadcast_in_dim3A_108 = vector.broadcast %broadcast_in_dim3A_107 : f32 to vector<1x8xf32>
      %slice3A = vector.extract_strided_slice %concatenate3A {offsets = [0, 0], sizes = [512, 8], strides = [1, 1]} : vector<8192x8xf32> to vector<512x8xf32>
      %dot_general3A_109 = arith.constant dense<0.000000e+00> : vector<512x8xf32>
      %dot_general3A_110 = tpu.matmul %convert_element_type3A_106, %slice3A, %dot_general3A_109 {dimension_numbers = #tpu.dot_dimension_numbers<[1], [0], [0], [1], [0, 0, 1, 1], [], []>, transpose_lhs_hint = false} : vector<512x512xf32>, vector<512x8xf32>, vector<512x8xf32> -> vector<512x8xf32>
      %add3A_111 = vector.broadcast %broadcast_in_dim3A_108 : vector<1x8xf32> to vector<512x8xf32>
      %add3A_112 = arith.addf %dot_general3A_110, %add3A_111 : vector<512x8xf32>
      %reduce_sum3A_113 = arith.constant dense<0.000000e+00> : vector<8xf32>
      %reduce_sum3A_114 = vector.multi_reduction <add>, %slice3A, %reduce_sum3A_113 [0] : vector<512x8xf32> to vector<8xf32>
      %broadcast_in_dim3A_115 = vector.shape_cast %reduce_sum3A_114 : vector<8xf32> to vector<1x8xf32>
      %add3A_116 = arith.addf %broadcast_in_dim3A_108, %broadcast_in_dim3A_115 : vector<1x8xf32>
      %slice3A_117 = vector.extract_strided_slice %concatenate3A {offsets = [512, 0], sizes = [512, 8], strides = [1, 1]} : vector<8192x8xf32> to vector<512x8xf32>
      %dot_general3A_118 = arith.constant dense<0.000000e+00> : vector<512x8xf32>
      %dot_general3A_119 = tpu.matmul %convert_element_type3A_106, %slice3A_117, %dot_general3A_118 {dimension_numbers = #tpu.dot_dimension_numbers<[1], [0], [0], [1], [0, 0, 1, 1], [], []>, transpose_lhs_hint = false} : vector<512x512xf32>, vector<512x8xf32>, vector<512x8xf32> -> vector<512x8xf32>
      %add3A_120 = vector.broadcast %add3A_116 : vector<1x8xf32> to vector<512x8xf32>
      %add3A_121 = arith.addf %dot_general3A_119, %add3A_120 : vector<512x8xf32>
      %reduce_sum3A_122 = arith.constant dense<0.000000e+00> : vector<8xf32>
      %reduce_sum3A_123 = vector.multi_reduction <add>, %slice3A_117, %reduce_sum3A_122 [0] : vector<512x8xf32> to vector<8xf32>
      %broadcast_in_dim3A_124 = vector.shape_cast %reduce_sum3A_123 : vector<8xf32> to vector<1x8xf32>
      %add3A_125 = arith.addf %add3A_116, %broadcast_in_dim3A_124 : vector<1x8xf32>
      %slice3A_126 = vector.extract_strided_slice %concatenate3A {offsets = [1024, 0], sizes = [512, 8], strides = [1, 1]} : vector<8192x8xf32> to vector<512x8xf32>
      %dot_general3A_127 = arith.constant dense<0.000000e+00> : vector<512x8xf32>
      %dot_general3A_128 = tpu.matmul %convert_element_type3A_106, %slice3A_126, %dot_general3A_127 {dimension_numbers = #tpu.dot_dimension_numbers<[1], [0], [0], [1], [0, 0, 1, 1], [], []>, transpose_lhs_hint = false} : vector<512x512xf32>, vector<512x8xf32>, vector<512x8xf32> -> vector<512x8xf32>
      %add3A_129 = vector.broadcast %add3A_125 : vector<1x8xf32> to vector<512x8xf32>
      %add3A_130 = arith.addf %dot_general3A_128, %add3A_129 : vector<512x8xf32>
      %reduce_sum3A_131 = arith.constant dense<0.000000e+00> : vector<8xf32>
      %reduce_sum3A_132 = vector.multi_reduction <add>, %slice3A_126, %reduce_sum3A_131 [0] : vector<512x8xf32> to vector<8xf32>
      %broadcast_in_dim3A_133 = vector.shape_cast %reduce_sum3A_132 : vector<8xf32> to vector<1x8xf32>
      %add3A_134 = arith.addf %add3A_125, %broadcast_in_dim3A_133 : vector<1x8xf32>
      %slice3A_135 = vector.extract_strided_slice %concatenate3A {offsets = [1536, 0], sizes = [512, 8], strides = [1, 1]} : vector<8192x8xf32> to vector<512x8xf32>
      %dot_general3A_136 = arith.constant dense<0.000000e+00> : vector<512x8xf32>
      %dot_general3A_137 = tpu.matmul %convert_element_type3A_106, %slice3A_135, %dot_general3A_136 {dimension_numbers = #tpu.dot_dimension_numbers<[1], [0], [0], [1], [0, 0, 1, 1], [], []>, transpose_lhs_hint = false} : vector<512x512xf32>, vector<512x8xf32>, vector<512x8xf32> -> vector<512x8xf32>
      %add3A_138 = vector.broadcast %add3A_134 : vector<1x8xf32> to vector<512x8xf32>
      %add3A_139 = arith.addf %dot_general3A_137, %add3A_138 : vector<512x8xf32>
      %reduce_sum3A_140 = arith.constant dense<0.000000e+00> : vector<8xf32>
      %reduce_sum3A_141 = vector.multi_reduction <add>, %slice3A_135, %reduce_sum3A_140 [0] : vector<512x8xf32> to vector<8xf32>
      %broadcast_in_dim3A_142 = vector.shape_cast %reduce_sum3A_141 : vector<8xf32> to vector<1x8xf32>
      %add3A_143 = arith.addf %add3A_134, %broadcast_in_dim3A_142 : vector<1x8xf32>
      %slice3A_144 = vector.extract_strided_slice %concatenate3A {offsets = [2048, 0], sizes = [512, 8], strides = [1, 1]} : vector<8192x8xf32> to vector<512x8xf32>
      %dot_general3A_145 = arith.constant dense<0.000000e+00> : vector<512x8xf32>
      %dot_general3A_146 = tpu.matmul %convert_element_type3A_106, %slice3A_144, %dot_general3A_145 {dimension_numbers = #tpu.dot_dimension_numbers<[1], [0], [0], [1], [0, 0, 1, 1], [], []>, transpose_lhs_hint = false} : vector<512x512xf32>, vector<512x8xf32>, vector<512x8xf32> -> vector<512x8xf32>
      %add3A_147 = vector.broadcast %add3A_143 : vector<1x8xf32> to vector<512x8xf32>
      %add3A_148 = arith.addf %dot_general3A_146, %add3A_147 : vector<512x8xf32>
      %reduce_sum3A_149 = arith.constant dense<0.000000e+00> : vector<8xf32>
      %reduce_sum3A_150 = vector.multi_reduction <add>, %slice3A_144, %reduce_sum3A_149 [0] : vector<512x8xf32> to vector<8xf32>
      %broadcast_in_dim3A_151 = vector.shape_cast %reduce_sum3A_150 : vector<8xf32> to vector<1x8xf32>
      %add3A_152 = arith.addf %add3A_143, %broadcast_in_dim3A_151 : vector<1x8xf32>
      %slice3A_153 = vector.extract_strided_slice %concatenate3A {offsets = [2560, 0], sizes = [512, 8], strides = [1, 1]} : vector<8192x8xf32> to vector<512x8xf32>
      %dot_general3A_154 = arith.constant dense<0.000000e+00> : vector<512x8xf32>
      %dot_general3A_155 = tpu.matmul %convert_element_type3A_106, %slice3A_153, %dot_general3A_154 {dimension_numbers = #tpu.dot_dimension_numbers<[1], [0], [0], [1], [0, 0, 1, 1], [], []>, transpose_lhs_hint = false} : vector<512x512xf32>, vector<512x8xf32>, vector<512x8xf32> -> vector<512x8xf32>
      %add3A_156 = vector.broadcast %add3A_152 : vector<1x8xf32> to vector<512x8xf32>
      %add3A_157 = arith.addf %dot_general3A_155, %add3A_156 : vector<512x8xf32>
      %reduce_sum3A_158 = arith.constant dense<0.000000e+00> : vector<8xf32>
      %reduce_sum3A_159 = vector.multi_reduction <add>, %slice3A_153, %reduce_sum3A_158 [0] : vector<512x8xf32> to vector<8xf32>
      %broadcast_in_dim3A_160 = vector.shape_cast %reduce_sum3A_159 : vector<8xf32> to vector<1x8xf32>
      %add3A_161 = arith.addf %add3A_152, %broadcast_in_dim3A_160 : vector<1x8xf32>
      %slice3A_162 = vector.extract_strided_slice %concatenate3A {offsets = [3072, 0], sizes = [512, 8], strides = [1, 1]} : vector<8192x8xf32> to vector<512x8xf32>
      %dot_general3A_163 = arith.constant dense<0.000000e+00> : vector<512x8xf32>
      %dot_general3A_164 = tpu.matmul %convert_element_type3A_106, %slice3A_162, %dot_general3A_163 {dimension_numbers = #tpu.dot_dimension_numbers<[1], [0], [0], [1], [0, 0, 1, 1], [], []>, transpose_lhs_hint = false} : vector<512x512xf32>, vector<512x8xf32>, vector<512x8xf32> -> vector<512x8xf32>
      %add3A_165 = vector.broadcast %add3A_161 : vector<1x8xf32> to vector<512x8xf32>
      %add3A_166 = arith.addf %dot_general3A_164, %add3A_165 : vector<512x8xf32>
      %reduce_sum3A_167 = arith.constant dense<0.000000e+00> : vector<8xf32>
      %reduce_sum3A_168 = vector.multi_reduction <add>, %slice3A_162, %reduce_sum3A_167 [0] : vector<512x8xf32> to vector<8xf32>
      %broadcast_in_dim3A_169 = vector.shape_cast %reduce_sum3A_168 : vector<8xf32> to vector<1x8xf32>
      %add3A_170 = arith.addf %add3A_161, %broadcast_in_dim3A_169 : vector<1x8xf32>
      %slice3A_171 = vector.extract_strided_slice %concatenate3A {offsets = [3584, 0], sizes = [512, 8], strides = [1, 1]} : vector<8192x8xf32> to vector<512x8xf32>
      %dot_general3A_172 = arith.constant dense<0.000000e+00> : vector<512x8xf32>
      %dot_general3A_173 = tpu.matmul %convert_element_type3A_106, %slice3A_171, %dot_general3A_172 {dimension_numbers = #tpu.dot_dimension_numbers<[1], [0], [0], [1], [0, 0, 1, 1], [], []>, transpose_lhs_hint = false} : vector<512x512xf32>, vector<512x8xf32>, vector<512x8xf32> -> vector<512x8xf32>
      %add3A_174 = vector.broadcast %add3A_170 : vector<1x8xf32> to vector<512x8xf32>
      %add3A_175 = arith.addf %dot_general3A_173, %add3A_174 : vector<512x8xf32>
      %reduce_sum3A_176 = arith.constant dense<0.000000e+00> : vector<8xf32>
      %reduce_sum3A_177 = vector.multi_reduction <add>, %slice3A_171, %reduce_sum3A_176 [0] : vector<512x8xf32> to vector<8xf32>
      %broadcast_in_dim3A_178 = vector.shape_cast %reduce_sum3A_177 : vector<8xf32> to vector<1x8xf32>
      %add3A_179 = arith.addf %add3A_170, %broadcast_in_dim3A_178 : vector<1x8xf32>
      %slice3A_180 = vector.extract_strided_slice %concatenate3A {offsets = [4096, 0], sizes = [512, 8], strides = [1, 1]} : vector<8192x8xf32> to vector<512x8xf32>
      %dot_general3A_181 = arith.constant dense<0.000000e+00> : vector<512x8xf32>
      %dot_general3A_182 = tpu.matmul %convert_element_type3A_106, %slice3A_180, %dot_general3A_181 {dimension_numbers = #tpu.dot_dimension_numbers<[1], [0], [0], [1], [0, 0, 1, 1], [], []>, transpose_lhs_hint = false} : vector<512x512xf32>, vector<512x8xf32>, vector<512x8xf32> -> vector<512x8xf32>
      %add3A_183 = vector.broadcast %add3A_179 : vector<1x8xf32> to vector<512x8xf32>
      %add3A_184 = arith.addf %dot_general3A_182, %add3A_183 : vector<512x8xf32>
      %reduce_sum3A_185 = arith.constant dense<0.000000e+00> : vector<8xf32>
      %reduce_sum3A_186 = vector.multi_reduction <add>, %slice3A_180, %reduce_sum3A_185 [0] : vector<512x8xf32> to vector<8xf32>
      %broadcast_in_dim3A_187 = vector.shape_cast %reduce_sum3A_186 : vector<8xf32> to vector<1x8xf32>
      %add3A_188 = arith.addf %add3A_179, %broadcast_in_dim3A_187 : vector<1x8xf32>
      %slice3A_189 = vector.extract_strided_slice %concatenate3A {offsets = [4608, 0], sizes = [512, 8], strides = [1, 1]} : vector<8192x8xf32> to vector<512x8xf32>
      %dot_general3A_190 = arith.constant dense<0.000000e+00> : vector<512x8xf32>
      %dot_general3A_191 = tpu.matmul %convert_element_type3A_106, %slice3A_189, %dot_general3A_190 {dimension_numbers = #tpu.dot_dimension_numbers<[1], [0], [0], [1], [0, 0, 1, 1], [], []>, transpose_lhs_hint = false} : vector<512x512xf32>, vector<512x8xf32>, vector<512x8xf32> -> vector<512x8xf32>
      %add3A_192 = vector.broadcast %add3A_188 : vector<1x8xf32> to vector<512x8xf32>
      %add3A_193 = arith.addf %dot_general3A_191, %add3A_192 : vector<512x8xf32>
      %reduce_sum3A_194 = arith.constant dense<0.000000e+00> : vector<8xf32>
      %reduce_sum3A_195 = vector.multi_reduction <add>, %slice3A_189, %reduce_sum3A_194 [0] : vector<512x8xf32> to vector<8xf32>
      %broadcast_in_dim3A_196 = vector.shape_cast %reduce_sum3A_195 : vector<8xf32> to vector<1x8xf32>
      %add3A_197 = arith.addf %add3A_188, %broadcast_in_dim3A_196 : vector<1x8xf32>
      %slice3A_198 = vector.extract_strided_slice %concatenate3A {offsets = [5120, 0], sizes = [512, 8], strides = [1, 1]} : vector<8192x8xf32> to vector<512x8xf32>
      %dot_general3A_199 = arith.constant dense<0.000000e+00> : vector<512x8xf32>
      %dot_general3A_200 = tpu.matmul %convert_element_type3A_106, %slice3A_198, %dot_general3A_199 {dimension_numbers = #tpu.dot_dimension_numbers<[1], [0], [0], [1], [0, 0, 1, 1], [], []>, transpose_lhs_hint = false} : vector<512x512xf32>, vector<512x8xf32>, vector<512x8xf32> -> vector<512x8xf32>
      %add3A_201 = vector.broadcast %add3A_197 : vector<1x8xf32> to vector<512x8xf32>
      %add3A_202 = arith.addf %dot_general3A_200, %add3A_201 : vector<512x8xf32>
      %reduce_sum3A_203 = arith.constant dense<0.000000e+00> : vector<8xf32>
      %reduce_sum3A_204 = vector.multi_reduction <add>, %slice3A_198, %reduce_sum3A_203 [0] : vector<512x8xf32> to vector<8xf32>
      %broadcast_in_dim3A_205 = vector.shape_cast %reduce_sum3A_204 : vector<8xf32> to vector<1x8xf32>
      %add3A_206 = arith.addf %add3A_197, %broadcast_in_dim3A_205 : vector<1x8xf32>
      %slice3A_207 = vector.extract_strided_slice %concatenate3A {offsets = [5632, 0], sizes = [512, 8], strides = [1, 1]} : vector<8192x8xf32> to vector<512x8xf32>
      %dot_general3A_208 = arith.constant dense<0.000000e+00> : vector<512x8xf32>
      %dot_general3A_209 = tpu.matmul %convert_element_type3A_106, %slice3A_207, %dot_general3A_208 {dimension_numbers = #tpu.dot_dimension_numbers<[1], [0], [0], [1], [0, 0, 1, 1], [], []>, transpose_lhs_hint = false} : vector<512x512xf32>, vector<512x8xf32>, vector<512x8xf32> -> vector<512x8xf32>
      %add3A_210 = vector.broadcast %add3A_206 : vector<1x8xf32> to vector<512x8xf32>
      %add3A_211 = arith.addf %dot_general3A_209, %add3A_210 : vector<512x8xf32>
      %reduce_sum3A_212 = arith.constant dense<0.000000e+00> : vector<8xf32>
      %reduce_sum3A_213 = vector.multi_reduction <add>, %slice3A_207, %reduce_sum3A_212 [0] : vector<512x8xf32> to vector<8xf32>
      %broadcast_in_dim3A_214 = vector.shape_cast %reduce_sum3A_213 : vector<8xf32> to vector<1x8xf32>
      %add3A_215 = arith.addf %add3A_206, %broadcast_in_dim3A_214 : vector<1x8xf32>
      %slice3A_216 = vector.extract_strided_slice %concatenate3A {offsets = [6144, 0], sizes = [512, 8], strides = [1, 1]} : vector<8192x8xf32> to vector<512x8xf32>
      %dot_general3A_217 = arith.constant dense<0.000000e+00> : vector<512x8xf32>
      %dot_general3A_218 = tpu.matmul %convert_element_type3A_106, %slice3A_216, %dot_general3A_217 {dimension_numbers = #tpu.dot_dimension_numbers<[1], [0], [0], [1], [0, 0, 1, 1], [], []>, transpose_lhs_hint = false} : vector<512x512xf32>, vector<512x8xf32>, vector<512x8xf32> -> vector<512x8xf32>
      %add3A_219 = vector.broadcast %add3A_215 : vector<1x8xf32> to vector<512x8xf32>
      %add3A_220 = arith.addf %dot_general3A_218, %add3A_219 : vector<512x8xf32>
      %reduce_sum3A_221 = arith.constant dense<0.000000e+00> : vector<8xf32>
      %reduce_sum3A_222 = vector.multi_reduction <add>, %slice3A_216, %reduce_sum3A_221 [0] : vector<512x8xf32> to vector<8xf32>
      %broadcast_in_dim3A_223 = vector.shape_cast %reduce_sum3A_222 : vector<8xf32> to vector<1x8xf32>
      %add3A_224 = arith.addf %add3A_215, %broadcast_in_dim3A_223 : vector<1x8xf32>
      %slice3A_225 = vector.extract_strided_slice %concatenate3A {offsets = [6656, 0], sizes = [512, 8], strides = [1, 1]} : vector<8192x8xf32> to vector<512x8xf32>
      %dot_general3A_226 = arith.constant dense<0.000000e+00> : vector<512x8xf32>
      %dot_general3A_227 = tpu.matmul %convert_element_type3A_106, %slice3A_225, %dot_general3A_226 {dimension_numbers = #tpu.dot_dimension_numbers<[1], [0], [0], [1], [0, 0, 1, 1], [], []>, transpose_lhs_hint = false} : vector<512x512xf32>, vector<512x8xf32>, vector<512x8xf32> -> vector<512x8xf32>
      %add3A_228 = vector.broadcast %add3A_224 : vector<1x8xf32> to vector<512x8xf32>
      %add3A_229 = arith.addf %dot_general3A_227, %add3A_228 : vector<512x8xf32>
      %reduce_sum3A_230 = arith.constant dense<0.000000e+00> : vector<8xf32>
      %reduce_sum3A_231 = vector.multi_reduction <add>, %slice3A_225, %reduce_sum3A_230 [0] : vector<512x8xf32> to vector<8xf32>
      %broadcast_in_dim3A_232 = vector.shape_cast %reduce_sum3A_231 : vector<8xf32> to vector<1x8xf32>
      %add3A_233 = arith.addf %add3A_224, %broadcast_in_dim3A_232 : vector<1x8xf32>
      %slice3A_234 = vector.extract_strided_slice %concatenate3A {offsets = [7168, 0], sizes = [512, 8], strides = [1, 1]} : vector<8192x8xf32> to vector<512x8xf32>
      %dot_general3A_235 = arith.constant dense<0.000000e+00> : vector<512x8xf32>
      %dot_general3A_236 = tpu.matmul %convert_element_type3A_106, %slice3A_234, %dot_general3A_235 {dimension_numbers = #tpu.dot_dimension_numbers<[1], [0], [0], [1], [0, 0, 1, 1], [], []>, transpose_lhs_hint = false} : vector<512x512xf32>, vector<512x8xf32>, vector<512x8xf32> -> vector<512x8xf32>
      %add3A_237 = vector.broadcast %add3A_233 : vector<1x8xf32> to vector<512x8xf32>
      %add3A_238 = arith.addf %dot_general3A_236, %add3A_237 : vector<512x8xf32>
      %reduce_sum3A_239 = arith.constant dense<0.000000e+00> : vector<8xf32>
      %reduce_sum3A_240 = vector.multi_reduction <add>, %slice3A_234, %reduce_sum3A_239 [0] : vector<512x8xf32> to vector<8xf32>
      %broadcast_in_dim3A_241 = vector.shape_cast %reduce_sum3A_240 : vector<8xf32> to vector<1x8xf32>
      %add3A_242 = arith.addf %add3A_233, %broadcast_in_dim3A_241 : vector<1x8xf32>
      %slice3A_243 = vector.extract_strided_slice %concatenate3A {offsets = [7680, 0], sizes = [512, 8], strides = [1, 1]} : vector<8192x8xf32> to vector<512x8xf32>
      %dot_general3A_244 = arith.constant dense<0.000000e+00> : vector<512x8xf32>
      %dot_general3A_245 = tpu.matmul %convert_element_type3A_106, %slice3A_243, %dot_general3A_244 {dimension_numbers = #tpu.dot_dimension_numbers<[1], [0], [0], [1], [0, 0, 1, 1], [], []>, transpose_lhs_hint = false} : vector<512x512xf32>, vector<512x8xf32>, vector<512x8xf32> -> vector<512x8xf32>
      %add3A_246 = vector.broadcast %add3A_242 : vector<1x8xf32> to vector<512x8xf32>
      %add3A_247 = arith.addf %dot_general3A_245, %add3A_246 : vector<512x8xf32>
      %reduce_sum3A_248 = arith.constant dense<0.000000e+00> : vector<8xf32>
      %reduce_sum3A_249 = vector.multi_reduction <add>, %slice3A_243, %reduce_sum3A_248 [0] : vector<512x8xf32> to vector<8xf32>
      %broadcast_in_dim3A_250 = vector.shape_cast %reduce_sum3A_249 : vector<8xf32> to vector<1x8xf32>
      %add3A_251 = arith.addf %add3A_242, %broadcast_in_dim3A_250 : vector<1x8xf32>
      %concatenate3A_252 = tpu.concatenate %add3A_112, %add3A_121, %add3A_130, %add3A_139, %add3A_148, %add3A_157, %add3A_166, %add3A_175, %add3A_184, %add3A_193, %add3A_202, %add3A_211, %add3A_220, %add3A_229, %add3A_238, %add3A_247 in 0 : vector<512x8xf32>, vector<512x8xf32>, vector<512x8xf32>, vector<512x8xf32>, vector<512x8xf32>, vector<512x8xf32>, vector<512x8xf32>, vector<512x8xf32>, vector<512x8xf32>, vector<512x8xf32>, vector<512x8xf32>, vector<512x8xf32>, vector<512x8xf32>, vector<512x8xf32>, vector<512x8xf32>, vector<512x8xf32> -> vector<8192x8xf32>
      %mul3A_253 = arith.constant 7.812500e-03 : f32
      %mul3A_254 = vector.broadcast %mul3A_253 : f32 to vector<1x8xf32>
      %mul3A_255 = arith.mulf %add3A_251, %mul3A_254 : vector<1x8xf32>
      %ceil3A = math.ceil %mul3A_255 : vector<1x8xf32>
      %mul3A_256 = arith.constant 1.280000e+02 : f32
      %mul3A_257 = vector.broadcast %mul3A_256 : f32 to vector<1x8xf32>
      %mul3A_258 = arith.mulf %ceil3A, %mul3A_257 : vector<1x8xf32>
      %iota3A_259 = tpu.iota {dimensions = array<i32: 0>} : vector<8x8xi32>
      %iota3A_260 = tpu.iota {dimensions = array<i32: 1>} : vector<8x8xi32>
      %lt3A_261 = arith.cmpi slt, %iota3A_259, %iota3A_260 : vector<8x8xi32>
      %convert_element_type3A_262 = arith.extui %lt3A_261 : vector<8x8xi1> to vector<8x8xi32>
      %convert_element_type3A_263 = arith.sitofp %convert_element_type3A_262 : vector<8x8xi32> to vector<8x8xf32>
      %dot_general3A_264 = arith.constant dense<0.000000e+00> : vector<1x8xf32>
      %dot_general3A_265 = tpu.matmul %mul3A_258, %convert_element_type3A_263, %dot_general3A_264 {dimension_numbers = #tpu.dot_dimension_numbers<[1], [0], [0], [1], [0, 0, 1, 1], [], []>, precision = #tpu.contract_precision<fp32>, transpose_lhs_hint = false} : vector<1x8xf32>, vector<8x8xf32>, vector<1x8xf32> -> vector<1x8xf32>
      %add3A_266 = vector.broadcast %dot_general3A_265 : vector<1x8xf32> to vector<8192x8xf32>
      %add3A_267 = arith.addf %add3A_266, %concatenate3A_252 : vector<8192x8xf32>
      %mul3A_268 = arith.mulf %concatenate3A, %add3A_267 : vector<8192x8xf32>
      %reduce_sum3A_269 = arith.constant dense<0.000000e+00> : vector<8192xf32>
      %reduce_sum3A_270 = vector.multi_reduction <add>, %mul3A_268, %reduce_sum3A_269 [1] : vector<8192x8xf32> to vector<8192xf32>
      %broadcast_in_dim3A_271 = vector.shape_cast %reduce_sum3A_270 : vector<8192xf32> to vector<8192x1xf32>
      %convert_element_type3A_272 = arith.fptosi %broadcast_in_dim3A_271 : vector<8192x1xf32> to vector<8192x1xi32>
      %swap3A_273 = arith.constant 0 : index
      %swap3A_274 = arith.constant 0 : index
      %swap3A_275 = vector.load %arg9[%swap3A_273, %swap3A_274] : memref<8192x1xi32, #tpu.memory_space<vmem>>, vector<8192x1xi32>
      tpu.vector_store %arg9[%swap3A_273, %swap3A_274], %convert_element_type3A_272 {strides = array<i32>} : memref<8192x1xi32, #tpu.memory_space<vmem>>, vector<8192x1xi32>,
      %concatenate3A_276 = tpu.concatenate %div3A_93, %div3A_94 in 0 : vector<4096x1xf32>, vector<4096x1xf32> -> vector<8192x1xf32>
      %swap3A_277 = arith.constant 0 : index
      %swap3A_278 = arith.constant 0 : index
      %swap3A_279 = vector.load %arg10[%swap3A_277, %swap3A_278] : memref<8192x1xf32, #tpu.memory_space<vmem>>, vector<8192x1xf32>
      tpu.vector_store %arg10[%swap3A_277, %swap3A_278], %concatenate3A_276 {strides = array<i32>} : memref<8192x1xf32, #tpu.memory_space<vmem>>, vector<8192x1xf32>,
      %iota3A_280 = tpu.iota {dimensions = array<i32: 0>} : vector<72x8xi32>
      %convert_element_type3A_281 = arith.sitofp %iota3A_280 : vector<72x8xi32> to vector<72x8xf32>
      %mul3A_282 = arith.constant 1.280000e+02 : f32
      %mul3A_283 = vector.broadcast %mul3A_282 : f32 to vector<72x8xf32>
      %mul3A_284 = arith.mulf %convert_element_type3A_281, %mul3A_283 : vector<72x8xf32>
      %broadcast_in_dim3A_285 = vector.shape_cast %dot_general3A_265 : vector<1x8xf32> to vector<1x8xf32>
      %broadcast_in_dim3A_286 = vector.broadcast %broadcast_in_dim3A_285 : vector<1x8xf32> to vector<72x8xf32>
      %add3A_287 = arith.constant 5.000000e-01 : f32
      %add3A_288 = vector.broadcast %add3A_287 : f32 to vector<72x8xf32>
      %add3A_289 = arith.addf %mul3A_284, %add3A_288 : vector<72x8xf32>
      %le3A = arith.cmpf ole, %broadcast_in_dim3A_286, %add3A_289 : vector<72x8xf32>
      %convert_element_type3A_290 = arith.extui %le3A : vector<72x8xi1> to vector<72x8xi32>
      %convert_element_type3A_291 = arith.sitofp %convert_element_type3A_290 : vector<72x8xi32> to vector<72x8xf32>
      %reduce_sum3A_292 = arith.constant dense<0.000000e+00> : vector<72xf32>
      %reduce_sum3A_293 = vector.multi_reduction <add>, %convert_element_type3A_291, %reduce_sum3A_292 [1] : vector<72x8xf32> to vector<72xf32>
      %broadcast_in_dim3A_294 = vector.shape_cast %reduce_sum3A_293 : vector<72xf32> to vector<72x1xf32>
      %sub3A_295 = arith.constant 1.000000e+00 : f32
      %sub3A_296 = vector.broadcast %sub3A_295 : f32 to vector<72x1xf32>
      %sub3A_297 = arith.subf %broadcast_in_dim3A_294, %sub3A_296 : vector<72x1xf32>
      %convert_element_type3A_298 = arith.fptosi %sub3A_297 : vector<72x1xf32> to vector<72x1xi32>
      %swap3A_299 = arith.constant 0 : index
      %swap3A_300 = arith.constant 0 : index
      %swap3A_301 = vector.load %arg11[%swap3A_299, %swap3A_300] : memref<72x1xi32, #tpu.memory_space<vmem>>, vector<72x1xi32>
      tpu.vector_store %arg11[%swap3A_299, %swap3A_300], %convert_element_type3A_298 {strides = array<i32>} : memref<72x1xi32, #tpu.memory_space<vmem>>, vector<72x1xi32>,
    } else {
    }
    return
  }
  func.func @transform_0(%arg0: i32) -> (i32, i32) {
    %c0_i32 = arith.constant 0 : i32
    %c0_i32_0 = arith.constant 0 : i32
    return %arg0, %c0_i32 : i32, i32
  }
  func.func @transform_1(%arg0: i32) -> (i32, i32) {
    %c0_i32 = arith.constant 0 : i32
    %c0_i32_0 = arith.constant 0 : i32
    %c0_i32_1 = arith.constant 0 : i32
    return %c0_i32, %c0_i32_0 : i32, i32
  }
  func.func @transform_2(%arg0: i32) -> (i32, i32) {
    %c0_i32 = arith.constant 0 : i32
    %c0_i32_0 = arith.constant 0 : i32
    %c0_i32_1 = arith.constant 0 : i32
    return %c0_i32, %c0_i32_0 : i32, i32
  }
  func.func @transform_3(%arg0: i32) -> (i32, i32) {
    %c0_i32 = arith.constant 0 : i32
    %c0_i32_0 = arith.constant 0 : i32
    return %arg0, %c0_i32 : i32, i32
  }
  func.func @transform_4(%arg0: i32) -> (i32, i32) {
    %c0_i32 = arith.constant 0 : i32
    %c0_i32_0 = arith.constant 0 : i32
    %c0_i32_1 = arith.constant 0 : i32
    return %c0_i32, %c0_i32_0 : i32, i32
  }
  func.func @transform_5(%arg0: i32) -> (i32, i32) {
    %c0_i32 = arith.constant 0 : i32
    %c0_i32_0 = arith.constant 0 : i32
    %c0_i32_1 = arith.constant 0 : i32
    return %c0_i32, %c0_i32_0 : i32, i32
  }
  func.func @transform_6(%arg0: i32) -> (i32, i32) {
    %c0_i32 = arith.constant 0 : i32
    %c0_i32_0 = arith.constant 0 : i32
    %c0_i32_1 = arith.constant 0 : i32
    return %c0_i32, %c0_i32_0 : i32, i32
  }
  func.func @transform_7(%arg0: i32) -> (i32, i32) {
    %c0_i32 = arith.constant 0 : i32
    %c0_i32_0 = arith.constant 0 : i32
    return %arg0, %c0_i32 : i32, i32
  }
  func.func @transform_8(%arg0: i32) -> (i32, i32) {
    %c0_i32 = arith.constant 0 : i32
    %c0_i32_0 = arith.constant 0 : i32
    %c0_i32_1 = arith.constant 0 : i32
    return %c0_i32, %c0_i32_0 : i32, i32
  }
  func.func @transform_9(%arg0: i32) -> (i32, i32) {
    %c0_i32 = arith.constant 0 : i32
    %c0_i32_0 = arith.constant 0 : i32
    %c0_i32_1 = arith.constant 0 : i32
    return %c0_i32, %c0_i32_0 : i32, i32
  }
  func.func @transform_10(%arg0: i32) -> (i32, i32) {
    %c0_i32 = arith.constant 0 : i32
    %c0_i32_0 = arith.constant 0 : i32
    %c0_i32_1 = arith.constant 0 : i32
    return %c0_i32, %c0_i32_0 : i32, i32
  }
}

module attributes {stable_mosaic.version = 14 : i64} {
  func.func @_ffn_body(%arg0: i32, %arg1: memref<72xi32, #tpu.memory_space<smem>>, %arg2: memref<128x1024xf32, #tpu.memory_space<vmem>>, %arg3: memref<1x1024x2048xbf16, #tpu.memory_space<vmem>>, %arg4: memref<1x1x2048xf32, #tpu.memory_space<vmem>>, %arg5: memref<1x2048x1024xbf16, #tpu.memory_space<vmem>>, %arg6: memref<1x1x1024xf32, #tpu.memory_space<vmem>>, %arg7: memref<128x1024xf32, #tpu.memory_space<vmem>>) attributes {dimension_semantics = [#tpu.dimension_semantics<arbitrary>], iteration_bounds = array<i64: 72>, scalar_prefetch = 1 : i64, scratch_operands = 0 : i64, tpu.core_type = #tpu.core_type<tc>, window_params = [{transform_indices = @transform_0, window_bounds = array<i64: 128, 1024>}, {transform_indices = @transform_1, window_bounds = array<i64: 1, 1024, 2048>}, {transform_indices = @transform_2, window_bounds = array<i64: 1, 1, 2048>}, {transform_indices = @transform_3, window_bounds = array<i64: 1, 2048, 1024>}, {transform_indices = @transform_4, window_bounds = array<i64: 1, 1, 1024>}, {transform_indices = @transform_5, window_bounds = array<i64: 128, 1024>}]} {
    %get3A = arith.constant 0 : index
    %get3A_0 = arith.constant 0 : index
    %get3A_1 = vector.load %arg2[%get3A, %get3A_0] : memref<128x1024xf32, #tpu.memory_space<vmem>>, vector<128x1024xf32>
    %convert_element_type3A = arith.truncf %get3A_1 : vector<128x1024xf32> to vector<128x1024xbf16>
    %get3A_2 = arith.constant 0 : index
    %get3A_3 = arith.constant 0 : index
    %get3A_4 = arith.constant 0 : index
    %get3A_5 = vector.load %arg3[%get3A_2, %get3A_3, %get3A_4] : memref<1x1024x2048xbf16, #tpu.memory_space<vmem>>, vector<1x1024x2048xbf16>
    %get3A_6 = vector.shape_cast %get3A_5 : vector<1x1024x2048xbf16> to vector<1024x2048xbf16>
    %dot_general3A = arith.constant dense<0.000000e+00> : vector<128x2048xf32>
    %dot_general3A_7 = tpu.matmul %convert_element_type3A, %get3A_6, %dot_general3A {dimension_numbers = #tpu.dot_dimension_numbers<[1], [0], [0], [1], [0, 0, 1, 1], [], []>, transpose_lhs_hint = false} : vector<128x1024xbf16>, vector<1024x2048xbf16>, vector<128x2048xf32> -> vector<128x2048xf32>
    %get3A_8 = arith.constant 0 : index
    %get3A_9 = arith.constant 0 : index
    %get3A_10 = arith.constant 0 : index
    %get3A_11 = vector.load %arg4[%get3A_8, %get3A_9, %get3A_10] : memref<1x1x2048xf32, #tpu.memory_space<vmem>>, vector<1x1x2048xf32>
    %get3A_12 = vector.shape_cast %get3A_11 : vector<1x1x2048xf32> to vector<1x2048xf32>
    %add3A = vector.broadcast %get3A_12 : vector<1x2048xf32> to vector<128x2048xf32>
    %add3A_13 = arith.addf %dot_general3A_7, %add3A : vector<128x2048xf32>
    %max3A = arith.constant 0.000000e+00 : f32
    %max3A_14 = vector.broadcast %max3A : f32 to vector<128x2048xf32>
    %max3A_15 = arith.maximumf %add3A_13, %max3A_14 : vector<128x2048xf32>
    %convert_element_type3A_16 = arith.truncf %max3A_15 : vector<128x2048xf32> to vector<128x2048xbf16>
    %get3A_17 = arith.constant 0 : index
    %get3A_18 = arith.constant 0 : index
    %get3A_19 = arith.constant 0 : index
    %get3A_20 = vector.load %arg5[%get3A_17, %get3A_18, %get3A_19] : memref<1x2048x1024xbf16, #tpu.memory_space<vmem>>, vector<1x2048x1024xbf16>
    %get3A_21 = vector.shape_cast %get3A_20 : vector<1x2048x1024xbf16> to vector<2048x1024xbf16>
    %dot_general3A_22 = arith.constant dense<0.000000e+00> : vector<128x1024xf32>
    %dot_general3A_23 = tpu.matmul %convert_element_type3A_16, %get3A_21, %dot_general3A_22 {dimension_numbers = #tpu.dot_dimension_numbers<[1], [0], [0], [1], [0, 0, 1, 1], [], []>, transpose_lhs_hint = false} : vector<128x2048xbf16>, vector<2048x1024xbf16>, vector<128x1024xf32> -> vector<128x1024xf32>
    %get3A_24 = arith.constant 0 : index
    %get3A_25 = arith.constant 0 : index
    %get3A_26 = arith.constant 0 : index
    %get3A_27 = vector.load %arg6[%get3A_24, %get3A_25, %get3A_26] : memref<1x1x1024xf32, #tpu.memory_space<vmem>>, vector<1x1x1024xf32>
    %get3A_28 = vector.shape_cast %get3A_27 : vector<1x1x1024xf32> to vector<1x1024xf32>
    %add3A_29 = vector.broadcast %get3A_28 : vector<1x1024xf32> to vector<128x1024xf32>
    %add3A_30 = arith.addf %dot_general3A_23, %add3A_29 : vector<128x1024xf32>
    %swap3A = arith.constant 0 : index
    %swap3A_31 = arith.constant 0 : index
    %swap3A_32 = vector.load %arg7[%swap3A, %swap3A_31] : memref<128x1024xf32, #tpu.memory_space<vmem>>, vector<128x1024xf32>
    tpu.vector_store %arg7[%swap3A, %swap3A_31], %add3A_30 {strides = array<i32>} : memref<128x1024xf32, #tpu.memory_space<vmem>>, vector<128x1024xf32>,
    return
  }
  func.func @transform_0(%arg0: i32, %arg1: memref<72xi32, #tpu.memory_space<smem>>) -> (i32, i32) {
    %c0_i32 = arith.constant 0 : i32
    %c0_i32_0 = arith.constant 0 : i32
    return %arg0, %c0_i32 : i32, i32
  }
  func.func @transform_1(%arg0: i32, %arg1: memref<72xi32, #tpu.memory_space<smem>>) -> (i32, i32, i32) {
    %get3A = arith.index_cast %arg0 : i32 to index
    %get3A_0 = memref.load %arg1[%get3A] : memref<72xi32, #tpu.memory_space<smem>>
    %c0_i32 = arith.constant 0 : i32
    %c0_i32_1 = arith.constant 0 : i32
    %c0_i32_2 = arith.constant 0 : i32
    return %get3A_0, %c0_i32, %c0_i32_1 : i32, i32, i32
  }
  func.func @transform_2(%arg0: i32, %arg1: memref<72xi32, #tpu.memory_space<smem>>) -> (i32, i32, i32) {
    %get3A = arith.index_cast %arg0 : i32 to index
    %get3A_0 = memref.load %arg1[%get3A] : memref<72xi32, #tpu.memory_space<smem>>
    %c0_i32 = arith.constant 0 : i32
    %c0_i32_1 = arith.constant 0 : i32
    %c0_i32_2 = arith.constant 0 : i32
    return %get3A_0, %c0_i32, %c0_i32_1 : i32, i32, i32
  }
  func.func @transform_3(%arg0: i32, %arg1: memref<72xi32, #tpu.memory_space<smem>>) -> (i32, i32, i32) {
    %get3A = arith.index_cast %arg0 : i32 to index
    %get3A_0 = memref.load %arg1[%get3A] : memref<72xi32, #tpu.memory_space<smem>>
    %c0_i32 = arith.constant 0 : i32
    %c0_i32_1 = arith.constant 0 : i32
    %c0_i32_2 = arith.constant 0 : i32
    return %get3A_0, %c0_i32, %c0_i32_1 : i32, i32, i32
  }
  func.func @transform_4(%arg0: i32, %arg1: memref<72xi32, #tpu.memory_space<smem>>) -> (i32, i32, i32) {
    %get3A = arith.index_cast %arg0 : i32 to index
    %get3A_0 = memref.load %arg1[%get3A] : memref<72xi32, #tpu.memory_space<smem>>
    %c0_i32 = arith.constant 0 : i32
    %c0_i32_1 = arith.constant 0 : i32
    %c0_i32_2 = arith.constant 0 : i32
    return %get3A_0, %c0_i32, %c0_i32_1 : i32, i32, i32
  }
  func.func @transform_5(%arg0: i32, %arg1: memref<72xi32, #tpu.memory_space<smem>>) -> (i32, i32) {
    %c0_i32 = arith.constant 0 : i32
    %c0_i32_0 = arith.constant 0 : i32
    return %arg0, %c0_i32 : i32, i32
  }
}

module attributes {stable_mosaic.version = 14 : i64} {
  func.func @_ln2_body(%arg0: i32, %arg1: memref<512x1024xf32, #tpu.memory_space<vmem>>, %arg2: memref<512x1024xf32, #tpu.memory_space<vmem>>, %arg3: memref<512x1024xf32, #tpu.memory_space<vmem>>, %arg4: memref<512x1xf32, #tpu.memory_space<vmem>>, %arg5: memref<512x1xf32, #tpu.memory_space<vmem>>, %arg6: memref<1x1024xf32, #tpu.memory_space<vmem>>, %arg7: memref<1x1024xf32, #tpu.memory_space<vmem>>, %arg8: memref<512x1024xf32, #tpu.memory_space<vmem>>) attributes {dimension_semantics = [#tpu.dimension_semantics<arbitrary>], iteration_bounds = array<i64: 8>, scalar_prefetch = 0 : i64, scratch_operands = 0 : i64, tpu.core_type = #tpu.core_type<tc>, window_params = [{transform_indices = @transform_0, window_bounds = array<i64: 512, 1024>}, {transform_indices = @transform_1, window_bounds = array<i64: 512, 1024>}, {transform_indices = @transform_2, window_bounds = array<i64: 512, 1024>}, {transform_indices = @transform_3, window_bounds = array<i64: 512, 1>}, {transform_indices = @transform_4, window_bounds = array<i64: 512, 1>}, {pipeline_mode = #tpu.pipeline_mode<synchronous>, transform_indices = @transform_5, window_bounds = array<i64: 1, 1024>}, {pipeline_mode = #tpu.pipeline_mode<synchronous>, transform_indices = @transform_6, window_bounds = array<i64: 1, 1024>}, {transform_indices = @transform_7, window_bounds = array<i64: 512, 1024>}]} {
    %get3A = arith.constant 0 : index
    %get3A_0 = arith.constant 0 : index
    %get3A_1 = vector.load %arg1[%get3A, %get3A_0] : memref<512x1024xf32, #tpu.memory_space<vmem>>, vector<512x1024xf32>
    %get3A_2 = arith.constant 0 : index
    %get3A_3 = arith.constant 0 : index
    %get3A_4 = vector.load %arg4[%get3A_2, %get3A_3] : memref<512x1xf32, #tpu.memory_space<vmem>>, vector<512x1xf32>
    %get3A_5 = arith.constant 0 : index
    %get3A_6 = arith.constant 0 : index
    %get3A_7 = vector.load %arg2[%get3A_5, %get3A_6] : memref<512x1024xf32, #tpu.memory_space<vmem>>, vector<512x1024xf32>
    %mul3A = vector.broadcast %get3A_4 : vector<512x1xf32> to vector<512x1024xf32>
    %mul3A_8 = arith.mulf %mul3A, %get3A_7 : vector<512x1024xf32>
    %add3A = arith.addf %get3A_1, %mul3A_8 : vector<512x1024xf32>
    %get3A_9 = arith.constant 0 : index
    %get3A_10 = arith.constant 0 : index
    %get3A_11 = vector.load %arg5[%get3A_9, %get3A_10] : memref<512x1xf32, #tpu.memory_space<vmem>>, vector<512x1xf32>
    %get3A_12 = arith.constant 0 : index
    %get3A_13 = arith.constant 0 : index
    %get3A_14 = vector.load %arg3[%get3A_12, %get3A_13] : memref<512x1024xf32, #tpu.memory_space<vmem>>, vector<512x1024xf32>
    %mul3A_15 = vector.broadcast %get3A_11 : vector<512x1xf32> to vector<512x1024xf32>
    %mul3A_16 = arith.mulf %mul3A_15, %get3A_14 : vector<512x1024xf32>
    %add3A_17 = arith.addf %add3A, %mul3A_16 : vector<512x1024xf32>
    %reduce_sum3A = arith.constant dense<0.000000e+00> : vector<512xf32>
    %reduce_sum3A_18 = vector.multi_reduction <add>, %add3A_17, %reduce_sum3A [1] : vector<512x1024xf32> to vector<512xf32>
    %broadcast_in_dim3A = vector.shape_cast %reduce_sum3A_18 : vector<512xf32> to vector<512x1xf32>
    %div3A = arith.constant 1.024000e+03 : f32
    %div3A_19 = vector.broadcast %div3A : f32 to vector<512x1xf32>
    %div3A_20 = arith.divf %broadcast_in_dim3A, %div3A_19 : vector<512x1xf32>
    %sub3A = vector.broadcast %div3A_20 : vector<512x1xf32> to vector<512x1024xf32>
    %sub3A_21 = arith.subf %add3A_17, %sub3A : vector<512x1024xf32>
    %mul3A_22 = arith.mulf %sub3A_21, %sub3A_21 : vector<512x1024xf32>
    %reduce_sum3A_23 = arith.constant dense<0.000000e+00> : vector<512xf32>
    %reduce_sum3A_24 = vector.multi_reduction <add>, %mul3A_22, %reduce_sum3A_23 [1] : vector<512x1024xf32> to vector<512xf32>
    %broadcast_in_dim3A_25 = vector.shape_cast %reduce_sum3A_24 : vector<512xf32> to vector<512x1xf32>
    %div3A_26 = arith.constant 1.024000e+03 : f32
    %div3A_27 = vector.broadcast %div3A_26 : f32 to vector<512x1xf32>
    %div3A_28 = arith.divf %broadcast_in_dim3A_25, %div3A_27 : vector<512x1xf32>
    %add3A_29 = arith.constant 9.99999974E-6 : f32
    %add3A_30 = vector.broadcast %add3A_29 : f32 to vector<512x1xf32>
    %add3A_31 = arith.addf %div3A_28, %add3A_30 : vector<512x1xf32>
    %rsqrt3A = math.rsqrt %add3A_31 : vector<512x1xf32>
    %mul3A_32 = vector.broadcast %rsqrt3A : vector<512x1xf32> to vector<512x1024xf32>
    %mul3A_33 = arith.mulf %sub3A_21, %mul3A_32 : vector<512x1024xf32>
    %get3A_34 = arith.constant 0 : index
    %get3A_35 = arith.constant 0 : index
    %get3A_36 = vector.load %arg6[%get3A_34, %get3A_35] : memref<1x1024xf32, #tpu.memory_space<vmem>>, vector<1x1024xf32>
    %mul3A_37 = vector.broadcast %get3A_36 : vector<1x1024xf32> to vector<512x1024xf32>
    %mul3A_38 = arith.mulf %mul3A_33, %mul3A_37 : vector<512x1024xf32>
    %get3A_39 = arith.constant 0 : index
    %get3A_40 = arith.constant 0 : index
    %get3A_41 = vector.load %arg7[%get3A_39, %get3A_40] : memref<1x1024xf32, #tpu.memory_space<vmem>>, vector<1x1024xf32>
    %add3A_42 = vector.broadcast %get3A_41 : vector<1x1024xf32> to vector<512x1024xf32>
    %add3A_43 = arith.addf %mul3A_38, %add3A_42 : vector<512x1024xf32>
    %swap3A = arith.constant 0 : index
    %swap3A_44 = arith.constant 0 : index
    %swap3A_45 = vector.load %arg8[%swap3A, %swap3A_44] : memref<512x1024xf32, #tpu.memory_space<vmem>>, vector<512x1024xf32>
    tpu.vector_store %arg8[%swap3A, %swap3A_44], %add3A_43 {strides = array<i32>} : memref<512x1024xf32, #tpu.memory_space<vmem>>, vector<512x1024xf32>,
    return
  }
  func.func @transform_0(%arg0: i32) -> (i32, i32) {
    %c0_i32 = arith.constant 0 : i32
    %c0_i32_0 = arith.constant 0 : i32
    return %arg0, %c0_i32 : i32, i32
  }
  func.func @transform_1(%arg0: i32) -> (i32, i32) {
    %c0_i32 = arith.constant 0 : i32
    %c0_i32_0 = arith.constant 0 : i32
    return %arg0, %c0_i32 : i32, i32
  }
  func.func @transform_2(%arg0: i32) -> (i32, i32) {
    %c0_i32 = arith.constant 0 : i32
    %c0_i32_0 = arith.constant 0 : i32
    return %arg0, %c0_i32 : i32, i32
  }
  func.func @transform_3(%arg0: i32) -> (i32, i32) {
    %c0_i32 = arith.constant 0 : i32
    %c0_i32_0 = arith.constant 0 : i32
    return %arg0, %c0_i32 : i32, i32
  }
  func.func @transform_4(%arg0: i32) -> (i32, i32) {
    %c0_i32 = arith.constant 0 : i32
    %c0_i32_0 = arith.constant 0 : i32
    return %arg0, %c0_i32 : i32, i32
  }
  func.func @transform_5(%arg0: i32) -> (i32, i32) {
    %c0_i32 = arith.constant 0 : i32
    %c0_i32_0 = arith.constant 0 : i32
    %c0_i32_1 = arith.constant 0 : i32
    return %c0_i32, %c0_i32_0 : i32, i32
  }
  func.func @transform_6(%arg0: i32) -> (i32, i32) {
    %c0_i32 = arith.constant 0 : i32
    %c0_i32_0 = arith.constant 0 : i32
    %c0_i32_1 = arith.constant 0 : i32
    return %c0_i32, %c0_i32_0 : i32, i32
  }
  func.func @transform_7(%arg0: i32) -> (i32, i32) {
    %c0_i32 = arith.constant 0 : i32
    %c0_i32_0 = arith.constant 0 : i32
    return %arg0, %c0_i32 : i32, i32
  }
}

</mosaic_0001>

<sc_bundles>
// kernel: kernel.12.cloned.1.call-start
scs
__scs_entry_jumppad:
0x0: {  	(pc) =	sbr.rel $0x88, $3  }
0x1: {  	(tag) =	ssettag $0x0;
	lr =	simm.s32 $0x1  }
0x2: {  	[smem:$0x3F93] =	sst lr;
	_ =	strace $0xD0000000  }
0x3: {  	_ = 	snop  }
0x4: {  	_ = 	snop  }
0x5: {  	_ = 	snop  }
0x6: {  	_ = 	snop  }
0x7: {  	_ = 	snop  }
__scs_overlays_trampoline_lowered:
0x8: {  	[smem:$0x3FA2] =	sst s0  }
0x9: {  	[smem:$0x3FA3] =	sst s1  }
0xa: {  	[smem:$0x3FA4] =	sst s2  }
0xb: {  	[smem:$0x3FA5] =	sst s3  }
0xc: {  	[smem:$0x3FA6] =	sst s4  }
0xd: {  	[smem:$0x3FA7] =	sst s5  }
0xe: {  	[smem:$0x3FA8] =	sst s6  }
0xf: {  	[smem:$0x3FA9] =	sst s7  }
0x10: {  	[smem:$0x3FAA] =	sst s8  }
0x11: {  	[smem:$0x3FAB] =	sst s9;
	s0 =	simm.s32 @!p0 $0x0  }
0x12: {  	s1 =	sld [smem:$0x3F91];
	s0 =	simm.s32 @p0 $0x1  }
0x13: {  	[smem:$0x3FAC] =	sst s0;
	s0 =	simm.s32 @!p1 $0x0  }
0x14: {  	s2 =	sld [smem:$0x3F90];
	s0 =	simm.s32 @p1 $0x1  }
0x15: {  	[smem:$0x3FAD] =	sst s0;
	s0 =	simm.s32 @!p2 $0x0  }
0x16: {  	s3 =	sld [smem:$0x3FDB];
	s0 =	simm.s32 @p2 $0x1  }
0x17: {  	s4 =	simm.s32 $0x1BF5;
	[smem:$0x3FAF] =	sst s0  }
0x18: {  	s0 =	sld [smem:$0x3F92];
	_ =	swait.ge [sflag:s4], $0x0  }
0x19: {  	s7 =	sld [smem:$0x3F93]  }
0x1a: {  	s8 =	sadd.s32 $0xFFFFE003, lr  }
0x1b: {  	s9 =	sadd.s32 $0xFFFFFEF7, lr;
	s5 =	simm.s32 $0xFFFFFFFF;
	p2 =	slt.u32 s8, $0xFFFFF086  }
0x1c: {  	p1 =	slt.u32 s9, $0xF7A;
	s5 =	simm.s32 @!p2 $0x0  }
0x1d: {  	s5 =	simm.s32 @p1 $0x1;
	p0 =	seq.s32 s7, s2  }
0x1e: {  	s7 =	smul.u32 @!p0 $0xF7A, s2;
	p2 =	seq.s32 @!p0 s5, $0x0  }
0x1f: {  	s9 =	smul.u32 $0xF7A, s1;
	s8 =	simm.s32 @!p0 $0x1BF5;
	p2 =	por !p2, p0  }
0x20: {  	[sflag:s8] =	ssyncset.s32 @!p0 $0xFFFFF086;
	s6 =	sadd.s32 @!p0 s3, s7;
	s7 =	simm.s32 @!p0 $0x108  }
0x21: {  	s3 =	sadd.s32 s3, s9;
	s6 =	sadd.s32 @!p0 $0x88, s6;
	s7 =	simm.s32 @p2 $0x1082  }
0x22: {  	[simem:s7], [sflag:s8] =	dma.local @!p0 [hbm:s6], $0xF7A  }
0x23: {  	s9 =	sor.u32 $0xD0000000, s2;
	s6 =	simm.s32 $0x108;
	_ =	swait.ge @!p0 [sflag:s8], $0x0  }
0x24: {  	s3 =	sadd.s32 $0x88, s3;
	s6 =	simm.s32 @!p1 $0x1082;
	[sflag:s4] =	ssyncset.s32 $0xFFFFF086  }
0x25: {  	[simem:s6], [sflag:s4] =	dma.local [hbm:s3], $0xF7A  }
0x26: {  	[smem:$0x3F93] =	sst s1;
	(tag) =	ssettag s2;
	_ =	strace s9  }
0x27: {  	s1 =	sld [smem:$0x3FA3]  }
0x28: {  	s2 =	sld [smem:$0x3FA4]  }
0x29: {  	s4 =	sld [smem:$0x3FA6]  }
0x2a: {  	p0 =	seq.s32 s5, $0x0;
	s5 =	sld [smem:$0x3FA7]  }
0x2b: {  	s6 =	sld [smem:$0x3FA8]  }
0x2c: {  	s7 =	sld [smem:$0x3FA9]  }
0x2d: {  	s3 =	simm.s32 $0x108;
	s8 =	sld [smem:$0x3FAA]  }
0x2e: {  	s3 =	simm.s32 @!p0 $0x1082;
	s9 =	sld [smem:$0x3FAB]  }
0x2f: {  	lr =	sadd.s32 s0, s3;
	s0 =	sld [smem:$0x3FA2]  }
0x30: {  	s3 =	sld [smem:$0x3FA5]  }
0x31: {  	[smem:$0x3FAE] =	sst s10  }
0x32: {  	s10 =	sld [smem:$0x3FAC];
	_ =	sdelay $0x3  }
0x33: {  	p0 =	seq.s32 s10, $0x1;
	s10 =	sld [smem:$0x3FAE];
	_ =	sdelay $0x3  }
0x34: {  	[smem:$0x3FAE] =	sst s10  }
0x35: {  	s10 =	sld [smem:$0x3FAD];
	_ =	sdelay $0x3  }
0x36: {  	p1 =	seq.s32 s10, $0x1;
	s10 =	sld [smem:$0x3FAE];
	_ =	sdelay $0x3  }
0x37: {  	[smem:$0x3FAE] =	sst s10  }
0x38: {  	s10 =	sld [smem:$0x3FAF]  }
0x39: {  	_ = 	snop;
	(pc) =	sbr.ind lr, $3  }
0x3a: {  	_ = 	snop  }
0x3b: {  	_ = 	snop  }
0x3c: {  	p2 =	seq.s32 s10, $0x1;
	s10 =	sld [smem:$0x3FAE]  }
0x3d: {  	_ =	shalt  }
0x3e: {  	_ =	shalt  }
0x3f: {  	_ =	shalt  }
0x40: {  	_ =	shalt  }
0x41: {  	_ =	shalt  }
0x42: {  	_ =	shalt  }
0x43: {  	_ =	shalt  }
0x44: {  	_ =	shalt  }
0x45: {  	_ =	shalt  }
0x46: {  	_ =	shalt  }
0x47: {  	_ =	shalt  }
0x48: {  	_ =	shalt  }
0x49: {  	_ =	shalt  }
0x4a: {  	_ =	shalt  }
0x4b: {  	_ =	shalt  }
0x4c: {  	_ =	shalt  }
0x4d: {  	_ =	shalt  }
0x4e: {  	_ =	shalt  }
0x4f: {  	_ =	shalt  }
0x50: {  	_ =	shalt  }
0x51: {  	_ =	shalt  }
0x52: {  	_ =	shalt  }
0x53: {  	_ =	shalt  }
0x54: {  	_ =	shalt  }
0x55: {  	_ =	shalt  }
0x56: {  	_ =	shalt  }
0x57: {  	_ =	shalt  }
0x58: {  	_ =	shalt  }
0x59: {  	_ =	shalt  }
0x5a: {  	_ =	shalt  }
0x5b: {  	_ =	shalt  }
0x5c: {  	_ =	shalt  }
0x5d: {  	_ =	shalt  }
0x5e: {  	_ =	shalt  }
0x5f: {  	_ =	shalt  }
0x60: {  	_ =	shalt  }
0x61: {  	_ =	shalt  }
0x62: {  	_ =	shalt  }
0x63: {  	_ =	shalt  }
0x64: {  	_ =	shalt  }
0x65: {  	_ =	shalt  }
0x66: {  	_ =	shalt  }
0x67: {  	_ =	shalt  }
0x68: {  	_ =	shalt  }
0x69: {  	_ =	shalt  }
0x6a: {  	_ =	shalt  }
0x6b: {  	_ =	shalt  }
0x6c: {  	_ =	shalt  }
0x6d: {  	_ =	shalt  }
0x6e: {  	_ =	shalt  }
0x6f: {  	_ =	shalt  }
0x70: {  	_ =	shalt  }
0x71: {  	_ =	shalt  }
0x72: {  	_ =	shalt  }
0x73: {  	_ =	shalt  }
0x74: {  	_ =	shalt  }
0x75: {  	_ =	shalt  }
0x76: {  	_ =	shalt  }
0x77: {  	_ =	shalt  }
0x78: {  	_ =	shalt  }
0x79: {  	_ =	shalt  }
0x7a: {  	_ =	shalt  }
0x7b: {  	_ =	shalt  }
0x7c: {  	_ =	shalt  }
0x7d: {  	_ =	shalt  }
0x7e: {  	_ =	shalt  }
0x7f: {  	_ =	shalt  }
0x80: {  	_ =	shalt  }
0x81: {  	_ =	shalt  }
0x82: {  	_ =	shalt  }
0x83: {  	_ =	shalt  }
0x84: {  	_ =	shalt  }
0x85: {  	_ =	shalt  }
0x86: {  	_ =	shalt  }
0x87: {  	_ =	shalt  }
.Lfunc_end0:
.L_simem_size_0:
called_computation.1_lowered:
.L_overlay_start_0:
0x88: {  	s2 =	sld [smem:$0x3FD9]  }
0x89: {  	s3 =	sld [smem:$0x3FFE];
	_ =	sdelay $0x1  }
0x8a: {  	s1 =	srdreg.scid  }
0x8b: {  	s0 =	sand.u32 $0x1, s1  }
0x8c: {  	s16 =	sshll.u32 s0, $0xA;
	s2 =	sadd.s32 s3, s2  }
0x8d: {  	s2 =	sadd.s32 s2, s16  }
0x8e: {  	[smem:$0x3FBA] =	sst s2  }
0x8f: {  	_ = 	snop  }
0x90: {  	(tm) =	ssettm $0x1  }
0x91: {  	s17 =	sld [smem:$0x3FFB];
	_ =	sdelay $0x3  }
0x92: {  	_ =	strace s17  }
0x93: {  	s2 =	sld [smem:$0x3FFC];
	_ =	sdelay $0x3  }
0x94: {  	_ =	strace s2  }
0x95: {  	s2 =	sld [smem:$0x3FFD];
	_ =	sdelay $0x3  }
0x96: {  	_ =	strace s2  }
0x97: {  	_ =	strace $0x8FFFFFFF  }
0x98: {  	s18 =	sld [smem:$0x3FDB];
	_ =	sdelay $0x1  }
0x99: {  	s19 =	simm.s32 $_scs_section_size  }
0x9a: {  	s4 =	simm.s32 $_size__tile_overlayer_lowered;
	s5 =	simm.s32 $_tile_overlayer_lowered  }
0x9b: {  	s22 =	simm.s32 $0x1BFF;
	s21 =	sshll.u32 s5, $0x1;
	s2 =	sadd.s32 s19, s18  }
0x9c: {  	s6 =	simm.s32 $0x0;
	s20 =	sshll.u32 s4, $0x1;
	s4 =	sadd.s32 s21, s2  }
0x9d: {  	[timem:s6], [sflag:s22] =	dma.local [hbm:s4], s20  }
0x9e: {  	_ =	swait.ge [sflag:s22], s20  }
0x9f: {  	s3 =	ssub.s32 $0x0, s20;
	[sflag:s22] =	ssyncset.done $0x0  }
0xa0: {  	[sflag:s22] =	ssyncadd.s32 s3;
	_ =	sdelay $0x1  }
0xa1: {  	s23 =	simm.s32 $0x1B8B  }
0xa2: {  	_ =	swait.ge [sflag:s23], $0x1  }
0xa3: {  	[sflag:s23] =	ssyncset.done $0x0  }
0xa4: {  	s25 =	simm.s32 $0x1B8E;
	s24 =	sld [smem:$0x3FFE];
	[sflag:s23] =	ssyncadd.s32 $0xFFFFFFFF  }
0xa5: {  	s26 =	simm.s32 $execute0_lowered;
	[smem:$0x3FD2] =	sst s25  }
0xa6: {  	s4 =	sshll.u32 s26, $0x1;
	_ =	strace $0x80000049;
	[dreg:$0x1] =	wrdreg $0xFFFFFFFF  }
0xa7: {  	s28 =	simm.s32 $_size_execute0_lowered;
	s2 =	sadd.s32 s2, s4;
	[dreg:$0x0] =	wrdreg $0x0  }
0xa8: {  	s4 =	sshll.u32 s28, $0x1;
	[dreg:$0x2] =	wrdreg s2  }
0xa9: {  	[dreg:$0x3] =	wrdreg s4  }
0xaa: {  	[dreg:$0x4] =	wrdreg $0xC0  }
0xab: {  	_ =	task [dreg:s6], $0x5FFFF  }
0xac: {  	[dreg:$0x1] =	wrdreg $0xFFFFFFFF  }
0xad: {  	[dreg:$0x0] =	wrdreg $0x60  }
0xae: {  	[dreg:$0x2] =	wrdreg s24  }
0xaf: {  	[dreg:$0x3] =	wrdreg $0x9  }
0xb0: {  	_ =	task.clear_ibuf [dreg:s6], $0x4FFFF;
	_ =	strace $0x90000049  }
0xb1: {  	s29 =	simm.s32 $0x9;
	_ =	strace $0x8000004B  }
0xb2: {  	_ =	swait.ge [sflag:s29], $0x1  }
0xb3: {  	[sflag:s29] =	ssyncadd.s32 $0xFFFFFFFF  }
0xb4: {  	_ =	strace $0x9000004B  }
0xb5: {  	_ =	sfence  }
0xb6: {  	s30 =	sld [smem:$0x0];
	_ =	sdelay $0x2  }
0xb7: {  	s31 =	sshll.u32 s1, $0xD;
	s1 =	sshrl.u32 s1, $0x2  }
0xb8: {  	s3 =	sand.u32 $0x4000, s31;
	s1 =	sadd.s32 s1, s30  }
0xb9: {  	s0 =	sor.u32 s3, s0;
	s1 =	sshll.u32 s1, $0x11  }
0xba: {  	s0 =	sor.u32 s1, s0  }
0xbb: {  	s0 =	sadd.s32 $0x8F2B, s0  }
0xbc: {  	[sflag:s0] =	ssyncadd.remote.s32 $0x1  }
0xbd: {  	_ =	sfence.sel $0xFFFF  }
0xbe: {  	[dreg:$0x0] =	wrdreg $0xFFFFFFFF;
	(pc) =	sbr.abs _section_cstart, $3  }
0xbf: {  	[dreg:$0x1] =	wrdreg $0xFFFFFFFF  }
0xc0: {  	_ =	task.clear_ibuf [dreg:s6], $0x2FFFF;
	_ =	strace $0x9FFFFFFF  }
0xc1: {  	(tm) =	ssettm $0x7FFFFFFF  }
tec
execute0_lowered:
.L_overlay_start_1:
0x0: {  	(tag) =	ssettag $0x1  }
0x1: {  	s0 =	rddreg [dreg:$0x0];
	s1 =	srdreg.scid  }
0x2: {  	s9 =	stileid.u32;
	s2 =	simm.s32 $0x0;
	s31 =	simm.s32 $0x200  }
0x3: {  	s19 =	simm.s32 $0x2;
	s1 =	sand.u32 $0x1, s1;
	s3 =	sshll.u32 s9, $0x7  }
0x4: {  	[smem:$0x7FF] =	sst s2;
	s5 =	sadd.s32 $0x84000, s0;
	s7 =	sadd.s32 $0x104000, s0  }
0x5: {  	s9 =	sshll.u32 s9, $0xF;
	s4 =	sshll.u32 s1, $0x6;
	_ =	strace $0x8000004A  }
0x6: {  	s6 =	ssub.s32 $0x2, s1;
	s1 =	sshll.u32 s1, $0xE;
	s4 =	sor.u32 s4, s3  }
0x7: {  	[dreg:$0xc] =	wrdreg s31;
	s1 =	sor.u32 s1, s9;
	s4 =	sadd.s32 s4, s0  }
0x8: {  	s22 =	sadd.s32 s5, s1;
	s23 =	sor.u32 $0x1000, s1;
	s9 =	sor.u32 $0x2000, s1  }
0x9: {  	s10 =	sor.u32 $0x3000, s1;
	s1 =	sadd.s32 s7, s1;
	[dreg:$0x4] =	wrdreg s22  }
0xa: {  	s3 =	sadd.s32 $0x3A4000, s0;
	s8 =	sadd.s32 $0x83000, s4;
	[dreg:$0x8] =	wrdreg s1  }
0xb: {  	s11 =	sshrl.u32 s6, $0x1;
	s4 =	sadd.s32 $0x83800, s4;
	[dreg:$0x2] =	wrdreg s8  }
0xc: {  	s11 =	ssub.s32 s6, s11;
	s24 =	sadd.s32 s5, s23;
	[dreg:$0x3] =	wrdreg s4  }
0xd: {  	s6 =	sadd.s32 $0x3A4300, s0;
	s25 =	sadd.s32 s5, s9;
	[dreg:$0x5] =	wrdreg s24  }
0xe: {  	s26 =	sadd.s32 s5, s10;
	s28 =	sadd.s32 s7, s23;
	[dreg:$0x6] =	wrdreg s25  }
0xf: {  	s5 =	sadd.s32 $0x3A4200, s0;
	s29 =	sadd.s32 s7, s9;
	[dreg:$0x7] =	wrdreg s26  }
0x10: {  	v2 =	vlaneseq.u32;
	s30 =	sadd.s32 s7, s10;
	s7 =	smax.u32 s11, $0x1;
	[dreg:$0x9] =	wrdreg s28  }
0x11: {  	vm0 =	vmmov $0xffff;
	v1 =	vshrl.u32 v2, $0x3;
	s23 =	simm.s32 $0x400;
	s4 =	sadd.s32 $0x3A4100, s0;
	[dreg:$0xa] =	wrdreg s29  }
0x12: {  	v0 =	vand.u32 $0x7, v2;
	v2 =	vor.u32 $0x8, v2;
	v1 =	vmul.u32 $0x8, v1;
	[dreg:$0xb] =	wrdreg s30;
	s25 =	simm.s32 $0x1;
	s26 =	simm.s32 $0x8400  }
.LBB2_1:
0x13: {  	s20 =	rddreg [dreg:$0x2];
	s0 =	simm.s32 $0x3  }
0x14: {  	[tilespmem:s2], [sflag:$0x3] =	stream.linear.gather [hbm4b:s20+s2], $0x200, $0x38;
	[tilespmem:$0x10400] =	vst v63  }
0x15: {  	_ =	swait.ge [sflag:s0], $0x200  }
0x16: {  	s31 =	rddreg [dreg:$0x3];
	[sflag:s0] =	ssyncset.done $0x0  }
0x17: {  	s21 =	rddreg [dreg:$0xc];
	[sflag:s0] =	ssyncadd.s32 $0xFFFFFE00  }
0x18: {  	[tilespmem:s21], [sflag:$0x3] =	stream.linear.gather [hbm4b:s31+s2], $0x200, $0x38;
	[tilespmem:$0x10400] =	vst v63  }
0x19: {  	_ =	swait.ge [sflag:s0], $0x200  }
0x1a: {  	[sflag:s0] =	ssyncset.done $0x0  }
0x1b: {  	[sflag:s0] =	ssyncadd.s32 $0xFFFFFE00  }
0x1c: {  	v3 =	vld [tilespmem:$0x0];
	_ =	sdelay $0x4  }
0x1d: {  	v4 =	vshll.u32 v3, $0x3  }
0x1e: {  	v3 =	vand.u32 $0x7, v3;
	v4 =	vand.u32 $0xFFFFFFC0, v4  }
0x1f: {  	v3 =	vor.u32 v3, v4  }
0x20: {  	v4 =	vperm.xlane v3, v0;
	_ =	sdelay $0x1  }
0x21: {  	v4 =	vadd.s32 v1, v4;
	_ =	sdelay $0x4  }
0x22: {  	[tilespmem:s23], [sflag:$0x1] =	stream.indirect_vreg.gather [hbm4b:s3+s2], $0x80, v4, vm0, $0xb8;
	[tilespmem:$0x10400] =	vst v63  }
0x23: {  	s1 =	simm.s32 $0xC00;
	v3 =	vperm.xlane v3, v2  }
0x24: {  	[tilespmem:s1], [sflag:$0x1] =	stream.indirect_vreg.gather [hbm4b:s4+s2], $0x80, v4, vm0, $0xb8;
	[tilespmem:$0x10400] =	vst v63  }
0x25: {  	s8 =	simm.s32 $0x1400;
	v3 =	vadd.s32 v1, v3  }
0x26: {  	[tilespmem:s8], [sflag:$0x1] =	stream.indirect_vreg.gather [hbm4b:s5+s2], $0x80, v4, vm0, $0xb8;
	[tilespmem:$0x10400] =	vst v63  }
0x27: {  	s9 =	simm.s32 $0x1C00  }
0x28: {  	[tilespmem:s9], [sflag:$0x1] =	stream.indirect_vreg.gather [hbm4b:s6+s2], $0x80, v4, vm0, $0xb8;
	[tilespmem:$0x10400] =	vst v63  }
0x29: {  	s10 =	simm.s32 $0x2400  }
0x2a: {  	[tilespmem:s10], [sflag:$0x1] =	stream.indirect_vreg.gather [hbm4b:s3+s2], $0x80, v3, vm0, $0xb8;
	[tilespmem:$0x10400] =	vst v63  }
0x2b: {  	s11 =	simm.s32 $0x2C00  }
0x2c: {  	[tilespmem:s11], [sflag:$0x1] =	stream.indirect_vreg.gather [hbm4b:s4+s2], $0x80, v3, vm0, $0xb8;
	[tilespmem:$0x10400] =	vst v63  }
0x2d: {  	s12 =	simm.s32 $0x3400  }
0x2e: {  	[tilespmem:s12], [sflag:$0x1] =	stream.indirect_vreg.gather [hbm4b:s5+s2], $0x80, v3, vm0, $0xb8;
	[tilespmem:$0x10400] =	vst v63  }
0x2f: {  	s14 =	simm.s32 $0x3C00  }
0x30: {  	[tilespmem:s14], [sflag:$0x1] =	stream.indirect_vreg.gather [hbm4b:s6+s2], $0x80, v3, vm0, $0xb8;
	[tilespmem:$0x10400] =	vst v63  }
0x31: {  	v3 =	vld [tilespmem:$0x10];
	_ =	sdelay $0x4  }
0x32: {  	v49 =	vshll.u32 v3, $0x3  }
0x33: {  	v3 =	vand.u32 $0x7, v3;
	v4 =	vand.u32 $0xFFFFFFC0, v49  }
0x34: {  	v3 =	vor.u32 v3, v4  }
0x35: {  	v4 =	vperm.xlane v3, v0;
	_ =	sdelay $0x1  }
0x36: {  	v4 =	vadd.s32 v1, v4;
	_ =	sdelay $0x3  }
0x37: {  	s15 =	simm.s32 $0x4400  }
0x38: {  	[tilespmem:s15], [sflag:$0x1] =	stream.indirect_vreg.gather [hbm4b:s3+s2], $0x80, v4, vm0, $0xb8;
	[tilespmem:$0x10400] =	vst v63  }
0x39: {  	s16 =	simm.s32 $0x4C00;
	v3 =	vperm.xlane v3, v2  }
0x3a: {  	[tilespmem:s16], [sflag:$0x1] =	stream.indirect_vreg.gather [hbm4b:s4+s2], $0x80, v4, vm0, $0xb8;
	[tilespmem:$0x10400] =	vst v63  }
0x3b: {  	s17 =	simm.s32 $0x5400;
	v3 =	vadd.s32 v1, v3  }
0x3c: {  	[tilespmem:s17], [sflag:$0x1] =	stream.indirect_vreg.gather [hbm4b:s5+s2], $0x80, v4, vm0, $0xb8;
	[tilespmem:$0x10400] =	vst v63  }
0x3d: {  	s18 =	simm.s32 $0x5C00  }
0x3e: {  	[tilespmem:s18], [sflag:$0x1] =	stream.indirect_vreg.gather [hbm4b:s6+s2], $0x80, v4, vm0, $0xb8;
	[tilespmem:$0x10400] =	vst v63  }
0x3f: {  	s20 =	simm.s32 $0x6400  }
0x40: {  	[tilespmem:s20], [sflag:$0x1] =	stream.indirect_vreg.gather [hbm4b:s3+s2], $0x80, v3, vm0, $0xb8;
	[tilespmem:$0x10400] =	vst v63  }
0x41: {  	s21 =	simm.s32 $0x6C00  }
0x42: {  	[tilespmem:s21], [sflag:$0x1] =	stream.indirect_vreg.gather [hbm4b:s4+s2], $0x80, v3, vm0, $0xb8;
	[tilespmem:$0x10400] =	vst v63  }
0x43: {  	s22 =	simm.s32 $0x7400  }
0x44: {  	[tilespmem:s22], [sflag:$0x1] =	stream.indirect_vreg.gather [hbm4b:s5+s2], $0x80, v3, vm0, $0xb8;
	[tilespmem:$0x10400] =	vst v63  }
0x45: {  	s24 =	simm.s32 $0x7C00  }
0x46: {  	[tilespmem:s24], [sflag:$0x1] =	stream.indirect_vreg.gather [hbm4b:s6+s2], $0x80, v3, vm0, $0xb8;
	[tilespmem:$0x10400] =	vst v63  }
0x47: {  	_ =	swait.ge [sflag:s25], $0x8000  }
0x48: {  	[sflag:s25] =	ssyncset.done $0x0  }
0x49: {  	s28 =	rddreg [dreg:$0x4];
	[sflag:s25] =	ssyncadd.s32 $0xFFFF8000  }
0x4a: {  	[hbm4b:s28+s2] =	stream.linear.scatter [tilespmem:s23], [sflag:$0x2], $0x8000, $0x38;
	[tilespmem:$0x10400] =	vst v63  }
0x4b: {  	v3 =	vld [tilespmem:$0x80];
	_ =	sdelay $0x4  }
0x4c: {  	v50 =	vshll.u32 v3, $0x3  }
0x4d: {  	v3 =	vand.u32 $0x7, v3;
	v4 =	vand.u32 $0xFFFFFFC0, v50  }
0x4e: {  	v3 =	vor.u32 v3, v4  }
0x4f: {  	v4 =	vperm.xlane v3, v0;
	_ =	sdelay $0x1  }
0x50: {  	v4 =	vadd.s32 v1, v4;
	_ =	sdelay $0x4  }
0x51: {  	[tilespmem:s26], [sflag:$0x1] =	stream.indirect_vreg.gather [hbm4b:s3+s2], $0x80, v4, vm0, $0xb8;
	[tilespmem:$0x10400] =	vst v63  }
0x52: {  	s29 =	simm.s32 $0x8C00;
	v3 =	vperm.xlane v3, v2  }
0x53: {  	[tilespmem:s29], [sflag:$0x1] =	stream.indirect_vreg.gather [hbm4b:s4+s2], $0x80, v4, vm0, $0xb8;
	[tilespmem:$0x10400] =	vst v63  }
0x54: {  	s30 =	simm.s32 $0x9400;
	v3 =	vadd.s32 v1, v3  }
0x55: {  	[tilespmem:s30], [sflag:$0x1] =	stream.indirect_vreg.gather [hbm4b:s5+s2], $0x80, v4, vm0, $0xb8;
	[tilespmem:$0x10400] =	vst v63  }
0x56: {  	s31 =	simm.s32 $0x9C00  }
0x57: {  	[tilespmem:s31], [sflag:$0x1] =	stream.indirect_vreg.gather [hbm4b:s6+s2], $0x80, v4, vm0, $0xb8;
	[tilespmem:$0x10400] =	vst v63  }
0x58: {  	s16 =	simm.s32 $0xA400  }
0x59: {  	[tilespmem:s16], [sflag:$0x1] =	stream.indirect_vreg.gather [hbm4b:s3+s2], $0x80, v3, vm0, $0xb8;
	[tilespmem:$0x10400] =	vst v63  }
0x5a: {  	s17 =	simm.s32 $0xAC00  }
0x5b: {  	[tilespmem:s17], [sflag:$0x1] =	stream.indirect_vreg.gather [hbm4b:s4+s2], $0x80, v3, vm0, $0xb8;
	[tilespmem:$0x10400] =	vst v63  }
0x5c: {  	s18 =	simm.s32 $0xB400  }
0x5d: {  	[tilespmem:s18], [sflag:$0x1] =	stream.indirect_vreg.gather [hbm4b:s5+s2], $0x80, v3, vm0, $0xb8;
	[tilespmem:$0x10400] =	vst v63  }
0x5e: {  	s21 =	simm.s32 $0xBC00  }
0x5f: {  	[tilespmem:s21], [sflag:$0x1] =	stream.indirect_vreg.gather [hbm4b:s6+s2], $0x80, v3, vm0, $0xb8;
	[tilespmem:$0x10400] =	vst v63  }
0x60: {  	v3 =	vld [tilespmem:$0x90];
	_ =	sdelay $0x4  }
0x61: {  	v51 =	vshll.u32 v3, $0x3  }
0x62: {  	v3 =	vand.u32 $0x7, v3;
	v4 =	vand.u32 $0xFFFFFFC0, v51  }
0x63: {  	v3 =	vor.u32 v3, v4  }
0x64: {  	v4 =	vperm.xlane v3, v0;
	_ =	sdelay $0x1  }
0x65: {  	v4 =	vadd.s32 v1, v4;
	_ =	sdelay $0x3  }
0x66: {  	s24 =	simm.s32 $0xC400  }
0x67: {  	[tilespmem:s24], [sflag:$0x1] =	stream.indirect_vreg.gather [hbm4b:s3+s2], $0x80, v4, vm0, $0xb8;
	[tilespmem:$0x10400] =	vst v63  }
0x68: {  	s29 =	simm.s32 $0xCC00;
	v3 =	vperm.xlane v3, v2  }
0x69: {  	[tilespmem:s29], [sflag:$0x1] =	stream.indirect_vreg.gather [hbm4b:s4+s2], $0x80, v4, vm0, $0xb8;
	[tilespmem:$0x10400] =	vst v63  }
0x6a: {  	s30 =	simm.s32 $0xD400;
	v3 =	vadd.s32 v1, v3  }
0x6b: {  	[tilespmem:s30], [sflag:$0x1] =	stream.indirect_vreg.gather [hbm4b:s5+s2], $0x80, v4, vm0, $0xb8;
	[tilespmem:$0x10400] =	vst v63  }
0x6c: {  	s31 =	simm.s32 $0xDC00  }
0x6d: {  	[tilespmem:s31], [sflag:$0x1] =	stream.indirect_vreg.gather [hbm4b:s6+s2], $0x80, v4, vm0, $0xb8;
	[tilespmem:$0x10400] =	vst v63  }
0x6e: {  	s0 =	simm.s32 $0xE400  }
0x6f: {  	[tilespmem:s0], [sflag:$0x1] =	stream.indirect_vreg.gather [hbm4b:s3+s2], $0x80, v3, vm0, $0xb8;
	[tilespmem:$0x10400] =	vst v63  }
0x70: {  	s17 =	simm.s32 $0xEC00  }
0x71: {  	[tilespmem:s17], [sflag:$0x1] =	stream.indirect_vreg.gather [hbm4b:s4+s2], $0x80, v3, vm0, $0xb8;
	[tilespmem:$0x10400] =	vst v63  }
0x72: {  	s24 =	simm.s32 $0xF400  }
0x73: {  	[tilespmem:s24], [sflag:$0x1] =	stream.indirect_vreg.gather [hbm4b:s5+s2], $0x80, v3, vm0, $0xb8;
	[tilespmem:$0x10400] =	vst v63  }
0x74: {  	s30 =	simm.s32 $0xFC00  }
0x75: {  	[tilespmem:s30], [sflag:$0x1] =	stream.indirect_vreg.gather [hbm4b:s6+s2], $0x80, v3, vm0, $0xb8;
	[tilespmem:$0x10400] =	vst v63  }
0x76: {  	_ =	swait.ge [sflag:s25], $0x8000  }
0x77: {  	[sflag:s25] =	ssyncset.done $0x0  }
0x78: {  	s0 =	rddreg [dreg:$0x5];
	[sflag:s25] =	ssyncadd.s32 $0xFFFF8000  }
0x79: {  	[hbm4b:s0+s2] =	stream.linear.scatter [tilespmem:s26], [sflag:$0x2], $0x8000, $0x38;
	[tilespmem:$0x10400] =	vst v63  }
0x7a: {  	_ =	swait.ge [sflag:s19], $0x8000  }
0x7b: {  	[sflag:s19] =	ssyncset.done $0x0  }
0x7c: {  	[sflag:s19] =	ssyncadd.s32 $0xFFFF8000  }
0x7d: {  	v3 =	vld [tilespmem:$0x100];
	_ =	sdelay $0x4  }
0x7e: {  	v52 =	vshll.u32 v3, $0x3  }
0x7f: {  	v3 =	vand.u32 $0x7, v3;
	v4 =	vand.u32 $0xFFFFFFC0, v52  }
0x80: {  	v3 =	vor.u32 v3, v4  }
0x81: {  	v4 =	vperm.xlane v3, v0;
	_ =	sdelay $0x1  }
0x82: {  	v4 =	vadd.s32 v1, v4;
	_ =	sdelay $0x4  }
0x83: {  	[tilespmem:s23], [sflag:$0x1] =	stream.indirect_vreg.gather [hbm4b:s3+s2], $0x80, v4, vm0, $0xb8;
	[tilespmem:$0x10400] =	vst v63  }
0x84: {  	s13 =	simm.s32 $0xC00;
	v3 =	vperm.xlane v3, v2  }
0x85: {  	[tilespmem:s13], [sflag:$0x1] =	stream.indirect_vreg.gather [hbm4b:s4+s2], $0x80, v4, vm0, $0xb8;
	[tilespmem:$0x10400] =	vst v63  }
0x86: {  	s8 =	simm.s32 $0x1400;
	v3 =	vadd.s32 v1, v3  }
0x87: {  	[tilespmem:s8], [sflag:$0x1] =	stream.indirect_vreg.gather [hbm4b:s5+s2], $0x80, v4, vm0, $0xb8;
	[tilespmem:$0x10400] =	vst v63  }
0x88: {  	s9 =	simm.s32 $0x1C00  }
0x89: {  	[tilespmem:s9], [sflag:$0x1] =	stream.indirect_vreg.gather [hbm4b:s6+s2], $0x80, v4, vm0, $0xb8;
	[tilespmem:$0x10400] =	vst v63  }
0x8a: {  	s10 =	simm.s32 $0x2400  }
0x8b: {  	[tilespmem:s10], [sflag:$0x1] =	stream.indirect_vreg.gather [hbm4b:s3+s2], $0x80, v3, vm0, $0xb8;
	[tilespmem:$0x10400] =	vst v63  }
0x8c: {  	s11 =	simm.s32 $0x2C00  }
0x8d: {  	[tilespmem:s11], [sflag:$0x1] =	stream.indirect_vreg.gather [hbm4b:s4+s2], $0x80, v3, vm0, $0xb8;
	[tilespmem:$0x10400] =	vst v63  }
0x8e: {  	s12 =	simm.s32 $0x3400  }
0x8f: {  	[tilespmem:s12], [sflag:$0x1] =	stream.indirect_vreg.gather [hbm4b:s5+s2], $0x80, v3, vm0, $0xb8;
	[tilespmem:$0x10400] =	vst v63  }
0x90: {  	s14 =	simm.s32 $0x3C00  }
0x91: {  	[tilespmem:s14], [sflag:$0x1] =	stream.indirect_vreg.gather [hbm4b:s6+s2], $0x80, v3, vm0, $0xb8;
	[tilespmem:$0x10400] =	vst v63  }
0x92: {  	v3 =	vld [tilespmem:$0x110];
	_ =	sdelay $0x4  }
0x93: {  	v53 =	vshll.u32 v3, $0x3  }
0x94: {  	v3 =	vand.u32 $0x7, v3;
	v4 =	vand.u32 $0xFFFFFFC0, v53  }
0x95: {  	v3 =	vor.u32 v3, v4  }
0x96: {  	v4 =	vperm.xlane v3, v0;
	_ =	sdelay $0x1  }
0x97: {  	v4 =	vadd.s32 v1, v4;
	_ =	sdelay $0x3  }
0x98: {  	s15 =	simm.s32 $0x4400  }
0x99: {  	[tilespmem:s15], [sflag:$0x1] =	stream.indirect_vreg.gather [hbm4b:s3+s2], $0x80, v4, vm0, $0xb8;
	[tilespmem:$0x10400] =	vst v63  }
0x9a: {  	s14 =	simm.s32 $0x4C00;
	v3 =	vperm.xlane v3, v2  }
0x9b: {  	[tilespmem:s14], [sflag:$0x1] =	stream.indirect_vreg.gather [hbm4b:s4+s2], $0x80, v4, vm0, $0xb8;
	[tilespmem:$0x10400] =	vst v63  }
0x9c: {  	s9 =	simm.s32 $0x5400;
	v3 =	vadd.s32 v1, v3  }
0x9d: {  	[tilespmem:s9], [sflag:$0x1] =	stream.indirect_vreg.gather [hbm4b:s5+s2], $0x80, v4, vm0, $0xb8;
	[tilespmem:$0x10400] =	vst v63  }
0x9e: {  	s10 =	simm.s32 $0x5C00  }
0x9f: {  	[tilespmem:s10], [sflag:$0x1] =	stream.indirect_vreg.gather [hbm4b:s6+s2], $0x80, v4, vm0, $0xb8;
	[tilespmem:$0x10400] =	vst v63  }
0xa0: {  	s11 =	simm.s32 $0x6400  }
0xa1: {  	[tilespmem:s11], [sflag:$0x1] =	stream.indirect_vreg.gather [hbm4b:s3+s2], $0x80, v3, vm0, $0xb8;
	[tilespmem:$0x10400] =	vst v63  }
0xa2: {  	s12 =	simm.s32 $0x6C00  }
0xa3: {  	[tilespmem:s12], [sflag:$0x1] =	stream.indirect_vreg.gather [hbm4b:s4+s2], $0x80, v3, vm0, $0xb8;
	[tilespmem:$0x10400] =	vst v63  }
0xa4: {  	s13 =	simm.s32 $0x7400  }
0xa5: {  	[tilespmem:s13], [sflag:$0x1] =	stream.indirect_vreg.gather [hbm4b:s5+s2], $0x80, v3, vm0, $0xb8;
	[tilespmem:$0x10400] =	vst v63  }
0xa6: {  	s15 =	simm.s32 $0x7C00  }
0xa7: {  	[tilespmem:s15], [sflag:$0x1] =	stream.indirect_vreg.gather [hbm4b:s6+s2], $0x80, v3, vm0, $0xb8;
	[tilespmem:$0x10400] =	vst v63  }
0xa8: {  	_ =	swait.ge [sflag:s25], $0x8000  }
0xa9: {  	[sflag:s25] =	ssyncset.done $0x0  }
0xaa: {  	s8 =	rddreg [dreg:$0x6];
	[sflag:s25] =	ssyncadd.s32 $0xFFFF8000  }
0xab: {  	[hbm4b:s8+s2] =	stream.linear.scatter [tilespmem:s23], [sflag:$0x2], $0x8000, $0x38;
	[tilespmem:$0x10400] =	vst v63  }
0xac: {  	_ =	swait.ge [sflag:s19], $0x8000  }
0xad: {  	[sflag:s19] =	ssyncset.done $0x0  }
0xae: {  	[sflag:s19] =	ssyncadd.s32 $0xFFFF8000  }
0xaf: {  	v3 =	vld [tilespmem:$0x180];
	_ =	sdelay $0x4  }
0xb0: {  	v54 =	vshll.u32 v3, $0x3  }
0xb1: {  	v3 =	vand.u32 $0x7, v3;
	v4 =	vand.u32 $0xFFFFFFC0, v54  }
0xb2: {  	v3 =	vor.u32 v3, v4  }
0xb3: {  	v4 =	vperm.xlane v3, v0;
	_ =	sdelay $0x1  }
0xb4: {  	v4 =	vadd.s32 v1, v4;
	_ =	sdelay $0x4  }
0xb5: {  	[tilespmem:s26], [sflag:$0x1] =	stream.indirect_vreg.gather [hbm4b:s3+s2], $0x80, v4, vm0, $0xb8;
	[tilespmem:$0x10400] =	vst v63  }
0xb6: {  	s1 =	simm.s32 $0x8C00;
	v3 =	vperm.xlane v3, v2  }
0xb7: {  	[tilespmem:s1], [sflag:$0x1] =	stream.indirect_vreg.gather [hbm4b:s4+s2], $0x80, v4, vm0, $0xb8;
	[tilespmem:$0x10400] =	vst v63  }
0xb8: {  	s0 =	simm.s32 $0x9400;
	v3 =	vadd.s32 v1, v3  }
0xb9: {  	[tilespmem:s0], [sflag:$0x1] =	stream.indirect_vreg.gather [hbm4b:s5+s2], $0x80, v4, vm0, $0xb8;
	[tilespmem:$0x10400] =	vst v63  }
0xba: {  	s1 =	simm.s32 $0x9C00  }
0xbb: {  	[tilespmem:s1], [sflag:$0x1] =	stream.indirect_vreg.gather [hbm4b:s6+s2], $0x80, v4, vm0, $0xb8;
	[tilespmem:$0x10400] =	vst v63  }
0xbc: {  	s8 =	simm.s32 $0xA400  }
0xbd: {  	[tilespmem:s8], [sflag:$0x1] =	stream.indirect_vreg.gather [hbm4b:s3+s2], $0x80, v3, vm0, $0xb8;
	[tilespmem:$0x10400] =	vst v63  }
0xbe: {  	s22 =	simm.s32 $0xAC00  }
0xbf: {  	[tilespmem:s22], [sflag:$0x1] =	stream.indirect_vreg.gather [hbm4b:s4+s2], $0x80, v3, vm0, $0xb8;
	[tilespmem:$0x10400] =	vst v63  }
0xc0: {  	s28 =	simm.s32 $0xB400  }
0xc1: {  	[tilespmem:s28], [sflag:$0x1] =	stream.indirect_vreg.gather [hbm4b:s5+s2], $0x80, v3, vm0, $0xb8;
	[tilespmem:$0x10400] =	vst v63  }
0xc2: {  	s18 =	simm.s32 $0xBC00  }
0xc3: {  	[tilespmem:s18], [sflag:$0x1] =	stream.indirect_vreg.gather [hbm4b:s6+s2], $0x80, v3, vm0, $0xb8;
	[tilespmem:$0x10400] =	vst v63  }
0xc4: {  	v3 =	vld [tilespmem:$0x190];
	_ =	sdelay $0x4  }
0xc5: {  	v55 =	vshll.u32 v3, $0x3  }
0xc6: {  	v3 =	vand.u32 $0x7, v3;
	v4 =	vand.u32 $0xFFFFFFC0, v55  }
0xc7: {  	v3 =	vor.u32 v3, v4  }
0xc8: {  	v4 =	vperm.xlane v3, v0;
	_ =	sdelay $0x1  }
0xc9: {  	v4 =	vadd.s32 v1, v4;
	_ =	sdelay $0x3  }
0xca: {  	s21 =	simm.s32 $0xC400  }
0xcb: {  	[tilespmem:s21], [sflag:$0x1] =	stream.indirect_vreg.gather [hbm4b:s3+s2], $0x80, v4, vm0, $0xb8;
	[tilespmem:$0x10400] =	vst v63  }
0xcc: {  	s16 =	simm.s32 $0xCC00;
	v3 =	vperm.xlane v3, v2  }
0xcd: {  	[tilespmem:s16], [sflag:$0x1] =	stream.indirect_vreg.gather [hbm4b:s4+s2], $0x80, v4, vm0, $0xb8;
	[tilespmem:$0x10400] =	vst v63  }
0xce: {  	s18 =	simm.s32 $0xD400;
	v3 =	vadd.s32 v1, v3  }
0xcf: {  	[tilespmem:s18], [sflag:$0x1] =	stream.indirect_vreg.gather [hbm4b:s5+s2], $0x80, v4, vm0, $0xb8;
	[tilespmem:$0x10400] =	vst v63  }
0xd0: {  	s29 =	simm.s32 $0xDC00  }
0xd1: {  	[tilespmem:s29], [sflag:$0x1] =	stream.indirect_vreg.gather [hbm4b:s6+s2], $0x80, v4, vm0, $0xb8;
	[tilespmem:$0x10400] =	vst v63  }
0xd2: {  	s20 =	simm.s32 $0xE400  }
0xd3: {  	[tilespmem:s20], [sflag:$0x1] =	stream.indirect_vreg.gather [hbm4b:s3+s2], $0x80, v3, vm0, $0xb8;
	[tilespmem:$0x10400] =	vst v63  }
0xd4: {  	s31 =	simm.s32 $0xEC00  }
0xd5: {  	[tilespmem:s31], [sflag:$0x1] =	stream.indirect_vreg.gather [hbm4b:s4+s2], $0x80, v3, vm0, $0xb8;
	[tilespmem:$0x10400] =	vst v63  }
0xd6: {  	s29 =	simm.s32 $0xF400  }
0xd7: {  	[tilespmem:s29], [sflag:$0x1] =	stream.indirect_vreg.gather [hbm4b:s5+s2], $0x80, v3, vm0, $0xb8;
	[tilespmem:$0x10400] =	vst v63  }
0xd8: {  	s17 =	simm.s32 $0xFC00  }
0xd9: {  	[tilespmem:s17], [sflag:$0x1] =	stream.indirect_vreg.gather [hbm4b:s6+s2], $0x80, v3, vm0, $0xb8;
	[tilespmem:$0x10400] =	vst v63  }
0xda: {  	_ =	swait.ge [sflag:s25], $0x8000  }
0xdb: {  	[sflag:s25] =	ssyncset.done $0x0  }
0xdc: {  	s17 =	rddreg [dreg:$0x7];
	[sflag:s25] =	ssyncadd.s32 $0xFFFF8000  }
0xdd: {  	[hbm4b:s17+s2] =	stream.linear.scatter [tilespmem:s26], [sflag:$0x2], $0x8000, $0x38;
	[tilespmem:$0x10400] =	vst v63  }
0xde: {  	_ =	swait.ge [sflag:s19], $0x8000  }
0xdf: {  	[sflag:s19] =	ssyncset.done $0x0  }
0xe0: {  	[sflag:s19] =	ssyncadd.s32 $0xFFFF8000  }
0xe1: {  	v3 =	vld [tilespmem:$0x200];
	_ =	sdelay $0x4  }
0xe2: {  	v56 =	vshll.u32 v3, $0x3  }
0xe3: {  	v3 =	vand.u32 $0x7, v3;
	v4 =	vand.u32 $0xFFFFFFC0, v56  }
0xe4: {  	v3 =	vor.u32 v3, v4  }
0xe5: {  	v4 =	vperm.xlane v3, v0;
	_ =	sdelay $0x1  }
0xe6: {  	v4 =	vadd.s32 v1, v4;
	_ =	sdelay $0x4  }
0xe7: {  	[tilespmem:s23], [sflag:$0x1] =	stream.indirect_vreg.gather [hbm4b:s3+s2], $0x80, v4, vm0, $0xb8;
	[tilespmem:$0x10400] =	vst v63  }
0xe8: {  	s20 =	simm.s32 $0xC00;
	v3 =	vperm.xlane v3, v2  }
0xe9: {  	[tilespmem:s20], [sflag:$0x1] =	stream.indirect_vreg.gather [hbm4b:s4+s2], $0x80, v4, vm0, $0xb8;
	[tilespmem:$0x10400] =	vst v63  }
0xea: {  	v3 =	vadd.s32 v1, v3;
	s20 =	simm.s32 $0x1400  }
0xeb: {  	[tilespmem:s20], [sflag:$0x1] =	stream.indirect_vreg.gather [hbm4b:s5+s2], $0x80, v4, vm0, $0xb8;
	[tilespmem:$0x10400] =	vst v63  }
0xec: {  	s20 =	simm.s32 $0x1C00  }
0xed: {  	[tilespmem:s20], [sflag:$0x1] =	stream.indirect_vreg.gather [hbm4b:s6+s2], $0x80, v4, vm0, $0xb8;
	[tilespmem:$0x10400] =	vst v63  }
0xee: {  	s20 =	simm.s32 $0x2400  }
0xef: {  	[tilespmem:s20], [sflag:$0x1] =	stream.indirect_vreg.gather [hbm4b:s3+s2], $0x80, v3, vm0, $0xb8;
	[tilespmem:$0x10400] =	vst v63  }
0xf0: {  	s20 =	simm.s32 $0x2C00  }
0xf1: {  	[tilespmem:s20], [sflag:$0x1] =	stream.indirect_vreg.gather [hbm4b:s4+s2], $0x80, v3, vm0, $0xb8;
	[tilespmem:$0x10400] =	vst v63  }
0xf2: {  	s20 =	simm.s32 $0x3400  }
0xf3: {  	[tilespmem:s20], [sflag:$0x1] =	stream.indirect_vreg.gather [hbm4b:s5+s2], $0x80, v3, vm0, $0xb8;
	[tilespmem:$0x10400] =	vst v63  }
0xf4: {  	s20 =	simm.s32 $0x3C00  }
0xf5: {  	[tilespmem:s20], [sflag:$0x1] =	stream.indirect_vreg.gather [hbm4b:s6+s2], $0x80, v3, vm0, $0xb8;
	[tilespmem:$0x10400] =	vst v63  }
0xf6: {  	v3 =	vld [tilespmem:$0x210];
	_ =	sdelay $0x4  }
0xf7: {  	v57 =	vshll.u32 v3, $0x3  }
0xf8: {  	v3 =	vand.u32 $0x7, v3;
	v4 =	vand.u32 $0xFFFFFFC0, v57  }
0xf9: {  	v3 =	vor.u32 v3, v4  }
0xfa: {  	v4 =	vperm.xlane v3, v0;
	_ =	sdelay $0x1  }
0xfb: {  	v4 =	vadd.s32 v1, v4;
	_ =	sdelay $0x3  }
0xfc: {  	s20 =	simm.s32 $0x4400  }
0xfd: {  	[tilespmem:s20], [sflag:$0x1] =	stream.indirect_vreg.gather [hbm4b:s3+s2], $0x80, v4, vm0, $0xb8;
	[tilespmem:$0x10400] =	vst v63  }
0xfe: {  	v3 =	vperm.xlane v3, v2  }
0xff: {  	[tilespmem:s14], [sflag:$0x1] =	stream.indirect_vreg.gather [hbm4b:s4+s2], $0x80, v4, vm0, $0xb8;
	[tilespmem:$0x10400] =	vst v63  }
0x100: {  	v3 =	vadd.s32 v1, v3  }
0x101: {  	[tilespmem:s9], [sflag:$0x1] =	stream.indirect_vreg.gather [hbm4b:s5+s2], $0x80, v4, vm0, $0xb8;
	[tilespmem:$0x10400] =	vst v63  }
0x102: {  	_ = 	snop  }
0x103: {  	[tilespmem:s10], [sflag:$0x1] =	stream.indirect_vreg.gather [hbm4b:s6+s2], $0x80, v4, vm0, $0xb8;
	[tilespmem:$0x10400] =	vst v63  }
0x104: {  	_ = 	snop  }
0x105: {  	[tilespmem:s11], [sflag:$0x1] =	stream.indirect_vreg.gather [hbm4b:s3+s2], $0x80, v3, vm0, $0xb8;
	[tilespmem:$0x10400] =	vst v63  }
0x106: {  	_ = 	snop  }
0x107: {  	[tilespmem:s12], [sflag:$0x1] =	stream.indirect_vreg.gather [hbm4b:s4+s2], $0x80, v3, vm0, $0xb8;
	[tilespmem:$0x10400] =	vst v63  }
0x108: {  	_ = 	snop  }
0x109: {  	[tilespmem:s13], [sflag:$0x1] =	stream.indirect_vreg.gather [hbm4b:s5+s2], $0x80, v3, vm0, $0xb8;
	[tilespmem:$0x10400] =	vst v63  }
0x10a: {  	_ = 	snop  }
0x10b: {  	[tilespmem:s15], [sflag:$0x1] =	stream.indirect_vreg.gather [hbm4b:s6+s2], $0x80, v3, vm0, $0xb8;
	[tilespmem:$0x10400] =	vst v63  }
0x10c: {  	_ =	swait.ge [sflag:s25], $0x8000  }
0x10d: {  	[sflag:s25] =	ssyncset.done $0x0  }
0x10e: {  	s17 =	rddreg [dreg:$0x8];
	[sflag:s25] =	ssyncadd.s32 $0xFFFF8000  }
0x10f: {  	[hbm4b:s17+s2] =	stream.linear.scatter [tilespmem:s23], [sflag:$0x2], $0x8000, $0x38;
	[tilespmem:$0x10400] =	vst v63  }
0x110: {  	_ =	swait.ge [sflag:s19], $0x8000  }
0x111: {  	[sflag:s19] =	ssyncset.done $0x0  }
0x112: {  	[sflag:s19] =	ssyncadd.s32 $0xFFFF8000  }
0x113: {  	v3 =	vld [tilespmem:$0x280];
	_ =	sdelay $0x4  }
0x114: {  	v58 =	vshll.u32 v3, $0x3  }
0x115: {  	v3 =	vand.u32 $0x7, v3;
	v4 =	vand.u32 $0xFFFFFFC0, v58  }
0x116: {  	v3 =	vor.u32 v3, v4  }
0x117: {  	v4 =	vperm.xlane v3, v0;
	_ =	sdelay $0x1  }
0x118: {  	v4 =	vadd.s32 v1, v4;
	_ =	sdelay $0x4  }
0x119: {  	[tilespmem:s26], [sflag:$0x1] =	stream.indirect_vreg.gather [hbm4b:s3+s2], $0x80, v4, vm0, $0xb8;
	[tilespmem:$0x10400] =	vst v63  }
0x11a: {  	s30 =	simm.s32 $0x8C00;
	v3 =	vperm.xlane v3, v2  }
0x11b: {  	[tilespmem:s30], [sflag:$0x1] =	stream.indirect_vreg.gather [hbm4b:s4+s2], $0x80, v4, vm0, $0xb8;
	[tilespmem:$0x10400] =	vst v63  }
0x11c: {  	v3 =	vadd.s32 v1, v3  }
0x11d: {  	[tilespmem:s0], [sflag:$0x1] =	stream.indirect_vreg.gather [hbm4b:s5+s2], $0x80, v4, vm0, $0xb8;
	[tilespmem:$0x10400] =	vst v63  }
0x11e: {  	_ = 	snop  }
0x11f: {  	[tilespmem:s1], [sflag:$0x1] =	stream.indirect_vreg.gather [hbm4b:s6+s2], $0x80, v4, vm0, $0xb8;
	[tilespmem:$0x10400] =	vst v63  }
0x120: {  	_ = 	snop  }
0x121: {  	[tilespmem:s8], [sflag:$0x1] =	stream.indirect_vreg.gather [hbm4b:s3+s2], $0x80, v3, vm0, $0xb8;
	[tilespmem:$0x10400] =	vst v63  }
0x122: {  	s24 =	simm.s32 $0xAC00  }
0x123: {  	[tilespmem:s24], [sflag:$0x1] =	stream.indirect_vreg.gather [hbm4b:s4+s2], $0x80, v3, vm0, $0xb8;
	[tilespmem:$0x10400] =	vst v63  }
0x124: {  	s22 =	simm.s32 $0xB400  }
0x125: {  	[tilespmem:s22], [sflag:$0x1] =	stream.indirect_vreg.gather [hbm4b:s5+s2], $0x80, v3, vm0, $0xb8;
	[tilespmem:$0x10400] =	vst v63  }
0x126: {  	s28 =	simm.s32 $0xBC00  }
0x127: {  	[tilespmem:s28], [sflag:$0x1] =	stream.indirect_vreg.gather [hbm4b:s6+s2], $0x80, v3, vm0, $0xb8;
	[tilespmem:$0x10400] =	vst v63  }
0x128: {  	v3 =	vld [tilespmem:$0x290];
	_ =	sdelay $0x4  }
0x129: {  	v59 =	vshll.u32 v3, $0x3  }
0x12a: {  	v3 =	vand.u32 $0x7, v3;
	v4 =	vand.u32 $0xFFFFFFC0, v59  }
0x12b: {  	v3 =	vor.u32 v3, v4  }
0x12c: {  	v4 =	vperm.xlane v3, v0;
	_ =	sdelay $0x1  }
0x12d: {  	v4 =	vadd.s32 v1, v4;
	_ =	sdelay $0x3  }
0x12e: {  	s22 =	simm.s32 $0xC400  }
0x12f: {  	[tilespmem:s22], [sflag:$0x1] =	stream.indirect_vreg.gather [hbm4b:s3+s2], $0x80, v4, vm0, $0xb8;
	[tilespmem:$0x10400] =	vst v63  }
0x130: {  	s28 =	simm.s32 $0xCC00;
	v3 =	vperm.xlane v3, v2  }
0x131: {  	[tilespmem:s28], [sflag:$0x1] =	stream.indirect_vreg.gather [hbm4b:s4+s2], $0x80, v4, vm0, $0xb8;
	[tilespmem:$0x10400] =	vst v63  }
0x132: {  	s16 =	simm.s32 $0xD400;
	v3 =	vadd.s32 v1, v3  }
0x133: {  	[tilespmem:s16], [sflag:$0x1] =	stream.indirect_vreg.gather [hbm4b:s5+s2], $0x80, v4, vm0, $0xb8;
	[tilespmem:$0x10400] =	vst v63  }
0x134: {  	s21 =	simm.s32 $0xDC00  }
0x135: {  	[tilespmem:s21], [sflag:$0x1] =	stream.indirect_vreg.gather [hbm4b:s6+s2], $0x80, v4, vm0, $0xb8;
	[tilespmem:$0x10400] =	vst v63  }
0x136: {  	s18 =	simm.s32 $0xE400  }
0x137: {  	[tilespmem:s18], [sflag:$0x1] =	stream.indirect_vreg.gather [hbm4b:s3+s2], $0x80, v3, vm0, $0xb8;
	[tilespmem:$0x10400] =	vst v63  }
0x138: {  	s31 =	simm.s32 $0xEC00  }
0x139: {  	[tilespmem:s31], [sflag:$0x1] =	stream.indirect_vreg.gather [hbm4b:s4+s2], $0x80, v3, vm0, $0xb8;
	[tilespmem:$0x10400] =	vst v63  }
0x13a: {  	s29 =	simm.s32 $0xF400  }
0x13b: {  	[tilespmem:s29], [sflag:$0x1] =	stream.indirect_vreg.gather [hbm4b:s5+s2], $0x80, v3, vm0, $0xb8;
	[tilespmem:$0x10400] =	vst v63  }
0x13c: {  	s29 =	simm.s32 $0xFC00  }
0x13d: {  	[tilespmem:s29], [sflag:$0x1] =	stream.indirect_vreg.gather [hbm4b:s6+s2], $0x80, v3, vm0, $0xb8;
	[tilespmem:$0x10400] =	vst v63  }
0x13e: {  	_ =	swait.ge [sflag:s25], $0x8000  }
0x13f: {  	[sflag:s25] =	ssyncset.done $0x0  }
0x140: {  	s31 =	rddreg [dreg:$0x9];
	[sflag:s25] =	ssyncadd.s32 $0xFFFF8000  }
0x141: {  	[hbm4b:s31+s2] =	stream.linear.scatter [tilespmem:s26], [sflag:$0x2], $0x8000, $0x38;
	[tilespmem:$0x10400] =	vst v63  }
0x142: {  	_ =	swait.ge [sflag:s19], $0x8000  }
0x143: {  	[sflag:s19] =	ssyncset.done $0x0  }
0x144: {  	[sflag:s19] =	ssyncadd.s32 $0xFFFF8000  }
0x145: {  	v3 =	vld [tilespmem:$0x300];
	_ =	sdelay $0x4  }
0x146: {  	v60 =	vshll.u32 v3, $0x3  }
0x147: {  	v3 =	vand.u32 $0x7, v3;
	v4 =	vand.u32 $0xFFFFFFC0, v60  }
0x148: {  	v3 =	vor.u32 v3, v4  }
0x149: {  	v4 =	vperm.xlane v3, v0;
	_ =	sdelay $0x1  }
0x14a: {  	v4 =	vadd.s32 v1, v4;
	_ =	sdelay $0x4  }
0x14b: {  	[tilespmem:s23], [sflag:$0x1] =	stream.indirect_vreg.gather [hbm4b:s3+s2], $0x80, v4, vm0, $0xb8;
	[tilespmem:$0x10400] =	vst v63  }
0x14c: {  	s31 =	simm.s32 $0xC00;
	v3 =	vperm.xlane v3, v2  }
0x14d: {  	[tilespmem:s31], [sflag:$0x1] =	stream.indirect_vreg.gather [hbm4b:s4+s2], $0x80, v4, vm0, $0xb8;
	[tilespmem:$0x10400] =	vst v63  }
0x14e: {  	v3 =	vadd.s32 v1, v3;
	s31 =	simm.s32 $0x1400  }
0x14f: {  	[tilespmem:s31], [sflag:$0x1] =	stream.indirect_vreg.gather [hbm4b:s5+s2], $0x80, v4, vm0, $0xb8;
	[tilespmem:$0x10400] =	vst v63  }
0x150: {  	s31 =	simm.s32 $0x1C00  }
0x151: {  	[tilespmem:s31], [sflag:$0x1] =	stream.indirect_vreg.gather [hbm4b:s6+s2], $0x80, v4, vm0, $0xb8;
	[tilespmem:$0x10400] =	vst v63  }
0x152: {  	s31 =	simm.s32 $0x2400  }
0x153: {  	[tilespmem:s31], [sflag:$0x1] =	stream.indirect_vreg.gather [hbm4b:s3+s2], $0x80, v3, vm0, $0xb8;
	[tilespmem:$0x10400] =	vst v63  }
0x154: {  	s31 =	simm.s32 $0x2C00  }
0x155: {  	[tilespmem:s31], [sflag:$0x1] =	stream.indirect_vreg.gather [hbm4b:s4+s2], $0x80, v3, vm0, $0xb8;
	[tilespmem:$0x10400] =	vst v63  }
0x156: {  	s31 =	simm.s32 $0x3400  }
0x157: {  	[tilespmem:s31], [sflag:$0x1] =	stream.indirect_vreg.gather [hbm4b:s5+s2], $0x80, v3, vm0, $0xb8;
	[tilespmem:$0x10400] =	vst v63  }
0x158: {  	s31 =	simm.s32 $0x3C00  }
0x159: {  	[tilespmem:s31], [sflag:$0x1] =	stream.indirect_vreg.gather [hbm4b:s6+s2], $0x80, v3, vm0, $0xb8;
	[tilespmem:$0x10400] =	vst v63  }
0x15a: {  	v3 =	vld [tilespmem:$0x310];
	_ =	sdelay $0x4  }
0x15b: {  	v61 =	vshll.u32 v3, $0x3  }
0x15c: {  	v3 =	vand.u32 $0x7, v3;
	v4 =	vand.u32 $0xFFFFFFC0, v61  }
0x15d: {  	v3 =	vor.u32 v3, v4  }
0x15e: {  	v4 =	vperm.xlane v3, v0;
	_ =	sdelay $0x1  }
0x15f: {  	v4 =	vadd.s32 v1, v4;
	_ =	sdelay $0x3  }
0x160: {  	s31 =	simm.s32 $0x4400  }
0x161: {  	[tilespmem:s31], [sflag:$0x1] =	stream.indirect_vreg.gather [hbm4b:s3+s2], $0x80, v4, vm0, $0xb8;
	[tilespmem:$0x10400] =	vst v63  }
0x162: {  	s14 =	simm.s32 $0x4C00;
	v3 =	vperm.xlane v3, v2  }
0x163: {  	[tilespmem:s14], [sflag:$0x1] =	stream.indirect_vreg.gather [hbm4b:s4+s2], $0x80, v4, vm0, $0xb8;
	[tilespmem:$0x10400] =	vst v63  }
0x164: {  	s9 =	simm.s32 $0x5400;
	v3 =	vadd.s32 v1, v3  }
0x165: {  	[tilespmem:s9], [sflag:$0x1] =	stream.indirect_vreg.gather [hbm4b:s5+s2], $0x80, v4, vm0, $0xb8;
	[tilespmem:$0x10400] =	vst v63  }
0x166: {  	s10 =	simm.s32 $0x5C00  }
0x167: {  	[tilespmem:s10], [sflag:$0x1] =	stream.indirect_vreg.gather [hbm4b:s6+s2], $0x80, v4, vm0, $0xb8;
	[tilespmem:$0x10400] =	vst v63  }
0x168: {  	s11 =	simm.s32 $0x6400  }
0x169: {  	[tilespmem:s11], [sflag:$0x1] =	stream.indirect_vreg.gather [hbm4b:s3+s2], $0x80, v3, vm0, $0xb8;
	[tilespmem:$0x10400] =	vst v63  }
0x16a: {  	s12 =	simm.s32 $0x6C00  }
0x16b: {  	[tilespmem:s12], [sflag:$0x1] =	stream.indirect_vreg.gather [hbm4b:s4+s2], $0x80, v3, vm0, $0xb8;
	[tilespmem:$0x10400] =	vst v63  }
0x16c: {  	s13 =	simm.s32 $0x7400  }
0x16d: {  	[tilespmem:s13], [sflag:$0x1] =	stream.indirect_vreg.gather [hbm4b:s5+s2], $0x80, v3, vm0, $0xb8;
	[tilespmem:$0x10400] =	vst v63  }
0x16e: {  	s15 =	simm.s32 $0x7C00  }
0x16f: {  	[tilespmem:s15], [sflag:$0x1] =	stream.indirect_vreg.gather [hbm4b:s6+s2], $0x80, v3, vm0, $0xb8;
	[tilespmem:$0x10400] =	vst v63  }
0x170: {  	_ =	swait.ge [sflag:s25], $0x8000  }
0x171: {  	[sflag:s25] =	ssyncset.done $0x0  }
0x172: {  	s15 =	rddreg [dreg:$0xa];
	[sflag:s25] =	ssyncadd.s32 $0xFFFF8000  }
0x173: {  	[hbm4b:s15+s2] =	stream.linear.scatter [tilespmem:s23], [sflag:$0x2], $0x8000, $0x38;
	[tilespmem:$0x10400] =	vst v63  }
0x174: {  	_ =	swait.ge [sflag:s19], $0x8000  }
0x175: {  	[sflag:s19] =	ssyncset.done $0x0  }
0x176: {  	[sflag:s19] =	ssyncadd.s32 $0xFFFF8000  }
0x177: {  	v3 =	vld [tilespmem:$0x380];
	_ =	sdelay $0x4  }
0x178: {  	v62 =	vshll.u32 v3, $0x3  }
0x179: {  	v3 =	vand.u32 $0x7, v3;
	v4 =	vand.u32 $0xFFFFFFC0, v62  }
0x17a: {  	v3 =	vor.u32 v3, v4  }
0x17b: {  	v4 =	vperm.xlane v3, v0;
	_ =	sdelay $0x1  }
0x17c: {  	v4 =	vadd.s32 v1, v4;
	_ =	sdelay $0x4  }
0x17d: {  	[tilespmem:s26], [sflag:$0x1] =	stream.indirect_vreg.gather [hbm4b:s3+s2], $0x80, v4, vm0, $0xb8;
	[tilespmem:$0x10400] =	vst v63  }
0x17e: {  	s20 =	simm.s32 $0x8C00;
	v3 =	vperm.xlane v3, v2  }
0x17f: {  	[tilespmem:s20], [sflag:$0x1] =	stream.indirect_vreg.gather [hbm4b:s4+s2], $0x80, v4, vm0, $0xb8;
	[tilespmem:$0x10400] =	vst v63  }
0x180: {  	s0 =	simm.s32 $0x9400;
	v3 =	vadd.s32 v1, v3  }
0x181: {  	[tilespmem:s0], [sflag:$0x1] =	stream.indirect_vreg.gather [hbm4b:s5+s2], $0x80, v4, vm0, $0xb8;
	[tilespmem:$0x10400] =	vst v63  }
0x182: {  	s1 =	simm.s32 $0x9C00  }
0x183: {  	[tilespmem:s1], [sflag:$0x1] =	stream.indirect_vreg.gather [hbm4b:s6+s2], $0x80, v4, vm0, $0xb8;
	[tilespmem:$0x10400] =	vst v63  }
0x184: {  	s8 =	simm.s32 $0xA400  }
0x185: {  	[tilespmem:s8], [sflag:$0x1] =	stream.indirect_vreg.gather [hbm4b:s3+s2], $0x80, v3, vm0, $0xb8;
	[tilespmem:$0x10400] =	vst v63  }
0x186: {  	s30 =	simm.s32 $0xAC00  }
0x187: {  	[tilespmem:s30], [sflag:$0x1] =	stream.indirect_vreg.gather [hbm4b:s4+s2], $0x80, v3, vm0, $0xb8;
	[tilespmem:$0x10400] =	vst v63  }
0x188: {  	s17 =	simm.s32 $0xB400  }
0x189: {  	[tilespmem:s17], [sflag:$0x1] =	stream.indirect_vreg.gather [hbm4b:s5+s2], $0x80, v3, vm0, $0xb8;
	[tilespmem:$0x10400] =	vst v63  }
0x18a: {  	s24 =	simm.s32 $0xBC00  }
0x18b: {  	[tilespmem:s24], [sflag:$0x1] =	stream.indirect_vreg.gather [hbm4b:s6+s2], $0x80, v3, vm0, $0xb8;
	[tilespmem:$0x10400] =	vst v63  }
0x18c: {  	v3 =	vld [tilespmem:$0x390];
	_ =	sdelay $0x4  }
0x18d: {  	v63 =	vshll.u32 v3, $0x3  }
0x18e: {  	v3 =	vand.u32 $0x7, v3;
	v4 =	vand.u32 $0xFFFFFFC0, v63  }
0x18f: {  	v3 =	vor.u32 v3, v4  }
0x190: {  	v4 =	vperm.xlane v3, v0;
	_ =	sdelay $0x1  }
0x191: {  	v4 =	vadd.s32 v1, v4;
	_ =	sdelay $0x3  }
0x192: {  	s24 =	simm.s32 $0xC400  }
0x193: {  	[tilespmem:s24], [sflag:$0x1] =	stream.indirect_vreg.gather [hbm4b:s3+s2], $0x80, v4, vm0, $0xb8;
	[tilespmem:$0x10400] =	vst v63  }
0x194: {  	s30 =	simm.s32 $0xCC00;
	v3 =	vperm.xlane v3, v2  }
0x195: {  	[tilespmem:s30], [sflag:$0x1] =	stream.indirect_vreg.gather [hbm4b:s4+s2], $0x80, v4, vm0, $0xb8;
	[tilespmem:$0x10400] =	vst v63  }
0x196: {  	s22 =	simm.s32 $0xD400;
	v3 =	vadd.s32 v1, v3  }
0x197: {  	[tilespmem:s22], [sflag:$0x1] =	stream.indirect_vreg.gather [hbm4b:s5+s2], $0x80, v4, vm0, $0xb8;
	[tilespmem:$0x10400] =	vst v63  }
0x198: {  	s28 =	simm.s32 $0xDC00  }
0x199: {  	[tilespmem:s28], [sflag:$0x1] =	stream.indirect_vreg.gather [hbm4b:s6+s2], $0x80, v4, vm0, $0xb8;
	[tilespmem:$0x10400] =	vst v63  }
0x19a: {  	s16 =	simm.s32 $0xE400  }
0x19b: {  	[tilespmem:s16], [sflag:$0x1] =	stream.indirect_vreg.gather [hbm4b:s3+s2], $0x80, v3, vm0, $0xb8;
	[tilespmem:$0x10400] =	vst v63  }
0x19c: {  	s21 =	simm.s32 $0xEC00  }
0x19d: {  	[tilespmem:s21], [sflag:$0x1] =	stream.indirect_vreg.gather [hbm4b:s4+s2], $0x80, v3, vm0, $0xb8;
	[tilespmem:$0x10400] =	vst v63  }
0x19e: {  	s18 =	simm.s32 $0xF400  }
0x19f: {  	[tilespmem:s18], [sflag:$0x1] =	stream.indirect_vreg.gather [hbm4b:s5+s2], $0x80, v3, vm0, $0xb8;
	[tilespmem:$0x10400] =	vst v63  }
0x1a0: {  	s29 =	simm.s32 $0xFC00  }
0x1a1: {  	[tilespmem:s29], [sflag:$0x1] =	stream.indirect_vreg.gather [hbm4b:s6+s2], $0x80, v3, vm0, $0xb8;
	[tilespmem:$0x10400] =	vst v63  }
0x1a2: {  	_ =	swait.ge [sflag:s25], $0x8000  }
0x1a3: {  	[sflag:s25] =	ssyncset.done $0x0  }
0x1a4: {  	s31 =	rddreg [dreg:$0xb];
	[sflag:s25] =	ssyncadd.s32 $0xFFFF8000  }
0x1a5: {  	[hbm4b:s31+s2] =	stream.linear.scatter [tilespmem:s26], [sflag:$0x2], $0x8000, $0x38;
	[tilespmem:$0x10400] =	vst v63  }
0x1a6: {  	p0 =	sne.s32 s7, $0x1;
	_ =	swait.ge [sflag:s19], $0x8000  }
.Ltmp0:
0x1a7: {  	[sflag:s19] =	ssyncset.done $0x0;
	(pc) =	sbr.rel @p0 .LBB2_1-.Ltmp0, $4  }
0x1a8: {  	[sflag:s19] =	ssyncadd.s32 $0xFFFF8000  }
0x1a9: {  	_ =	swait.ge [sflag:s19], $0x8000  }
0x1aa: {  	[sflag:s19] =	ssyncset.done $0x0  }
0x1ab: {  	s7 =	sadd.s32 $0xFFFFFFFF, s7;
	[sflag:s19] =	ssyncadd.s32 $0xFFFF8000  }
0x1ac: {  	_ =	sfence.sel $0x180000  }
0x1ad: {  	[bflag:$0x0] =	sbarrier.arrive $0xFFFF  }
0x1ae: {  	_ =	strace $0x9000004A  }
0x1af: {  	s0 =	stileid.u32;
	[bflag:$0x2] =	sbarrier.arrive $0xFFFF  }
0x1b0: {  	p0 =	sne.s32 s0, $0x0;
	s0 =	rddreg [dreg:$0x1]  }
0x1b1: {  	s0 =	sadd.s32 @!p0 $0x100000, s0  }
0x1b2: {  	[sflag:s0] =	ssyncadd.tile.s32 @!p0 $0x1;
	_ =	shalt  }
.Lfunc_end2:
_tile_overlayer_lowered:
.L_overlay_start_2:
0x1b3: {  	(tag) =	ssettag $0x2  }
0x1b4: {  	s0 =	rddreg [dreg:$0x0];
	s2 =	stileid.u32  }
0x1b5: {  	s1 =	rddreg [dreg:$0x1];
	p0 =	sne.s32 s2, $0x0  }
0x1b6: {  	s3 =	rddreg [dreg:$0x2];
	[bflag:$0x3] =	sbarrier.arrive $0xFFFF;
	s2 =	simm.s32 @!p0 $0x1C03  }
0x1b7: {  	[timem:s3], [sflag:s2] =	dma.local @!p0 [hbm:s0], s1  }
0x1b8: {  	s0 =	simm.s32 @!p0 $0x3  }
0x1b9: {  	_ =	swait.ge @!p0 [sflag:s0], s1  }
0x1ba: {  	s1 =	ssub.s32 @!p0 $0x0, s1;
	[sflag:s0] =	ssyncset.done @!p0 $0x0  }
0x1bb: {  	[sflag:s0] =	ssyncadd.s32 @!p0 s1  }
0x1bc: {  	[bflag:$0x3] =	sbarrier.arrive $0xFFFF  }
0x1bd: {  	_ =	shalt  }

// kernel: kernel.9.cloned.1.call-start
scs
__scs_entry_jumppad:
0x0: {  	(pc) =	sbr.rel $0x88, $3  }
0x1: {  	(tag) =	ssettag $0x0;
	lr =	simm.s32 $0x1  }
0x2: {  	[smem:$0x3F93] =	sst lr;
	_ =	strace $0xD0000000  }
0x3: {  	_ = 	snop  }
0x4: {  	_ = 	snop  }
0x5: {  	_ = 	snop  }
0x6: {  	_ = 	snop  }
0x7: {  	_ = 	snop  }
__scs_overlays_trampoline_lowered:
0x8: {  	[smem:$0x3FA2] =	sst s0  }
0x9: {  	[smem:$0x3FA3] =	sst s1  }
0xa: {  	[smem:$0x3FA4] =	sst s2  }
0xb: {  	[smem:$0x3FA5] =	sst s3  }
0xc: {  	[smem:$0x3FA6] =	sst s4  }
0xd: {  	[smem:$0x3FA7] =	sst s5  }
0xe: {  	[smem:$0x3FA8] =	sst s6  }
0xf: {  	[smem:$0x3FA9] =	sst s7  }
0x10: {  	[smem:$0x3FAA] =	sst s8  }
0x11: {  	[smem:$0x3FAB] =	sst s9;
	s0 =	simm.s32 @!p0 $0x0  }
0x12: {  	s1 =	sld [smem:$0x3F91];
	s0 =	simm.s32 @p0 $0x1  }
0x13: {  	[smem:$0x3FAC] =	sst s0;
	s0 =	simm.s32 @!p1 $0x0  }
0x14: {  	s2 =	sld [smem:$0x3F90];
	s0 =	simm.s32 @p1 $0x1  }
0x15: {  	[smem:$0x3FAD] =	sst s0;
	s0 =	simm.s32 @!p2 $0x0  }
0x16: {  	s3 =	sld [smem:$0x3FDB];
	s0 =	simm.s32 @p2 $0x1  }
0x17: {  	s4 =	simm.s32 $0x1BF5;
	[smem:$0x3FAF] =	sst s0  }
0x18: {  	s0 =	sld [smem:$0x3F92];
	_ =	swait.ge [sflag:s4], $0x0  }
0x19: {  	s7 =	sld [smem:$0x3F93]  }
0x1a: {  	s8 =	sadd.s32 $0xFFFFE003, lr  }
0x1b: {  	s9 =	sadd.s32 $0xFFFFFEF7, lr;
	s5 =	simm.s32 $0xFFFFFFFF;
	p2 =	slt.u32 s8, $0xFFFFF086  }
0x1c: {  	p1 =	slt.u32 s9, $0xF7A;
	s5 =	simm.s32 @!p2 $0x0  }
0x1d: {  	s5 =	simm.s32 @p1 $0x1;
	p0 =	seq.s32 s7, s2  }
0x1e: {  	s7 =	smul.u32 @!p0 $0xF7A, s2;
	p2 =	seq.s32 @!p0 s5, $0x0  }
0x1f: {  	s9 =	smul.u32 $0xF7A, s1;
	s8 =	simm.s32 @!p0 $0x1BF5;
	p2 =	por !p2, p0  }
0x20: {  	[sflag:s8] =	ssyncset.s32 @!p0 $0xFFFFF086;
	s6 =	sadd.s32 @!p0 s3, s7;
	s7 =	simm.s32 @!p0 $0x108  }
0x21: {  	s3 =	sadd.s32 s3, s9;
	s6 =	sadd.s32 @!p0 $0x88, s6;
	s7 =	simm.s32 @p2 $0x1082  }
0x22: {  	[simem:s7], [sflag:s8] =	dma.local @!p0 [hbm:s6], $0xF7A  }
0x23: {  	s9 =	sor.u32 $0xD0000000, s2;
	s6 =	simm.s32 $0x108;
	_ =	swait.ge @!p0 [sflag:s8], $0x0  }
0x24: {  	s3 =	sadd.s32 $0x88, s3;
	s6 =	simm.s32 @!p1 $0x1082;
	[sflag:s4] =	ssyncset.s32 $0xFFFFF086  }
0x25: {  	[simem:s6], [sflag:s4] =	dma.local [hbm:s3], $0xF7A  }
0x26: {  	[smem:$0x3F93] =	sst s1;
	(tag) =	ssettag s2;
	_ =	strace s9  }
0x27: {  	s1 =	sld [smem:$0x3FA3]  }
0x28: {  	s2 =	sld [smem:$0x3FA4]  }
0x29: {  	s4 =	sld [smem:$0x3FA6]  }
0x2a: {  	p0 =	seq.s32 s5, $0x0;
	s5 =	sld [smem:$0x3FA7]  }
0x2b: {  	s6 =	sld [smem:$0x3FA8]  }
0x2c: {  	s7 =	sld [smem:$0x3FA9]  }
0x2d: {  	s3 =	simm.s32 $0x108;
	s8 =	sld [smem:$0x3FAA]  }
0x2e: {  	s3 =	simm.s32 @!p0 $0x1082;
	s9 =	sld [smem:$0x3FAB]  }
0x2f: {  	lr =	sadd.s32 s0, s3;
	s0 =	sld [smem:$0x3FA2]  }
0x30: {  	s3 =	sld [smem:$0x3FA5]  }
0x31: {  	[smem:$0x3FAE] =	sst s10  }
0x32: {  	s10 =	sld [smem:$0x3FAC];
	_ =	sdelay $0x3  }
0x33: {  	p0 =	seq.s32 s10, $0x1;
	s10 =	sld [smem:$0x3FAE];
	_ =	sdelay $0x3  }
0x34: {  	[smem:$0x3FAE] =	sst s10  }
0x35: {  	s10 =	sld [smem:$0x3FAD];
	_ =	sdelay $0x3  }
0x36: {  	p1 =	seq.s32 s10, $0x1;
	s10 =	sld [smem:$0x3FAE];
	_ =	sdelay $0x3  }
0x37: {  	[smem:$0x3FAE] =	sst s10  }
0x38: {  	s10 =	sld [smem:$0x3FAF]  }
0x39: {  	_ = 	snop;
	(pc) =	sbr.ind lr, $3  }
0x3a: {  	_ = 	snop  }
0x3b: {  	_ = 	snop  }
0x3c: {  	p2 =	seq.s32 s10, $0x1;
	s10 =	sld [smem:$0x3FAE]  }
0x3d: {  	_ =	shalt  }
0x3e: {  	_ =	shalt  }
0x3f: {  	_ =	shalt  }
0x40: {  	_ =	shalt  }
0x41: {  	_ =	shalt  }
0x42: {  	_ =	shalt  }
0x43: {  	_ =	shalt  }
0x44: {  	_ =	shalt  }
0x45: {  	_ =	shalt  }
0x46: {  	_ =	shalt  }
0x47: {  	_ =	shalt  }
0x48: {  	_ =	shalt  }
0x49: {  	_ =	shalt  }
0x4a: {  	_ =	shalt  }
0x4b: {  	_ =	shalt  }
0x4c: {  	_ =	shalt  }
0x4d: {  	_ =	shalt  }
0x4e: {  	_ =	shalt  }
0x4f: {  	_ =	shalt  }
0x50: {  	_ =	shalt  }
0x51: {  	_ =	shalt  }
0x52: {  	_ =	shalt  }
0x53: {  	_ =	shalt  }
0x54: {  	_ =	shalt  }
0x55: {  	_ =	shalt  }
0x56: {  	_ =	shalt  }
0x57: {  	_ =	shalt  }
0x58: {  	_ =	shalt  }
0x59: {  	_ =	shalt  }
0x5a: {  	_ =	shalt  }
0x5b: {  	_ =	shalt  }
0x5c: {  	_ =	shalt  }
0x5d: {  	_ =	shalt  }
0x5e: {  	_ =	shalt  }
0x5f: {  	_ =	shalt  }
0x60: {  	_ =	shalt  }
0x61: {  	_ =	shalt  }
0x62: {  	_ =	shalt  }
0x63: {  	_ =	shalt  }
0x64: {  	_ =	shalt  }
0x65: {  	_ =	shalt  }
0x66: {  	_ =	shalt  }
0x67: {  	_ =	shalt  }
0x68: {  	_ =	shalt  }
0x69: {  	_ =	shalt  }
0x6a: {  	_ =	shalt  }
0x6b: {  	_ =	shalt  }
0x6c: {  	_ =	shalt  }
0x6d: {  	_ =	shalt  }
0x6e: {  	_ =	shalt  }
0x6f: {  	_ =	shalt  }
0x70: {  	_ =	shalt  }
0x71: {  	_ =	shalt  }
0x72: {  	_ =	shalt  }
0x73: {  	_ =	shalt  }
0x74: {  	_ =	shalt  }
0x75: {  	_ =	shalt  }
0x76: {  	_ =	shalt  }
0x77: {  	_ =	shalt  }
0x78: {  	_ =	shalt  }
0x79: {  	_ =	shalt  }
0x7a: {  	_ =	shalt  }
0x7b: {  	_ =	shalt  }
0x7c: {  	_ =	shalt  }
0x7d: {  	_ =	shalt  }
0x7e: {  	_ =	shalt  }
0x7f: {  	_ =	shalt  }
0x80: {  	_ =	shalt  }
0x81: {  	_ =	shalt  }
0x82: {  	_ =	shalt  }
0x83: {  	_ =	shalt  }
0x84: {  	_ =	shalt  }
0x85: {  	_ =	shalt  }
0x86: {  	_ =	shalt  }
0x87: {  	_ =	shalt  }
.Lfunc_end0:
.L_simem_size_0:
called_computation_lowered:
.L_overlay_start_0:
0x88: {  	s2 =	sld [smem:$0x3FD9]  }
0x89: {  	s3 =	sld [smem:$0x3FFE];
	_ =	sdelay $0x1  }
0x8a: {  	s1 =	srdreg.scid  }
0x8b: {  	s0 =	sand.u32 $0x1, s1  }
0x8c: {  	s16 =	sshll.u32 s0, $0xA;
	s2 =	sadd.s32 s3, s2  }
0x8d: {  	s2 =	sadd.s32 s2, s16  }
0x8e: {  	[smem:$0x3FBA] =	sst s2  }
0x8f: {  	_ = 	snop  }
0x90: {  	(tm) =	ssettm $0x1  }
0x91: {  	s17 =	sld [smem:$0x3FFB];
	_ =	sdelay $0x3  }
0x92: {  	_ =	strace s17  }
0x93: {  	s2 =	sld [smem:$0x3FFC];
	_ =	sdelay $0x3  }
0x94: {  	_ =	strace s2  }
0x95: {  	s2 =	sld [smem:$0x3FFD];
	_ =	sdelay $0x3  }
0x96: {  	_ =	strace s2  }
0x97: {  	_ =	strace $0x8FFFFFFF  }
0x98: {  	s18 =	sld [smem:$0x3FDB];
	_ =	sdelay $0x1  }
0x99: {  	s19 =	simm.s32 $_scs_section_size  }
0x9a: {  	s4 =	simm.s32 $_size__tile_overlayer_lowered;
	s5 =	simm.s32 $_tile_overlayer_lowered  }
0x9b: {  	s22 =	simm.s32 $0x1BFF;
	s21 =	sshll.u32 s5, $0x1;
	s2 =	sadd.s32 s19, s18  }
0x9c: {  	s6 =	simm.s32 $0x0;
	s20 =	sshll.u32 s4, $0x1;
	s4 =	sadd.s32 s21, s2  }
0x9d: {  	[timem:s6], [sflag:s22] =	dma.local [hbm:s4], s20  }
0x9e: {  	_ =	swait.ge [sflag:s22], s20  }
0x9f: {  	s3 =	ssub.s32 $0x0, s20;
	[sflag:s22] =	ssyncset.done $0x0  }
0xa0: {  	[sflag:s22] =	ssyncadd.s32 s3;
	_ =	sdelay $0x1  }
0xa1: {  	s23 =	simm.s32 $0x1B8B  }
0xa2: {  	_ =	swait.ge [sflag:s23], $0x1  }
0xa3: {  	[sflag:s23] =	ssyncset.done $0x0  }
0xa4: {  	s25 =	simm.s32 $0x1B8E;
	s24 =	sld [smem:$0x3FFE];
	[sflag:s23] =	ssyncadd.s32 $0xFFFFFFFF  }
0xa5: {  	s26 =	simm.s32 $execute0_lowered;
	[smem:$0x3FD2] =	sst s25  }
0xa6: {  	s4 =	sshll.u32 s26, $0x1;
	_ =	strace $0x80000046;
	[dreg:$0x1] =	wrdreg $0xFFFFFFFF  }
0xa7: {  	s28 =	simm.s32 $_size_execute0_lowered;
	s2 =	sadd.s32 s2, s4;
	[dreg:$0x0] =	wrdreg $0x0  }
0xa8: {  	s4 =	sshll.u32 s28, $0x1;
	[dreg:$0x2] =	wrdreg s2  }
0xa9: {  	[dreg:$0x3] =	wrdreg s4  }
0xaa: {  	[dreg:$0x4] =	wrdreg $0xC0  }
0xab: {  	_ =	task [dreg:s6], $0x5FFFF  }
0xac: {  	[dreg:$0x1] =	wrdreg $0xFFFFFFFF  }
0xad: {  	[dreg:$0x0] =	wrdreg $0x60  }
0xae: {  	[dreg:$0x2] =	wrdreg s24  }
0xaf: {  	[dreg:$0x3] =	wrdreg $0x9  }
0xb0: {  	_ =	task.clear_ibuf [dreg:s6], $0x4FFFF;
	_ =	strace $0x90000046  }
0xb1: {  	s29 =	simm.s32 $0x9;
	_ =	strace $0x80000048  }
0xb2: {  	_ =	swait.ge [sflag:s29], $0x1  }
0xb3: {  	[sflag:s29] =	ssyncadd.s32 $0xFFFFFFFF  }
0xb4: {  	_ =	strace $0x90000048  }
0xb5: {  	_ =	sfence  }
0xb6: {  	s30 =	sld [smem:$0x0];
	_ =	sdelay $0x2  }
0xb7: {  	s31 =	sshll.u32 s1, $0xD;
	s1 =	sshrl.u32 s1, $0x2  }
0xb8: {  	s3 =	sand.u32 $0x4000, s31;
	s1 =	sadd.s32 s1, s30  }
0xb9: {  	s0 =	sor.u32 s3, s0;
	s1 =	sshll.u32 s1, $0x11  }
0xba: {  	s0 =	sor.u32 s1, s0  }
0xbb: {  	s0 =	sadd.s32 $0x8F2B, s0  }
0xbc: {  	[sflag:s0] =	ssyncadd.remote.s32 $0x1  }
0xbd: {  	_ =	sfence.sel $0xFFFF  }
0xbe: {  	[dreg:$0x0] =	wrdreg $0xFFFFFFFF;
	(pc) =	sbr.abs _section_cstart, $3  }
0xbf: {  	[dreg:$0x1] =	wrdreg $0xFFFFFFFF  }
0xc0: {  	_ =	task.clear_ibuf [dreg:s6], $0x2FFFF;
	_ =	strace $0x9FFFFFFF  }
0xc1: {  	(tm) =	ssettm $0x7FFFFFFF  }
tec
execute0_lowered:
.L_overlay_start_1:
0x0: {  	(tag) =	ssettag $0x1  }
0x1: {  	s0 =	srdreg.scid;
	s2 =	stileid.u32  }
0x2: {  	s1 =	rddreg [dreg:$0x0];
	s0 =	sand.u32 $0x1, s0;
	s2 =	sshll.u32 s2, $0x1  }
0x3: {  	s25 =	simm.s32 $0x8400;
	s18 =	simm.s32 $0x1;
	s3 =	sor.u32 s0, s2  }
0x4: {  	s2 =	simm.s32 $0x0;
	s4 =	sshll.u32 s3, $0xF;
	s3 =	sshll.u32 s3, $0x7  }
0x5: {  	s0 =	ssub.s32 $0x2, s0;
	s4 =	sand.u32 $0x78000, s4;
	s3 =	sadd.s32 s3, s1  }
0x6: {  	[smem:$0x7FF] =	sst s2;
	s7 =	sadd.s32 s4, s1;
	s3 =	sadd.s32 $0x83000, s3  }
0x7: {  	_ =	strace $0x80000047;
	[dreg:$0x2] =	wrdreg s3;
	s4 =	sadd.s32 $0x3000, s7  }
0x8: {  	s5 =	sshrl.u32 s0, $0x1;
	s26 =	sadd.s32 $0x4000, s7;
	[dreg:$0x3] =	wrdreg s4  }
0x9: {  	s0 =	ssub.s32 s0, s5;
	s28 =	sadd.s32 $0x5000, s7;
	[dreg:$0x4] =	wrdreg s26  }
0xa: {  	s5 =	sadd.s32 $0x84200, s1;
	s29 =	sadd.s32 $0x6000, s7;
	[dreg:$0x5] =	wrdreg s28  }
0xb: {  	s3 =	sadd.s32 $0x84000, s1;
	s30 =	sadd.s32 $0x7000, s7;
	[dreg:$0x6] =	wrdreg s29  }
0xc: {  	s6 =	sadd.s32 $0x8000, s7;
	s8 =	sadd.s32 $0x9000, s7;
	[dreg:$0x7] =	wrdreg s30  }
0xd: {  	v2 =	vlaneseq.u32;
	s31 =	sadd.s32 $0xA000, s7;
	s7 =	smax.u32 s0, $0x1;
	[dreg:$0x8] =	wrdreg s6  }
0xe: {  	vm0 =	vmmov $0xffff;
	v1 =	vshrl.u32 v2, $0x3;
	s4 =	sadd.s32 $0x84100, s1;
	s6 =	sadd.s32 $0x84300, s1;
	[dreg:$0x9] =	wrdreg s8  }
0xf: {  	v0 =	vand.u32 $0x7, v2;
	v2 =	vor.u32 $0x8, v2;
	v1 =	vmul.u32 $0x8, v1;
	[dreg:$0xa] =	wrdreg s31;
	s8 =	simm.s32 $0x2;
	s26 =	simm.s32 $0x400  }
.LBB2_1:
0x10: {  	s19 =	rddreg [dreg:$0x2]  }
0x11: {  	[tilespmem:s2], [sflag:$0x2] =	stream.linear.gather [hbm4b:s19+s2], $0x400, $0x38;
	[tilespmem:$0x10400] =	vst v63  }
0x12: {  	_ =	swait.ge [sflag:s8], $0x400  }
0x13: {  	[sflag:s8] =	ssyncset.done $0x0  }
0x14: {  	s16 =	rddreg [dreg:$0x3];
	[sflag:s8] =	ssyncadd.s32 $0xFFFFFC00  }
0x15: {  	[tilespmem:s26], [sflag:$0x2] =	stream.linear.gather [hbm4b:s16+s2], $0x8000, $0x38;
	[tilespmem:$0x10400] =	vst v63  }
0x16: {  	_ =	swait.ge [sflag:s8], $0x8000  }
0x17: {  	[sflag:s8] =	ssyncset.done $0x0  }
0x18: {  	[sflag:s8] =	ssyncadd.s32 $0xFFFF8000  }
0x19: {  	v3 =	vld [tilespmem:$0x0];
	_ =	sdelay $0x4  }
0x1a: {  	v4 =	vshll.u32 v3, $0x3  }
0x1b: {  	v3 =	vand.u32 $0x7, v3;
	v4 =	vand.u32 $0xFFFFFFC0, v4  }
0x1c: {  	v3 =	vor.u32 v3, v4  }
0x1d: {  	v4 =	vperm.xlane v3, v0;
	_ =	sdelay $0x1  }
0x1e: {  	v4 =	vadd.s32 v1, v4;
	_ =	sdelay $0x4  }
0x1f: {  	[hbm4b:s3+s2] =	stream.indirect_vreg.scatter [tilespmem:s26], [sflag:$0x1], $0x80, v4, vm0, $0xb8;
	[tilespmem:$0x10400] =	vst v63  }
0x20: {  	s0 =	simm.s32 $0xC00;
	v3 =	vperm.xlane v3, v2  }
0x21: {  	[hbm4b:s4+s2] =	stream.indirect_vreg.scatter [tilespmem:s0], [sflag:$0x1], $0x80, v4, vm0, $0xb8;
	[tilespmem:$0x10400] =	vst v63  }
0x22: {  	s17 =	simm.s32 $0x1400;
	v3 =	vadd.s32 v1, v3  }
0x23: {  	[hbm4b:s5+s2] =	stream.indirect_vreg.scatter [tilespmem:s17], [sflag:$0x1], $0x80, v4, vm0, $0xb8;
	[tilespmem:$0x10400] =	vst v63  }
0x24: {  	s19 =	simm.s32 $0x1C00  }
0x25: {  	[hbm4b:s6+s2] =	stream.indirect_vreg.scatter [tilespmem:s19], [sflag:$0x1], $0x80, v4, vm0, $0xb8;
	[tilespmem:$0x10400] =	vst v63  }
0x26: {  	s20 =	simm.s32 $0x2400  }
0x27: {  	[hbm4b:s3+s2] =	stream.indirect_vreg.scatter [tilespmem:s20], [sflag:$0x1], $0x80, v3, vm0, $0xb8;
	[tilespmem:$0x10400] =	vst v63  }
0x28: {  	s21 =	simm.s32 $0x2C00  }
0x29: {  	[hbm4b:s4+s2] =	stream.indirect_vreg.scatter [tilespmem:s21], [sflag:$0x1], $0x80, v3, vm0, $0xb8;
	[tilespmem:$0x10400] =	vst v63  }
0x2a: {  	s22 =	simm.s32 $0x3400  }
0x2b: {  	[hbm4b:s5+s2] =	stream.indirect_vreg.scatter [tilespmem:s22], [sflag:$0x1], $0x80, v3, vm0, $0xb8;
	[tilespmem:$0x10400] =	vst v63  }
0x2c: {  	s23 =	simm.s32 $0x3C00  }
0x2d: {  	[hbm4b:s6+s2] =	stream.indirect_vreg.scatter [tilespmem:s23], [sflag:$0x1], $0x80, v3, vm0, $0xb8;
	[tilespmem:$0x10400] =	vst v63  }
0x2e: {  	v3 =	vld [tilespmem:$0x10];
	_ =	sdelay $0x4  }
0x2f: {  	v49 =	vshll.u32 v3, $0x3  }
0x30: {  	v3 =	vand.u32 $0x7, v3;
	v4 =	vand.u32 $0xFFFFFFC0, v49  }
0x31: {  	v3 =	vor.u32 v3, v4  }
0x32: {  	v4 =	vperm.xlane v3, v0;
	_ =	sdelay $0x1  }
0x33: {  	v4 =	vadd.s32 v1, v4;
	_ =	sdelay $0x3  }
0x34: {  	s24 =	simm.s32 $0x4400  }
0x35: {  	[hbm4b:s3+s2] =	stream.indirect_vreg.scatter [tilespmem:s24], [sflag:$0x1], $0x80, v4, vm0, $0xb8;
	[tilespmem:$0x10400] =	vst v63  }
0x36: {  	s28 =	simm.s32 $0x4C00;
	v3 =	vperm.xlane v3, v2  }
0x37: {  	[hbm4b:s4+s2] =	stream.indirect_vreg.scatter [tilespmem:s28], [sflag:$0x1], $0x80, v4, vm0, $0xb8;
	[tilespmem:$0x10400] =	vst v63  }
0x38: {  	s29 =	simm.s32 $0x5400;
	v3 =	vadd.s32 v1, v3  }
0x39: {  	[hbm4b:s5+s2] =	stream.indirect_vreg.scatter [tilespmem:s29], [sflag:$0x1], $0x80, v4, vm0, $0xb8;
	[tilespmem:$0x10400] =	vst v63  }
0x3a: {  	s30 =	simm.s32 $0x5C00  }
0x3b: {  	[hbm4b:s6+s2] =	stream.indirect_vreg.scatter [tilespmem:s30], [sflag:$0x1], $0x80, v4, vm0, $0xb8;
	[tilespmem:$0x10400] =	vst v63  }
0x3c: {  	s31 =	simm.s32 $0x6400  }
0x3d: {  	[hbm4b:s3+s2] =	stream.indirect_vreg.scatter [tilespmem:s31], [sflag:$0x1], $0x80, v3, vm0, $0xb8;
	[tilespmem:$0x10400] =	vst v63  }
0x3e: {  	s1 =	simm.s32 $0x6C00  }
0x3f: {  	[hbm4b:s4+s2] =	stream.indirect_vreg.scatter [tilespmem:s1], [sflag:$0x1], $0x80, v3, vm0, $0xb8;
	[tilespmem:$0x10400] =	vst v63  }
0x40: {  	s11 =	simm.s32 $0x7400  }
0x41: {  	[hbm4b:s5+s2] =	stream.indirect_vreg.scatter [tilespmem:s11], [sflag:$0x1], $0x80, v3, vm0, $0xb8;
	[tilespmem:$0x10400] =	vst v63  }
0x42: {  	s17 =	simm.s32 $0x7C00  }
0x43: {  	[hbm4b:s6+s2] =	stream.indirect_vreg.scatter [tilespmem:s17], [sflag:$0x1], $0x80, v3, vm0, $0xb8;
	[tilespmem:$0x10400] =	vst v63  }
0x44: {  	s16 =	rddreg [dreg:$0x4]  }
0x45: {  	[tilespmem:s25], [sflag:$0x2] =	stream.linear.gather [hbm4b:s16+s2], $0x8000, $0x38;
	[tilespmem:$0x10400] =	vst v63  }
0x46: {  	_ =	swait.ge [sflag:s8], $0x8000  }
0x47: {  	[sflag:s8] =	ssyncset.done $0x0  }
0x48: {  	[sflag:s8] =	ssyncadd.s32 $0xFFFF8000  }
0x49: {  	v3 =	vld [tilespmem:$0x80];
	_ =	sdelay $0x4  }
0x4a: {  	v50 =	vshll.u32 v3, $0x3  }
0x4b: {  	v3 =	vand.u32 $0x7, v3;
	v4 =	vand.u32 $0xFFFFFFC0, v50  }
0x4c: {  	v3 =	vor.u32 v3, v4  }
0x4d: {  	v4 =	vperm.xlane v3, v0;
	_ =	sdelay $0x1  }
0x4e: {  	v4 =	vadd.s32 v1, v4;
	_ =	sdelay $0x4  }
0x4f: {  	[hbm4b:s3+s2] =	stream.indirect_vreg.scatter [tilespmem:s25], [sflag:$0x1], $0x80, v4, vm0, $0xb8;
	[tilespmem:$0x10400] =	vst v63  }
0x50: {  	s20 =	simm.s32 $0x8C00;
	v3 =	vperm.xlane v3, v2  }
0x51: {  	[hbm4b:s4+s2] =	stream.indirect_vreg.scatter [tilespmem:s20], [sflag:$0x1], $0x80, v4, vm0, $0xb8;
	[tilespmem:$0x10400] =	vst v63  }
0x52: {  	s21 =	simm.s32 $0x9400;
	v3 =	vadd.s32 v1, v3  }
0x53: {  	[hbm4b:s5+s2] =	stream.indirect_vreg.scatter [tilespmem:s21], [sflag:$0x1], $0x80, v4, vm0, $0xb8;
	[tilespmem:$0x10400] =	vst v63  }
0x54: {  	s22 =	simm.s32 $0x9C00  }
0x55: {  	[hbm4b:s6+s2] =	stream.indirect_vreg.scatter [tilespmem:s22], [sflag:$0x1], $0x80, v4, vm0, $0xb8;
	[tilespmem:$0x10400] =	vst v63  }
0x56: {  	s23 =	simm.s32 $0xA400  }
0x57: {  	[hbm4b:s3+s2] =	stream.indirect_vreg.scatter [tilespmem:s23], [sflag:$0x1], $0x80, v3, vm0, $0xb8;
	[tilespmem:$0x10400] =	vst v63  }
0x58: {  	s24 =	simm.s32 $0xAC00  }
0x59: {  	[hbm4b:s4+s2] =	stream.indirect_vreg.scatter [tilespmem:s24], [sflag:$0x1], $0x80, v3, vm0, $0xb8;
	[tilespmem:$0x10400] =	vst v63  }
0x5a: {  	s28 =	simm.s32 $0xB400  }
0x5b: {  	[hbm4b:s5+s2] =	stream.indirect_vreg.scatter [tilespmem:s28], [sflag:$0x1], $0x80, v3, vm0, $0xb8;
	[tilespmem:$0x10400] =	vst v63  }
0x5c: {  	s30 =	simm.s32 $0xBC00  }
0x5d: {  	[hbm4b:s6+s2] =	stream.indirect_vreg.scatter [tilespmem:s30], [sflag:$0x1], $0x80, v3, vm0, $0xb8;
	[tilespmem:$0x10400] =	vst v63  }
0x5e: {  	v3 =	vld [tilespmem:$0x90];
	_ =	sdelay $0x4  }
0x5f: {  	v51 =	vshll.u32 v3, $0x3  }
0x60: {  	v3 =	vand.u32 $0x7, v3;
	v4 =	vand.u32 $0xFFFFFFC0, v51  }
0x61: {  	v3 =	vor.u32 v3, v4  }
0x62: {  	v4 =	vperm.xlane v3, v0;
	_ =	sdelay $0x1  }
0x63: {  	v4 =	vadd.s32 v1, v4;
	_ =	sdelay $0x3  }
0x64: {  	s31 =	simm.s32 $0xC400  }
0x65: {  	[hbm4b:s3+s2] =	stream.indirect_vreg.scatter [tilespmem:s31], [sflag:$0x1], $0x80, v4, vm0, $0xb8;
	[tilespmem:$0x10400] =	vst v63  }
0x66: {  	s0 =	simm.s32 $0xCC00;
	v3 =	vperm.xlane v3, v2  }
0x67: {  	[hbm4b:s4+s2] =	stream.indirect_vreg.scatter [tilespmem:s0], [sflag:$0x1], $0x80, v4, vm0, $0xb8;
	[tilespmem:$0x10400] =	vst v63  }
0x68: {  	s11 =	simm.s32 $0xD400;
	v3 =	vadd.s32 v1, v3  }
0x69: {  	[hbm4b:s5+s2] =	stream.indirect_vreg.scatter [tilespmem:s11], [sflag:$0x1], $0x80, v4, vm0, $0xb8;
	[tilespmem:$0x10400] =	vst v63  }
0x6a: {  	s16 =	simm.s32 $0xDC00  }
0x6b: {  	[hbm4b:s6+s2] =	stream.indirect_vreg.scatter [tilespmem:s16], [sflag:$0x1], $0x80, v4, vm0, $0xb8;
	[tilespmem:$0x10400] =	vst v63  }
0x6c: {  	s17 =	simm.s32 $0xE400  }
0x6d: {  	[hbm4b:s3+s2] =	stream.indirect_vreg.scatter [tilespmem:s17], [sflag:$0x1], $0x80, v3, vm0, $0xb8;
	[tilespmem:$0x10400] =	vst v63  }
0x6e: {  	s20 =	simm.s32 $0xEC00  }
0x6f: {  	[hbm4b:s4+s2] =	stream.indirect_vreg.scatter [tilespmem:s20], [sflag:$0x1], $0x80, v3, vm0, $0xb8;
	[tilespmem:$0x10400] =	vst v63  }
0x70: {  	s24 =	simm.s32 $0xF400  }
0x71: {  	[hbm4b:s5+s2] =	stream.indirect_vreg.scatter [tilespmem:s24], [sflag:$0x1], $0x80, v3, vm0, $0xb8;
	[tilespmem:$0x10400] =	vst v63  }
0x72: {  	s30 =	simm.s32 $0xFC00  }
0x73: {  	[hbm4b:s6+s2] =	stream.indirect_vreg.scatter [tilespmem:s30], [sflag:$0x1], $0x80, v3, vm0, $0xb8;
	[tilespmem:$0x10400] =	vst v63  }
0x74: {  	_ =	swait.ge [sflag:s18], $0x8000  }
0x75: {  	[sflag:s18] =	ssyncset.done $0x0  }
0x76: {  	s0 =	rddreg [dreg:$0x5];
	[sflag:s18] =	ssyncadd.s32 $0xFFFF8000  }
0x77: {  	[tilespmem:s26], [sflag:$0x2] =	stream.linear.gather [hbm4b:s0+s2], $0x8000, $0x38;
	[tilespmem:$0x10400] =	vst v63  }
0x78: {  	_ =	swait.ge [sflag:s8], $0x8000  }
0x79: {  	[sflag:s8] =	ssyncset.done $0x0  }
0x7a: {  	[sflag:s8] =	ssyncadd.s32 $0xFFFF8000  }
0x7b: {  	v3 =	vld [tilespmem:$0x100];
	_ =	sdelay $0x4  }
0x7c: {  	v52 =	vshll.u32 v3, $0x3  }
0x7d: {  	v3 =	vand.u32 $0x7, v3;
	v4 =	vand.u32 $0xFFFFFFC0, v52  }
0x7e: {  	v3 =	vor.u32 v3, v4  }
0x7f: {  	v4 =	vperm.xlane v3, v0;
	_ =	sdelay $0x1  }
0x80: {  	v4 =	vadd.s32 v1, v4;
	_ =	sdelay $0x4  }
0x81: {  	[hbm4b:s3+s2] =	stream.indirect_vreg.scatter [tilespmem:s26], [sflag:$0x1], $0x80, v4, vm0, $0xb8;
	[tilespmem:$0x10400] =	vst v63  }
0x82: {  	s10 =	simm.s32 $0xC00;
	v3 =	vperm.xlane v3, v2  }
0x83: {  	[hbm4b:s4+s2] =	stream.indirect_vreg.scatter [tilespmem:s10], [sflag:$0x1], $0x80, v4, vm0, $0xb8;
	[tilespmem:$0x10400] =	vst v63  }
0x84: {  	s9 =	simm.s32 $0x1400;
	v3 =	vadd.s32 v1, v3  }
0x85: {  	[hbm4b:s5+s2] =	stream.indirect_vreg.scatter [tilespmem:s9], [sflag:$0x1], $0x80, v4, vm0, $0xb8;
	[tilespmem:$0x10400] =	vst v63  }
0x86: {  	s17 =	simm.s32 $0x1C00  }
0x87: {  	[hbm4b:s6+s2] =	stream.indirect_vreg.scatter [tilespmem:s17], [sflag:$0x1], $0x80, v4, vm0, $0xb8;
	[tilespmem:$0x10400] =	vst v63  }
0x88: {  	s10 =	simm.s32 $0x2400  }
0x89: {  	[hbm4b:s3+s2] =	stream.indirect_vreg.scatter [tilespmem:s10], [sflag:$0x1], $0x80, v3, vm0, $0xb8;
	[tilespmem:$0x10400] =	vst v63  }
0x8a: {  	s11 =	simm.s32 $0x2C00  }
0x8b: {  	[hbm4b:s4+s2] =	stream.indirect_vreg.scatter [tilespmem:s11], [sflag:$0x1], $0x80, v3, vm0, $0xb8;
	[tilespmem:$0x10400] =	vst v63  }
0x8c: {  	s12 =	simm.s32 $0x3400  }
0x8d: {  	[hbm4b:s5+s2] =	stream.indirect_vreg.scatter [tilespmem:s12], [sflag:$0x1], $0x80, v3, vm0, $0xb8;
	[tilespmem:$0x10400] =	vst v63  }
0x8e: {  	s14 =	simm.s32 $0x3C00  }
0x8f: {  	[hbm4b:s6+s2] =	stream.indirect_vreg.scatter [tilespmem:s14], [sflag:$0x1], $0x80, v3, vm0, $0xb8;
	[tilespmem:$0x10400] =	vst v63  }
0x90: {  	v3 =	vld [tilespmem:$0x110];
	_ =	sdelay $0x4  }
0x91: {  	v53 =	vshll.u32 v3, $0x3  }
0x92: {  	v3 =	vand.u32 $0x7, v3;
	v4 =	vand.u32 $0xFFFFFFC0, v53  }
0x93: {  	v3 =	vor.u32 v3, v4  }
0x94: {  	v4 =	vperm.xlane v3, v0;
	_ =	sdelay $0x1  }
0x95: {  	v4 =	vadd.s32 v1, v4;
	_ =	sdelay $0x3  }
0x96: {  	s15 =	simm.s32 $0x4400  }
0x97: {  	[hbm4b:s3+s2] =	stream.indirect_vreg.scatter [tilespmem:s15], [sflag:$0x1], $0x80, v4, vm0, $0xb8;
	[tilespmem:$0x10400] =	vst v63  }
0x98: {  	s16 =	simm.s32 $0x4C00;
	v3 =	vperm.xlane v3, v2  }
0x99: {  	[hbm4b:s4+s2] =	stream.indirect_vreg.scatter [tilespmem:s16], [sflag:$0x1], $0x80, v4, vm0, $0xb8;
	[tilespmem:$0x10400] =	vst v63  }
0x9a: {  	s13 =	simm.s32 $0x5400;
	v3 =	vadd.s32 v1, v3  }
0x9b: {  	[hbm4b:s5+s2] =	stream.indirect_vreg.scatter [tilespmem:s13], [sflag:$0x1], $0x80, v4, vm0, $0xb8;
	[tilespmem:$0x10400] =	vst v63  }
0x9c: {  	s12 =	simm.s32 $0x5C00  }
0x9d: {  	[hbm4b:s6+s2] =	stream.indirect_vreg.scatter [tilespmem:s12], [sflag:$0x1], $0x80, v4, vm0, $0xb8;
	[tilespmem:$0x10400] =	vst v63  }
0x9e: {  	s13 =	simm.s32 $0x6400  }
0x9f: {  	[hbm4b:s3+s2] =	stream.indirect_vreg.scatter [tilespmem:s13], [sflag:$0x1], $0x80, v3, vm0, $0xb8;
	[tilespmem:$0x10400] =	vst v63  }
0xa0: {  	s14 =	simm.s32 $0x6C00  }
0xa1: {  	[hbm4b:s4+s2] =	stream.indirect_vreg.scatter [tilespmem:s14], [sflag:$0x1], $0x80, v3, vm0, $0xb8;
	[tilespmem:$0x10400] =	vst v63  }
0xa2: {  	s15 =	simm.s32 $0x7400  }
0xa3: {  	[hbm4b:s5+s2] =	stream.indirect_vreg.scatter [tilespmem:s15], [sflag:$0x1], $0x80, v3, vm0, $0xb8;
	[tilespmem:$0x10400] =	vst v63  }
0xa4: {  	s20 =	simm.s32 $0x7C00  }
0xa5: {  	[hbm4b:s6+s2] =	stream.indirect_vreg.scatter [tilespmem:s20], [sflag:$0x1], $0x80, v3, vm0, $0xb8;
	[tilespmem:$0x10400] =	vst v63  }
0xa6: {  	_ =	swait.ge [sflag:s18], $0x8000  }
0xa7: {  	[sflag:s18] =	ssyncset.done $0x0  }
0xa8: {  	s9 =	rddreg [dreg:$0x6];
	[sflag:s18] =	ssyncadd.s32 $0xFFFF8000  }
0xa9: {  	[tilespmem:s25], [sflag:$0x2] =	stream.linear.gather [hbm4b:s9+s2], $0x8000, $0x38;
	[tilespmem:$0x10400] =	vst v63  }
0xaa: {  	_ =	swait.ge [sflag:s8], $0x8000  }
0xab: {  	[sflag:s8] =	ssyncset.done $0x0  }
0xac: {  	[sflag:s8] =	ssyncadd.s32 $0xFFFF8000  }
0xad: {  	v3 =	vld [tilespmem:$0x180];
	_ =	sdelay $0x4  }
0xae: {  	v54 =	vshll.u32 v3, $0x3  }
0xaf: {  	v3 =	vand.u32 $0x7, v3;
	v4 =	vand.u32 $0xFFFFFFC0, v54  }
0xb0: {  	v3 =	vor.u32 v3, v4  }
0xb1: {  	v4 =	vperm.xlane v3, v0;
	_ =	sdelay $0x1  }
0xb2: {  	v4 =	vadd.s32 v1, v4;
	_ =	sdelay $0x4  }
0xb3: {  	[hbm4b:s3+s2] =	stream.indirect_vreg.scatter [tilespmem:s25], [sflag:$0x1], $0x80, v4, vm0, $0xb8;
	[tilespmem:$0x10400] =	vst v63  }
0xb4: {  	s1 =	simm.s32 $0x8C00;
	v3 =	vperm.xlane v3, v2  }
0xb5: {  	[hbm4b:s4+s2] =	stream.indirect_vreg.scatter [tilespmem:s1], [sflag:$0x1], $0x80, v4, vm0, $0xb8;
	[tilespmem:$0x10400] =	vst v63  }
0xb6: {  	s0 =	simm.s32 $0x9400;
	v3 =	vadd.s32 v1, v3  }
0xb7: {  	[hbm4b:s5+s2] =	stream.indirect_vreg.scatter [tilespmem:s0], [sflag:$0x1], $0x80, v4, vm0, $0xb8;
	[tilespmem:$0x10400] =	vst v63  }
0xb8: {  	s1 =	simm.s32 $0x9C00  }
0xb9: {  	[hbm4b:s6+s2] =	stream.indirect_vreg.scatter [tilespmem:s1], [sflag:$0x1], $0x80, v4, vm0, $0xb8;
	[tilespmem:$0x10400] =	vst v63  }
0xba: {  	s9 =	simm.s32 $0xA400  }
0xbb: {  	[hbm4b:s3+s2] =	stream.indirect_vreg.scatter [tilespmem:s9], [sflag:$0x1], $0x80, v3, vm0, $0xb8;
	[tilespmem:$0x10400] =	vst v63  }
0xbc: {  	s29 =	simm.s32 $0xAC00  }
0xbd: {  	[hbm4b:s4+s2] =	stream.indirect_vreg.scatter [tilespmem:s29], [sflag:$0x1], $0x80, v3, vm0, $0xb8;
	[tilespmem:$0x10400] =	vst v63  }
0xbe: {  	s28 =	simm.s32 $0xB400  }
0xbf: {  	[hbm4b:s5+s2] =	stream.indirect_vreg.scatter [tilespmem:s28], [sflag:$0x1], $0x80, v3, vm0, $0xb8;
	[tilespmem:$0x10400] =	vst v63  }
0xc0: {  	s21 =	simm.s32 $0xBC00  }
0xc1: {  	[hbm4b:s6+s2] =	stream.indirect_vreg.scatter [tilespmem:s21], [sflag:$0x1], $0x80, v3, vm0, $0xb8;
	[tilespmem:$0x10400] =	vst v63  }
0xc2: {  	v3 =	vld [tilespmem:$0x190];
	_ =	sdelay $0x4  }
0xc3: {  	v55 =	vshll.u32 v3, $0x3  }
0xc4: {  	v3 =	vand.u32 $0x7, v3;
	v4 =	vand.u32 $0xFFFFFFC0, v55  }
0xc5: {  	v3 =	vor.u32 v3, v4  }
0xc6: {  	v4 =	vperm.xlane v3, v0;
	_ =	sdelay $0x1  }
0xc7: {  	v4 =	vadd.s32 v1, v4;
	_ =	sdelay $0x3  }
0xc8: {  	s22 =	simm.s32 $0xC400  }
0xc9: {  	[hbm4b:s3+s2] =	stream.indirect_vreg.scatter [tilespmem:s22], [sflag:$0x1], $0x80, v4, vm0, $0xb8;
	[tilespmem:$0x10400] =	vst v63  }
0xca: {  	s23 =	simm.s32 $0xCC00;
	v3 =	vperm.xlane v3, v2  }
0xcb: {  	[hbm4b:s4+s2] =	stream.indirect_vreg.scatter [tilespmem:s23], [sflag:$0x1], $0x80, v4, vm0, $0xb8;
	[tilespmem:$0x10400] =	vst v63  }
0xcc: {  	v3 =	vadd.s32 v1, v3;
	s22 =	simm.s32 $0xD400  }
0xcd: {  	[hbm4b:s5+s2] =	stream.indirect_vreg.scatter [tilespmem:s22], [sflag:$0x1], $0x80, v4, vm0, $0xb8;
	[tilespmem:$0x10400] =	vst v63  }
0xce: {  	s31 =	simm.s32 $0xDC00  }
0xcf: {  	[hbm4b:s6+s2] =	stream.indirect_vreg.scatter [tilespmem:s31], [sflag:$0x1], $0x80, v4, vm0, $0xb8;
	[tilespmem:$0x10400] =	vst v63  }
0xd0: {  	s23 =	simm.s32 $0xE400  }
0xd1: {  	[hbm4b:s3+s2] =	stream.indirect_vreg.scatter [tilespmem:s23], [sflag:$0x1], $0x80, v3, vm0, $0xb8;
	[tilespmem:$0x10400] =	vst v63  }
0xd2: {  	s22 =	simm.s32 $0xEC00  }
0xd3: {  	[hbm4b:s4+s2] =	stream.indirect_vreg.scatter [tilespmem:s22], [sflag:$0x1], $0x80, v3, vm0, $0xb8;
	[tilespmem:$0x10400] =	vst v63  }
0xd4: {  	s23 =	simm.s32 $0xF400  }
0xd5: {  	[hbm4b:s5+s2] =	stream.indirect_vreg.scatter [tilespmem:s23], [sflag:$0x1], $0x80, v3, vm0, $0xb8;
	[tilespmem:$0x10400] =	vst v63  }
0xd6: {  	s24 =	simm.s32 $0xFC00  }
0xd7: {  	[hbm4b:s6+s2] =	stream.indirect_vreg.scatter [tilespmem:s24], [sflag:$0x1], $0x80, v3, vm0, $0xb8;
	[tilespmem:$0x10400] =	vst v63  }
0xd8: {  	_ =	swait.ge [sflag:s18], $0x8000  }
0xd9: {  	[sflag:s18] =	ssyncset.done $0x0  }
0xda: {  	s24 =	rddreg [dreg:$0x7];
	[sflag:s18] =	ssyncadd.s32 $0xFFFF8000  }
0xdb: {  	[tilespmem:s26], [sflag:$0x2] =	stream.linear.gather [hbm4b:s24+s2], $0x8000, $0x38;
	[tilespmem:$0x10400] =	vst v63  }
0xdc: {  	_ =	swait.ge [sflag:s8], $0x8000  }
0xdd: {  	[sflag:s8] =	ssyncset.done $0x0  }
0xde: {  	[sflag:s8] =	ssyncadd.s32 $0xFFFF8000  }
0xdf: {  	v3 =	vld [tilespmem:$0x200];
	_ =	sdelay $0x4  }
0xe0: {  	v56 =	vshll.u32 v3, $0x3  }
0xe1: {  	v3 =	vand.u32 $0x7, v3;
	v4 =	vand.u32 $0xFFFFFFC0, v56  }
0xe2: {  	v3 =	vor.u32 v3, v4  }
0xe3: {  	v4 =	vperm.xlane v3, v0;
	_ =	sdelay $0x1  }
0xe4: {  	v4 =	vadd.s32 v1, v4;
	_ =	sdelay $0x4  }
0xe5: {  	[hbm4b:s3+s2] =	stream.indirect_vreg.scatter [tilespmem:s26], [sflag:$0x1], $0x80, v4, vm0, $0xb8;
	[tilespmem:$0x10400] =	vst v63  }
0xe6: {  	s24 =	simm.s32 $0xC00;
	v3 =	vperm.xlane v3, v2  }
0xe7: {  	[hbm4b:s4+s2] =	stream.indirect_vreg.scatter [tilespmem:s24], [sflag:$0x1], $0x80, v4, vm0, $0xb8;
	[tilespmem:$0x10400] =	vst v63  }
0xe8: {  	v3 =	vadd.s32 v1, v3;
	s24 =	simm.s32 $0x1400  }
0xe9: {  	[hbm4b:s5+s2] =	stream.indirect_vreg.scatter [tilespmem:s24], [sflag:$0x1], $0x80, v4, vm0, $0xb8;
	[tilespmem:$0x10400] =	vst v63  }
0xea: {  	_ = 	snop  }
0xeb: {  	[hbm4b:s6+s2] =	stream.indirect_vreg.scatter [tilespmem:s17], [sflag:$0x1], $0x80, v4, vm0, $0xb8;
	[tilespmem:$0x10400] =	vst v63  }
0xec: {  	_ = 	snop  }
0xed: {  	[hbm4b:s3+s2] =	stream.indirect_vreg.scatter [tilespmem:s10], [sflag:$0x1], $0x80, v3, vm0, $0xb8;
	[tilespmem:$0x10400] =	vst v63  }
0xee: {  	_ = 	snop  }
0xef: {  	[hbm4b:s4+s2] =	stream.indirect_vreg.scatter [tilespmem:s11], [sflag:$0x1], $0x80, v3, vm0, $0xb8;
	[tilespmem:$0x10400] =	vst v63  }
0xf0: {  	s24 =	simm.s32 $0x3400  }
0xf1: {  	[hbm4b:s5+s2] =	stream.indirect_vreg.scatter [tilespmem:s24], [sflag:$0x1], $0x80, v3, vm0, $0xb8;
	[tilespmem:$0x10400] =	vst v63  }
0xf2: {  	s24 =	simm.s32 $0x3C00  }
0xf3: {  	[hbm4b:s6+s2] =	stream.indirect_vreg.scatter [tilespmem:s24], [sflag:$0x1], $0x80, v3, vm0, $0xb8;
	[tilespmem:$0x10400] =	vst v63  }
0xf4: {  	v3 =	vld [tilespmem:$0x210];
	_ =	sdelay $0x4  }
0xf5: {  	v57 =	vshll.u32 v3, $0x3  }
0xf6: {  	v3 =	vand.u32 $0x7, v3;
	v4 =	vand.u32 $0xFFFFFFC0, v57  }
0xf7: {  	v3 =	vor.u32 v3, v4  }
0xf8: {  	v4 =	vperm.xlane v3, v0;
	_ =	sdelay $0x1  }
0xf9: {  	v4 =	vadd.s32 v1, v4;
	_ =	sdelay $0x3  }
0xfa: {  	s24 =	simm.s32 $0x4400  }
0xfb: {  	[hbm4b:s3+s2] =	stream.indirect_vreg.scatter [tilespmem:s24], [sflag:$0x1], $0x80, v4, vm0, $0xb8;
	[tilespmem:$0x10400] =	vst v63  }
0xfc: {  	v3 =	vperm.xlane v3, v2  }
0xfd: {  	[hbm4b:s4+s2] =	stream.indirect_vreg.scatter [tilespmem:s16], [sflag:$0x1], $0x80, v4, vm0, $0xb8;
	[tilespmem:$0x10400] =	vst v63  }
0xfe: {  	v3 =	vadd.s32 v1, v3;
	s24 =	simm.s32 $0x5400  }
0xff: {  	[hbm4b:s5+s2] =	stream.indirect_vreg.scatter [tilespmem:s24], [sflag:$0x1], $0x80, v4, vm0, $0xb8;
	[tilespmem:$0x10400] =	vst v63  }
0x100: {  	_ = 	snop  }
0x101: {  	[hbm4b:s6+s2] =	stream.indirect_vreg.scatter [tilespmem:s12], [sflag:$0x1], $0x80, v4, vm0, $0xb8;
	[tilespmem:$0x10400] =	vst v63  }
0x102: {  	_ = 	snop  }
0x103: {  	[hbm4b:s3+s2] =	stream.indirect_vreg.scatter [tilespmem:s13], [sflag:$0x1], $0x80, v3, vm0, $0xb8;
	[tilespmem:$0x10400] =	vst v63  }
0x104: {  	_ = 	snop  }
0x105: {  	[hbm4b:s4+s2] =	stream.indirect_vreg.scatter [tilespmem:s14], [sflag:$0x1], $0x80, v3, vm0, $0xb8;
	[tilespmem:$0x10400] =	vst v63  }
0x106: {  	_ = 	snop  }
0x107: {  	[hbm4b:s5+s2] =	stream.indirect_vreg.scatter [tilespmem:s15], [sflag:$0x1], $0x80, v3, vm0, $0xb8;
	[tilespmem:$0x10400] =	vst v63  }
0x108: {  	_ = 	snop  }
0x109: {  	[hbm4b:s6+s2] =	stream.indirect_vreg.scatter [tilespmem:s20], [sflag:$0x1], $0x80, v3, vm0, $0xb8;
	[tilespmem:$0x10400] =	vst v63  }
0x10a: {  	_ =	swait.ge [sflag:s18], $0x8000  }
0x10b: {  	[sflag:s18] =	ssyncset.done $0x0  }
0x10c: {  	s19 =	rddreg [dreg:$0x8];
	[sflag:s18] =	ssyncadd.s32 $0xFFFF8000  }
0x10d: {  	[tilespmem:s25], [sflag:$0x2] =	stream.linear.gather [hbm4b:s19+s2], $0x8000, $0x38;
	[tilespmem:$0x10400] =	vst v63  }
0x10e: {  	_ =	swait.ge [sflag:s8], $0x8000  }
0x10f: {  	[sflag:s8] =	ssyncset.done $0x0  }
0x110: {  	[sflag:s8] =	ssyncadd.s32 $0xFFFF8000  }
0x111: {  	v3 =	vld [tilespmem:$0x280];
	_ =	sdelay $0x4  }
0x112: {  	v58 =	vshll.u32 v3, $0x3  }
0x113: {  	v3 =	vand.u32 $0x7, v3;
	v4 =	vand.u32 $0xFFFFFFC0, v58  }
0x114: {  	v3 =	vor.u32 v3, v4  }
0x115: {  	v4 =	vperm.xlane v3, v0;
	_ =	sdelay $0x1  }
0x116: {  	v4 =	vadd.s32 v1, v4;
	_ =	sdelay $0x4  }
0x117: {  	[hbm4b:s3+s2] =	stream.indirect_vreg.scatter [tilespmem:s25], [sflag:$0x1], $0x80, v4, vm0, $0xb8;
	[tilespmem:$0x10400] =	vst v63  }
0x118: {  	s30 =	simm.s32 $0x8C00;
	v3 =	vperm.xlane v3, v2  }
0x119: {  	[hbm4b:s4+s2] =	stream.indirect_vreg.scatter [tilespmem:s30], [sflag:$0x1], $0x80, v4, vm0, $0xb8;
	[tilespmem:$0x10400] =	vst v63  }
0x11a: {  	v3 =	vadd.s32 v1, v3  }
0x11b: {  	[hbm4b:s5+s2] =	stream.indirect_vreg.scatter [tilespmem:s0], [sflag:$0x1], $0x80, v4, vm0, $0xb8;
	[tilespmem:$0x10400] =	vst v63  }
0x11c: {  	_ = 	snop  }
0x11d: {  	[hbm4b:s6+s2] =	stream.indirect_vreg.scatter [tilespmem:s1], [sflag:$0x1], $0x80, v4, vm0, $0xb8;
	[tilespmem:$0x10400] =	vst v63  }
0x11e: {  	_ = 	snop  }
0x11f: {  	[hbm4b:s3+s2] =	stream.indirect_vreg.scatter [tilespmem:s9], [sflag:$0x1], $0x80, v3, vm0, $0xb8;
	[tilespmem:$0x10400] =	vst v63  }
0x120: {  	s29 =	simm.s32 $0xAC00  }
0x121: {  	[hbm4b:s4+s2] =	stream.indirect_vreg.scatter [tilespmem:s29], [sflag:$0x1], $0x80, v3, vm0, $0xb8;
	[tilespmem:$0x10400] =	vst v63  }
0x122: {  	s28 =	simm.s32 $0xB400  }
0x123: {  	[hbm4b:s5+s2] =	stream.indirect_vreg.scatter [tilespmem:s28], [sflag:$0x1], $0x80, v3, vm0, $0xb8;
	[tilespmem:$0x10400] =	vst v63  }
0x124: {  	s28 =	simm.s32 $0xBC00  }
0x125: {  	[hbm4b:s6+s2] =	stream.indirect_vreg.scatter [tilespmem:s28], [sflag:$0x1], $0x80, v3, vm0, $0xb8;
	[tilespmem:$0x10400] =	vst v63  }
0x126: {  	v3 =	vld [tilespmem:$0x290];
	_ =	sdelay $0x4  }
0x127: {  	v59 =	vshll.u32 v3, $0x3  }
0x128: {  	v3 =	vand.u32 $0x7, v3;
	v4 =	vand.u32 $0xFFFFFFC0, v59  }
0x129: {  	v3 =	vor.u32 v3, v4  }
0x12a: {  	v4 =	vperm.xlane v3, v0;
	_ =	sdelay $0x1  }
0x12b: {  	v4 =	vadd.s32 v1, v4;
	_ =	sdelay $0x3  }
0x12c: {  	s28 =	simm.s32 $0xC400  }
0x12d: {  	[hbm4b:s3+s2] =	stream.indirect_vreg.scatter [tilespmem:s28], [sflag:$0x1], $0x80, v4, vm0, $0xb8;
	[tilespmem:$0x10400] =	vst v63  }
0x12e: {  	v3 =	vperm.xlane v3, v2;
	s28 =	simm.s32 $0xCC00  }
0x12f: {  	[hbm4b:s4+s2] =	stream.indirect_vreg.scatter [tilespmem:s28], [sflag:$0x1], $0x80, v4, vm0, $0xb8;
	[tilespmem:$0x10400] =	vst v63  }
0x130: {  	s21 =	simm.s32 $0xD400;
	v3 =	vadd.s32 v1, v3  }
0x131: {  	[hbm4b:s5+s2] =	stream.indirect_vreg.scatter [tilespmem:s21], [sflag:$0x1], $0x80, v4, vm0, $0xb8;
	[tilespmem:$0x10400] =	vst v63  }
0x132: {  	s31 =	simm.s32 $0xDC00  }
0x133: {  	[hbm4b:s6+s2] =	stream.indirect_vreg.scatter [tilespmem:s31], [sflag:$0x1], $0x80, v4, vm0, $0xb8;
	[tilespmem:$0x10400] =	vst v63  }
0x134: {  	s21 =	simm.s32 $0xE400  }
0x135: {  	[hbm4b:s3+s2] =	stream.indirect_vreg.scatter [tilespmem:s21], [sflag:$0x1], $0x80, v3, vm0, $0xb8;
	[tilespmem:$0x10400] =	vst v63  }
0x136: {  	s22 =	simm.s32 $0xEC00  }
0x137: {  	[hbm4b:s4+s2] =	stream.indirect_vreg.scatter [tilespmem:s22], [sflag:$0x1], $0x80, v3, vm0, $0xb8;
	[tilespmem:$0x10400] =	vst v63  }
0x138: {  	s23 =	simm.s32 $0xF400  }
0x139: {  	[hbm4b:s5+s2] =	stream.indirect_vreg.scatter [tilespmem:s23], [sflag:$0x1], $0x80, v3, vm0, $0xb8;
	[tilespmem:$0x10400] =	vst v63  }
0x13a: {  	s23 =	simm.s32 $0xFC00  }
0x13b: {  	[hbm4b:s6+s2] =	stream.indirect_vreg.scatter [tilespmem:s23], [sflag:$0x1], $0x80, v3, vm0, $0xb8;
	[tilespmem:$0x10400] =	vst v63  }
0x13c: {  	_ =	swait.ge [sflag:s18], $0x8000  }
0x13d: {  	[sflag:s18] =	ssyncset.done $0x0  }
0x13e: {  	s19 =	rddreg [dreg:$0x9];
	[sflag:s18] =	ssyncadd.s32 $0xFFFF8000  }
0x13f: {  	[tilespmem:s26], [sflag:$0x2] =	stream.linear.gather [hbm4b:s19+s2], $0x8000, $0x38;
	[tilespmem:$0x10400] =	vst v63  }
0x140: {  	_ =	swait.ge [sflag:s8], $0x8000  }
0x141: {  	[sflag:s8] =	ssyncset.done $0x0  }
0x142: {  	[sflag:s8] =	ssyncadd.s32 $0xFFFF8000  }
0x143: {  	v3 =	vld [tilespmem:$0x300];
	_ =	sdelay $0x4  }
0x144: {  	v60 =	vshll.u32 v3, $0x3  }
0x145: {  	v3 =	vand.u32 $0x7, v3;
	v4 =	vand.u32 $0xFFFFFFC0, v60  }
0x146: {  	v3 =	vor.u32 v3, v4  }
0x147: {  	v4 =	vperm.xlane v3, v0;
	_ =	sdelay $0x1  }
0x148: {  	v4 =	vadd.s32 v1, v4;
	_ =	sdelay $0x4  }
0x149: {  	[hbm4b:s3+s2] =	stream.indirect_vreg.scatter [tilespmem:s26], [sflag:$0x1], $0x80, v4, vm0, $0xb8;
	[tilespmem:$0x10400] =	vst v63  }
0x14a: {  	s19 =	simm.s32 $0xC00;
	v3 =	vperm.xlane v3, v2  }
0x14b: {  	[hbm4b:s4+s2] =	stream.indirect_vreg.scatter [tilespmem:s19], [sflag:$0x1], $0x80, v4, vm0, $0xb8;
	[tilespmem:$0x10400] =	vst v63  }
0x14c: {  	v3 =	vadd.s32 v1, v3;
	s19 =	simm.s32 $0x1400  }
0x14d: {  	[hbm4b:s5+s2] =	stream.indirect_vreg.scatter [tilespmem:s19], [sflag:$0x1], $0x80, v4, vm0, $0xb8;
	[tilespmem:$0x10400] =	vst v63  }
0x14e: {  	s17 =	simm.s32 $0x1C00  }
0x14f: {  	[hbm4b:s6+s2] =	stream.indirect_vreg.scatter [tilespmem:s17], [sflag:$0x1], $0x80, v4, vm0, $0xb8;
	[tilespmem:$0x10400] =	vst v63  }
0x150: {  	s10 =	simm.s32 $0x2400  }
0x151: {  	[hbm4b:s3+s2] =	stream.indirect_vreg.scatter [tilespmem:s10], [sflag:$0x1], $0x80, v3, vm0, $0xb8;
	[tilespmem:$0x10400] =	vst v63  }
0x152: {  	s11 =	simm.s32 $0x2C00  }
0x153: {  	[hbm4b:s4+s2] =	stream.indirect_vreg.scatter [tilespmem:s11], [sflag:$0x1], $0x80, v3, vm0, $0xb8;
	[tilespmem:$0x10400] =	vst v63  }
0x154: {  	s17 =	simm.s32 $0x3400  }
0x155: {  	[hbm4b:s5+s2] =	stream.indirect_vreg.scatter [tilespmem:s17], [sflag:$0x1], $0x80, v3, vm0, $0xb8;
	[tilespmem:$0x10400] =	vst v63  }
0x156: {  	s19 =	simm.s32 $0x3C00  }
0x157: {  	[hbm4b:s6+s2] =	stream.indirect_vreg.scatter [tilespmem:s19], [sflag:$0x1], $0x80, v3, vm0, $0xb8;
	[tilespmem:$0x10400] =	vst v63  }
0x158: {  	v3 =	vld [tilespmem:$0x310];
	_ =	sdelay $0x4  }
0x159: {  	v61 =	vshll.u32 v3, $0x3  }
0x15a: {  	v3 =	vand.u32 $0x7, v3;
	v4 =	vand.u32 $0xFFFFFFC0, v61  }
0x15b: {  	v3 =	vor.u32 v3, v4  }
0x15c: {  	v4 =	vperm.xlane v3, v0;
	_ =	sdelay $0x1  }
0x15d: {  	v4 =	vadd.s32 v1, v4;
	_ =	sdelay $0x3  }
0x15e: {  	s11 =	simm.s32 $0x4400  }
0x15f: {  	[hbm4b:s3+s2] =	stream.indirect_vreg.scatter [tilespmem:s11], [sflag:$0x1], $0x80, v4, vm0, $0xb8;
	[tilespmem:$0x10400] =	vst v63  }
0x160: {  	s16 =	simm.s32 $0x4C00;
	v3 =	vperm.xlane v3, v2  }
0x161: {  	[hbm4b:s4+s2] =	stream.indirect_vreg.scatter [tilespmem:s16], [sflag:$0x1], $0x80, v4, vm0, $0xb8;
	[tilespmem:$0x10400] =	vst v63  }
0x162: {  	s24 =	simm.s32 $0x5400;
	v3 =	vadd.s32 v1, v3  }
0x163: {  	[hbm4b:s5+s2] =	stream.indirect_vreg.scatter [tilespmem:s24], [sflag:$0x1], $0x80, v4, vm0, $0xb8;
	[tilespmem:$0x10400] =	vst v63  }
0x164: {  	s12 =	simm.s32 $0x5C00  }
0x165: {  	[hbm4b:s6+s2] =	stream.indirect_vreg.scatter [tilespmem:s12], [sflag:$0x1], $0x80, v4, vm0, $0xb8;
	[tilespmem:$0x10400] =	vst v63  }
0x166: {  	s13 =	simm.s32 $0x6400  }
0x167: {  	[hbm4b:s3+s2] =	stream.indirect_vreg.scatter [tilespmem:s13], [sflag:$0x1], $0x80, v3, vm0, $0xb8;
	[tilespmem:$0x10400] =	vst v63  }
0x168: {  	s14 =	simm.s32 $0x6C00  }
0x169: {  	[hbm4b:s4+s2] =	stream.indirect_vreg.scatter [tilespmem:s14], [sflag:$0x1], $0x80, v3, vm0, $0xb8;
	[tilespmem:$0x10400] =	vst v63  }
0x16a: {  	s15 =	simm.s32 $0x7400  }
0x16b: {  	[hbm4b:s5+s2] =	stream.indirect_vreg.scatter [tilespmem:s15], [sflag:$0x1], $0x80, v3, vm0, $0xb8;
	[tilespmem:$0x10400] =	vst v63  }
0x16c: {  	s20 =	simm.s32 $0x7C00  }
0x16d: {  	[hbm4b:s6+s2] =	stream.indirect_vreg.scatter [tilespmem:s20], [sflag:$0x1], $0x80, v3, vm0, $0xb8;
	[tilespmem:$0x10400] =	vst v63  }
0x16e: {  	_ =	swait.ge [sflag:s18], $0x8000  }
0x16f: {  	[sflag:s18] =	ssyncset.done $0x0  }
0x170: {  	s17 =	rddreg [dreg:$0xa];
	[sflag:s18] =	ssyncadd.s32 $0xFFFF8000  }
0x171: {  	[tilespmem:s25], [sflag:$0x2] =	stream.linear.gather [hbm4b:s17+s2], $0x8000, $0x38;
	[tilespmem:$0x10400] =	vst v63  }
0x172: {  	_ =	swait.ge [sflag:s8], $0x8000  }
0x173: {  	[sflag:s8] =	ssyncset.done $0x0  }
0x174: {  	[sflag:s8] =	ssyncadd.s32 $0xFFFF8000  }
0x175: {  	v3 =	vld [tilespmem:$0x380];
	_ =	sdelay $0x4  }
0x176: {  	v62 =	vshll.u32 v3, $0x3  }
0x177: {  	v3 =	vand.u32 $0x7, v3;
	v4 =	vand.u32 $0xFFFFFFC0, v62  }
0x178: {  	v3 =	vor.u32 v3, v4  }
0x179: {  	v4 =	vperm.xlane v3, v0;
	_ =	sdelay $0x1  }
0x17a: {  	v4 =	vadd.s32 v1, v4;
	_ =	sdelay $0x4  }
0x17b: {  	[hbm4b:s3+s2] =	stream.indirect_vreg.scatter [tilespmem:s25], [sflag:$0x1], $0x80, v4, vm0, $0xb8;
	[tilespmem:$0x10400] =	vst v63  }
0x17c: {  	s20 =	simm.s32 $0x8C00;
	v3 =	vperm.xlane v3, v2  }
0x17d: {  	[hbm4b:s4+s2] =	stream.indirect_vreg.scatter [tilespmem:s20], [sflag:$0x1], $0x80, v4, vm0, $0xb8;
	[tilespmem:$0x10400] =	vst v63  }
0x17e: {  	s0 =	simm.s32 $0x9400;
	v3 =	vadd.s32 v1, v3  }
0x17f: {  	[hbm4b:s5+s2] =	stream.indirect_vreg.scatter [tilespmem:s0], [sflag:$0x1], $0x80, v4, vm0, $0xb8;
	[tilespmem:$0x10400] =	vst v63  }
0x180: {  	s1 =	simm.s32 $0x9C00  }
0x181: {  	[hbm4b:s6+s2] =	stream.indirect_vreg.scatter [tilespmem:s1], [sflag:$0x1], $0x80, v4, vm0, $0xb8;
	[tilespmem:$0x10400] =	vst v63  }
0x182: {  	s9 =	simm.s32 $0xA400  }
0x183: {  	[hbm4b:s3+s2] =	stream.indirect_vreg.scatter [tilespmem:s9], [sflag:$0x1], $0x80, v3, vm0, $0xb8;
	[tilespmem:$0x10400] =	vst v63  }
0x184: {  	s29 =	simm.s32 $0xAC00  }
0x185: {  	[hbm4b:s4+s2] =	stream.indirect_vreg.scatter [tilespmem:s29], [sflag:$0x1], $0x80, v3, vm0, $0xb8;
	[tilespmem:$0x10400] =	vst v63  }
0x186: {  	s30 =	simm.s32 $0xB400  }
0x187: {  	[hbm4b:s5+s2] =	stream.indirect_vreg.scatter [tilespmem:s30], [sflag:$0x1], $0x80, v3, vm0, $0xb8;
	[tilespmem:$0x10400] =	vst v63  }
0x188: {  	s24 =	simm.s32 $0xBC00  }
0x189: {  	[hbm4b:s6+s2] =	stream.indirect_vreg.scatter [tilespmem:s24], [sflag:$0x1], $0x80, v3, vm0, $0xb8;
	[tilespmem:$0x10400] =	vst v63  }
0x18a: {  	v3 =	vld [tilespmem:$0x390];
	_ =	sdelay $0x4  }
0x18b: {  	v63 =	vshll.u32 v3, $0x3  }
0x18c: {  	v3 =	vand.u32 $0x7, v3;
	v4 =	vand.u32 $0xFFFFFFC0, v63  }
0x18d: {  	v3 =	vor.u32 v3, v4  }
0x18e: {  	v4 =	vperm.xlane v3, v0;
	_ =	sdelay $0x1  }
0x18f: {  	v4 =	vadd.s32 v1, v4;
	_ =	sdelay $0x3  }
0x190: {  	s29 =	simm.s32 $0xC400  }
0x191: {  	[hbm4b:s3+s2] =	stream.indirect_vreg.scatter [tilespmem:s29], [sflag:$0x1], $0x80, v4, vm0, $0xb8;
	[tilespmem:$0x10400] =	vst v63  }
0x192: {  	s30 =	simm.s32 $0xCC00;
	v3 =	vperm.xlane v3, v2  }
0x193: {  	[hbm4b:s4+s2] =	stream.indirect_vreg.scatter [tilespmem:s30], [sflag:$0x1], $0x80, v4, vm0, $0xb8;
	[tilespmem:$0x10400] =	vst v63  }
0x194: {  	s28 =	simm.s32 $0xD400;
	v3 =	vadd.s32 v1, v3  }
0x195: {  	[hbm4b:s5+s2] =	stream.indirect_vreg.scatter [tilespmem:s28], [sflag:$0x1], $0x80, v4, vm0, $0xb8;
	[tilespmem:$0x10400] =	vst v63  }
0x196: {  	s31 =	simm.s32 $0xDC00  }
0x197: {  	[hbm4b:s6+s2] =	stream.indirect_vreg.scatter [tilespmem:s31], [sflag:$0x1], $0x80, v4, vm0, $0xb8;
	[tilespmem:$0x10400] =	vst v63  }
0x198: {  	s31 =	simm.s32 $0xE400  }
0x199: {  	[hbm4b:s3+s2] =	stream.indirect_vreg.scatter [tilespmem:s31], [sflag:$0x1], $0x80, v3, vm0, $0xb8;
	[tilespmem:$0x10400] =	vst v63  }
0x19a: {  	s21 =	simm.s32 $0xEC00  }
0x19b: {  	[hbm4b:s4+s2] =	stream.indirect_vreg.scatter [tilespmem:s21], [sflag:$0x1], $0x80, v3, vm0, $0xb8;
	[tilespmem:$0x10400] =	vst v63  }
0x19c: {  	s22 =	simm.s32 $0xF400  }
0x19d: {  	[hbm4b:s5+s2] =	stream.indirect_vreg.scatter [tilespmem:s22], [sflag:$0x1], $0x80, v3, vm0, $0xb8;
	[tilespmem:$0x10400] =	vst v63  }
0x19e: {  	s23 =	simm.s32 $0xFC00  }
0x19f: {  	[hbm4b:s6+s2] =	stream.indirect_vreg.scatter [tilespmem:s23], [sflag:$0x1], $0x80, v3, vm0, $0xb8;
	[tilespmem:$0x10400] =	vst v63  }
0x1a0: {  	p0 =	sne.s32 s7, $0x1;
	_ =	swait.ge [sflag:s18], $0x8000  }
.Ltmp0:
0x1a1: {  	[sflag:s18] =	ssyncset.done $0x0;
	(pc) =	sbr.rel @p0 .LBB2_1-.Ltmp0, $4  }
0x1a2: {  	[sflag:s18] =	ssyncadd.s32 $0xFFFF8000  }
0x1a3: {  	_ =	swait.ge [sflag:s18], $0x8000  }
0x1a4: {  	[sflag:s18] =	ssyncset.done $0x0  }
0x1a5: {  	s7 =	sadd.s32 $0xFFFFFFFF, s7;
	[sflag:s18] =	ssyncadd.s32 $0xFFFF8000  }
0x1a6: {  	_ =	sfence.sel $0x180000  }
0x1a7: {  	[bflag:$0x0] =	sbarrier.arrive $0xFFFF  }
0x1a8: {  	_ =	strace $0x90000047  }
0x1a9: {  	s0 =	stileid.u32;
	[bflag:$0x2] =	sbarrier.arrive $0xFFFF  }
0x1aa: {  	p0 =	sne.s32 s0, $0x0;
	s0 =	rddreg [dreg:$0x1]  }
0x1ab: {  	s0 =	sadd.s32 @!p0 $0x100000, s0  }
0x1ac: {  	[sflag:s0] =	ssyncadd.tile.s32 @!p0 $0x1;
	_ =	shalt  }
.Lfunc_end2:
_tile_overlayer_lowered:
.L_overlay_start_2:
0x1ad: {  	(tag) =	ssettag $0x2  }
0x1ae: {  	s0 =	rddreg [dreg:$0x0];
	s2 =	stileid.u32  }
0x1af: {  	s1 =	rddreg [dreg:$0x1];
	p0 =	sne.s32 s2, $0x0  }
0x1b0: {  	s3 =	rddreg [dreg:$0x2];
	[bflag:$0x3] =	sbarrier.arrive $0xFFFF;
	s2 =	simm.s32 @!p0 $0x1C02  }
0x1b1: {  	[timem:s3], [sflag:s2] =	dma.local @!p0 [hbm:s0], s1  }
0x1b2: {  	s0 =	simm.s32 @!p0 $0x2  }
0x1b3: {  	_ =	swait.ge @!p0 [sflag:s0], s1  }
0x1b4: {  	s1 =	ssub.s32 @!p0 $0x0, s1;
	[sflag:s0] =	ssyncset.done @!p0 $0x0  }
0x1b5: {  	[sflag:s0] =	ssyncadd.s32 @!p0 s1  }
0x1b6: {  	[bflag:$0x3] =	sbarrier.arrive $0xFFFF  }
0x1b7: {  	_ =	shalt  }

</sc_bundles>
